<compile_context>
chip_gen: v7x
topology: tpu7x:2x2x1
jax: 0.10.2.dev20260603
libtpu: 0.0.44.dev20260713+nightly
codegen_flags: <defaults>
</compile_context>

<pallas_src>
import functools

import jax
import jax.numpy as jnp
from jax import lax
from jax.experimental import pallas as pl
from jax.experimental.pallas import tpu as pltpu
from jax.experimental.pallas import tpu_sc as plsc

_CH = 128
_BLK = 16


@functools.lru_cache(maxsize=None)
def _make_seg_sum(N, D, cpw, NC, NS):
    NPAD = N + 16
    RPS = 8 * (-(-N // (NS * 8)))
    LAST = N - (NS - 1) * RPS
    LASTP = NPAD - (NS - 1) * RPS
    mesh = plsc.VectorSubcoreMesh(core_axis_name="c", subcore_axis_name="s")

    nblk = cpw // _BLK
    BLKO = _BLK + 8

    @functools.partial(
        pl.kernel,
        out_type=jax.ShapeDtypeStruct((NC, N, D), jnp.float32),
        mesh=mesh,
        scratch_types=[
            pltpu.VMEM_SHARED((NPAD, D), jnp.float32),
            pltpu.VMEM((2, BLKO, _CH), jnp.int32),
            pltpu.VMEM((2, BLKO, _CH), jnp.int32),
            pltpu.VMEM((2, _CH, D), jnp.float32),
            pltpu.SemaphoreType.DMA,
            pltpu.SemaphoreType.DMA,
            pltpu.SemaphoreType.DMA,
            pltpu.SemaphoreType.DMA,
        ],
    )
    def seg_sum(h_hbm, zeros_hbm, src_hbm, dst_hbm, out_hbm,
                acc, sidx, didx, rows, gsem0, gsem1, isem, nsem):
        c = lax.axis_index("c")
        s = lax.axis_index("s")
        wid = s * NC + c

        @pl.when(jnp.logical_and(c == 0, s < NS - 1))
        def _():
            pltpu.async_copy(h_hbm.at[pl.ds(s * RPS, RPS)],
                             acc.at[pl.ds(s * RPS, RPS)], nsem)

        @pl.when(jnp.logical_and(c == 0, s == NS - 1))
        def _():
            pltpu.async_copy(h_hbm.at[pl.ds((NS - 1) * RPS, LAST)],
                             acc.at[pl.ds((NS - 1) * RPS, LAST)], nsem)
            pltpu.async_copy(zeros_hbm.at[pl.ds(0, NPAD - N)],
                             acc.at[pl.ds(N, NPAD - N)], nsem)

        @pl.when(jnp.logical_and(c != 0, s < NS - 1))
        def _():
            pltpu.async_copy(zeros_hbm.at[pl.ds(s * RPS, RPS)],
                             acc.at[pl.ds(s * RPS, RPS)], nsem)

        @pl.when(jnp.logical_and(c != 0, s == NS - 1))
        def _():
            pltpu.async_copy(zeros_hbm.at[pl.ds((NS - 1) * RPS, LASTP)],
                             acc.at[pl.ds((NS - 1) * RPS, LASTP)], nsem)

        base = wid * cpw
        pltpu.sync_copy(src_hbm.at[pl.ds(base, BLKO)], sidx.at[0])
        pltpu.sync_copy(dst_hbm.at[pl.ds(base, BLKO)], didx.at[0])
        pltpu.async_copy(h_hbm.at[sidx.at[0, 0]], rows.at[0], gsem0)
        pltpu.async_copy(h_hbm.at[sidx.at[0, 1]], rows.at[1], gsem1)

        @pl.when(jnp.logical_and(c == 0, s < NS - 1))
        def _():
            pltpu.make_async_copy(h_hbm.at[pl.ds(s * RPS, RPS)],
                                  acc.at[pl.ds(s * RPS, RPS)], nsem).wait()

        @pl.when(jnp.logical_and(c == 0, s == NS - 1))
        def _():
            pltpu.make_async_copy(
                h_hbm.at[pl.ds((NS - 1) * RPS, LAST)],
                acc.at[pl.ds((NS - 1) * RPS, LAST)], nsem).wait()
            pltpu.make_async_copy(zeros_hbm.at[pl.ds(0, NPAD - N)],
                                  acc.at[pl.ds(N, NPAD - N)], nsem).wait()

        @pl.when(jnp.logical_and(c != 0, s < NS - 1))
        def _():
            pltpu.make_async_copy(zeros_hbm.at[pl.ds(s * RPS, RPS)],
                                  acc.at[pl.ds(s * RPS, RPS)], nsem).wait()

        @pl.when(jnp.logical_and(c != 0, s == NS - 1))
        def _():
            pltpu.make_async_copy(
                zeros_hbm.at[pl.ds((NS - 1) * RPS, LASTP)],
                acc.at[pl.ds((NS - 1) * RPS, LASTP)], nsem).wait()

        plsc.subcore_barrier()

        def outer(k, carry):
            kb = lax.rem(k, 2)
            nkb = 1 - kb

            @pl.when(k > 0)
            def _():
                pltpu.make_async_copy(src_hbm.at[pl.ds(0, BLKO)],
                                      sidx.at[kb], isem).wait()
                pltpu.make_async_copy(dst_hbm.at[pl.ds(0, BLKO)],
                                      didx.at[kb], isem).wait()

            @pl.when(k + 1 < nblk)
            def _():
                off = base + (k + 1) * _BLK
                pltpu.async_copy(src_hbm.at[pl.ds(off, BLKO)],
                                 sidx.at[nkb], isem)
                pltpu.async_copy(dst_hbm.at[pl.ds(off, BLKO)],
                                 didx.at[nkb], isem)

            def inner(p, carry2):
                j = 2 * p
                pltpu.make_async_copy(
                    h_hbm.at[sidx.at[kb, j]], rows.at[0], gsem0).wait()
                pltpu.sync_copy(rows.at[0], acc.at[didx.at[kb, j]], add=True)
                pltpu.async_copy(h_hbm.at[sidx.at[kb, j + 2]], rows.at[0],
                                 gsem0)
                pltpu.make_async_copy(
                    h_hbm.at[sidx.at[kb, j + 1]], rows.at[1], gsem1).wait()
                pltpu.sync_copy(rows.at[1], acc.at[didx.at[kb, j + 1]],
                                add=True)
                pltpu.async_copy(h_hbm.at[sidx.at[kb, j + 3]], rows.at[1],
                                 gsem1)
                return carry2

            lax.fori_loop(0, _BLK // 2, inner, 0)
            return carry

        lax.fori_loop(0, nblk, outer, 0)
        pltpu.make_async_copy(h_hbm.at[sidx.at[0, 0]], rows.at[0],
                              gsem0).wait()
        pltpu.make_async_copy(h_hbm.at[sidx.at[0, 1]], rows.at[1],
                              gsem1).wait()
        plsc.subcore_barrier()

        @pl.when(s < NS - 1)
        def _():
            pltpu.sync_copy(acc.at[pl.ds(s * RPS, RPS)],
                            out_hbm.at[c, pl.ds(s * RPS, RPS)])

        @pl.when(s == NS - 1)
        def _():
            pltpu.sync_copy(acc.at[pl.ds((NS - 1) * RPS, LAST)],
                            out_hbm.at[c, pl.ds((NS - 1) * RPS, LAST)])

    return seg_sum


@functools.lru_cache(maxsize=None)
def _make_gin_matmul(N, D, BN):
    def body(p_ref, w_ref, b_ref, o_ref):
        ss = p_ref[0] + p_ref[1]
        o_ref[...] = jnp.maximum(
            jnp.dot(ss, w_ref[...], preferred_element_type=jnp.float32)
            + b_ref[...], 0.0)

    return pl.pallas_call(
        body,
        grid=(N // BN,),
        in_specs=[
            pl.BlockSpec((2, BN, D), lambda i: (0, i, 0)),
            pl.BlockSpec((D, D), lambda i: (0, 0)),
            pl.BlockSpec((1, D), lambda i: (0, 0)),
        ],
        out_specs=pl.BlockSpec((BN, D), lambda i: (i, 0)),
        out_shape=jax.ShapeDtypeStruct((N, D), jnp.float32),
    )


@functools.lru_cache(maxsize=None)
def _make_partial_out(N, D, O, BN):
    def body(x1_ref, x2_ref, wo1_ref, wo2_ref, bo_ref, o_ref):
        o_ref[...] = (
            jnp.dot(x1_ref[...], wo1_ref[...],
                    preferred_element_type=jnp.float32)
            + jnp.dot(x2_ref[...], wo2_ref[...],
                      preferred_element_type=jnp.float32)
            + bo_ref[...])

    return pl.pallas_call(
        body,
        grid=(N // BN,),
        in_specs=[
            pl.BlockSpec((BN, D), lambda i: (i, 0)),
            pl.BlockSpec((BN, D), lambda i: (i, 0)),
            pl.BlockSpec((D, O), lambda i: (0, 0)),
            pl.BlockSpec((D, O), lambda i: (0, 0)),
            pl.BlockSpec((1, O), lambda i: (0, 0)),
        ],
        out_specs=pl.BlockSpec((BN, O), lambda i: (i, 0)),
        out_shape=jax.ShapeDtypeStruct((N, O), jnp.float32),
    )


@functools.lru_cache(maxsize=None)
def _make_final(N, D, O, BN):
    def body(p_ref, w3_ref, b3_ref, part_ref, wo3_ref, o_ref):
        x3 = jnp.maximum(
            jnp.dot(p_ref[0] + p_ref[1], w3_ref[...],
                    preferred_element_type=jnp.float32) + b3_ref[...], 0.0)
        o_ref[...] = part_ref[...] + jnp.dot(
            x3, wo3_ref[...], preferred_element_type=jnp.float32)

    return pl.pallas_call(
        body,
        grid=(N // BN,),
        in_specs=[
            pl.BlockSpec((2, BN, D), lambda i: (0, i, 0)),
            pl.BlockSpec((D, D), lambda i: (0, 0)),
            pl.BlockSpec((1, D), lambda i: (0, 0)),
            pl.BlockSpec((BN, O), lambda i: (i, 0)),
            pl.BlockSpec((D, O), lambda i: (0, 0)),
        ],
        out_specs=pl.BlockSpec((BN, O), lambda i: (i, 0)),
        out_shape=jax.ShapeDtypeStruct((N, O), jnp.float32),
    )


def kernel(x, edge_index, W1, b1, W2, b2, W3, b3, Wout, bout):
    N, D = x.shape
    E = edge_index.shape[1]
    O = Wout.shape[1]
    NC, NS = 2, 16
    NW = NC * NS
    cpw = 8 * (-(-E // (NW * _CH * 8)))
    Epad = cpw * NW * _CH
    NPAD = N + 16

    src = edge_index[0]
    dst = edge_index[1]
    pad = Epad - E + 8 * _CH
    spread = jnp.arange(pad, dtype=jnp.int32)
    src_p = jnp.concatenate(
        [src, (spread * 37) % N]).reshape(-1, _CH)
    dst_p = jnp.concatenate(
        [dst, N + spread % 16]).reshape(-1, _CH)
    zeros = jnp.zeros((NPAD, D), jnp.float32)

    seg = _make_seg_sum(N, D, cpw, NC, NS)
    mm = _make_gin_matmul(N, D, 1000)
    po = _make_partial_out(N, D, O, 1000)
    fin = _make_final(N, D, O, 1000)

    p1 = seg(x, zeros, src_p, dst_p)
    x1 = mm(p1, W1, b1.reshape(1, D))
    p2 = seg(x1, zeros, src_p, dst_p)
    x2 = mm(p2, W2, b2.reshape(1, D))
    p3 = seg(x2, zeros, src_p, dst_p)
    part = po(x1, x2, Wout[:D], Wout[D:2 * D], bout.reshape(1, O))
    out = fin(p3, W3, b3.reshape(1, D), part, Wout[2 * D:])
    return out

# --- scband reference (transcript-rebuilt; emitter-appended) ---
"""Pipeline reference for scband-gnn-85375359910351 (READ-ONLY COPY).

The authoritative reference and input builder live on the scoring server;
editing this copy changes nothing except your own understanding.
"""

import jax, jax.numpy as jnp
import numpy as np

N = 10000
E = 320000
D = 128
H = 128
O = 128

def setup_inputs(seed: int = 0) -> dict:
    key = jax.random.key(seed)
    ks = jax.random.split(key, 12)
    def lin(k, fan_in, fan_out):
        s = 1.0 / np.sqrt(fan_in)
        kw, kb = jax.random.split(k)
        W = jax.random.uniform(kw, (fan_in, fan_out), minval=-s, maxval=s, dtype=jnp.float32)
        b = jax.random.uniform(kb, (fan_out,), minval=-s, maxval=s, dtype=jnp.float32)
        return W, b
    W1, b1 = lin(ks[2], D, H)
    W2, b2 = lin(ks[3], H, H)
    W3, b3 = lin(ks[4], H, H)
    Wout, bout = lin(ks[5], 3 * H, O)
    return {
        'x': jax.random.normal(ks[0], (N, D), dtype=jnp.float32),
        'edge_index': jax.random.randint(ks[1], (2, E), 0, N, dtype=jnp.int32),
        'W1': W1, 'b1': b1,
        'W2': W2, 'b2': b2,
        'W3': W3, 'b3': b3,
        'Wout': Wout, 'bout': bout,
    }

def reference(x, edge_index, W1, b1, W2, b2, W3, b3, Wout, bout):
    # GIN layer: h_i = ReLU(Linear((1+eps)*x_i + sum_{j->i} x_j)), eps=0
    src = edge_index[0]
    dst = edge_index[1]
    def gin(h, W, b):
        msgs = jnp.take(h, src, axis=0)                      # gather (SparseCore)
        agg = jax.ops.segment_sum(msgs, dst, num_segments=h.shape[0])  # scatter-add
        return jax.nn.relu((h + agg) @ W + b)
    x1 = gin(x, W1, b1)
    x2 = gin(x1, W2, b2)
    x3 = gin(x2, W3, b3)
    h = jnp.concatenate([x1, x2, x3], axis=1)
    out = h @ Wout + bout
    # dropout is identity in eval mode / p=0.0
    return out

if __name__ == "__main__":
    import jax
    _d = setup_inputs()
    print(jax.jit(kernel)(*tuple(_d.values())))

</pallas_src>

<mosaic_0001>
#map = affine_map<(d0, d1) -> (0, 0)>
#map1 = affine_map<(d0, d1) -> (0, 0, 0)>
module attributes {stable_mosaic.version = 14 : i64} {
  func.func @seg_sum(%arg0: i32, %arg1: i32, %arg2: memref<10000x128xf32, #tpu.memory_space<hbm>>, %arg3: memref<10016x128xf32, #tpu.memory_space<hbm>>, %arg4: memref<2568x128xi32, #tpu.memory_space<hbm>>, %arg5: memref<2568x128xi32, #tpu.memory_space<hbm>>, %arg6: memref<2x10000x128xf32, #tpu.memory_space<hbm>>, %arg7: memref<10016x128xf32, #tpu.memory_space<vmem_shared>>, %arg8: memref<2x24x128xi32, #tpu.memory_space<vmem>>, %arg9: memref<2x24x128xi32, #tpu.memory_space<vmem>>, %arg10: memref<2x128x128xf32, #tpu.memory_space<vmem>>, %arg11: memref<!tpu.dma_semaphore, #tpu.memory_space<semaphore_mem>>, %arg12: memref<!tpu.dma_semaphore, #tpu.memory_space<semaphore_mem>>, %arg13: memref<!tpu.dma_semaphore, #tpu.memory_space<semaphore_mem>>, %arg14: memref<!tpu.dma_semaphore, #tpu.memory_space<semaphore_mem>>) attributes {dimension_semantics = [#tpu.dimension_semantics<core_parallel>, #tpu.dimension_semantics<subcore_parallel>], iteration_bounds = array<i64: 2, 16>, scalar_prefetch = 0 : i64, scratch_operands = 8 : i64, tpu.core_type = #tpu.core_type<sc_vector_subcore>, window_params = [{transform_indices = #map}, {transform_indices = #map}, {transform_indices = #map}, {transform_indices = #map}, {transform_indices = #map1}]} {
    %mul3A = arith.constant 2 : i32
    %mul3A_0 = arith.muli %arg1, %mul3A : i32
    %add3A = arith.addi %mul3A_0, %arg0 : i32
    %eq3A = arith.constant 0 : i32
    %eq3A_1 = arith.cmpi eq, %arg0, %eq3A : i32
    %lt3A = arith.constant 15 : i32
    %lt3A_2 = arith.cmpi slt, %arg1, %lt3A : i32
    %and3A = arith.andi %eq3A_1, %lt3A_2 : i1
    %convert_element_type3A = arith.extui %and3A : i1 to i32
    %cond3A = arith.constant 0 : i32
    %cond3A_3 = arith.cmpi ne, %convert_element_type3A, %cond3A : i32
    scf.if %cond3A_3 {
      %mul3A_128 = arith.constant 632 : i32
      %mul3A_129 = arith.muli %arg1, %mul3A_128 : i32
      %mul3A_130 = arith.constant 632 : i32
      %mul3A_131 = arith.muli %arg1, %mul3A_130 : i32
      %dma_start3A_132 = arith.constant 0 : i32
      %dma_start3A_133 = tpu.memref_slice %arg7[%mul3A_131, %dma_start3A_132] : memref<10016x128xf32, #tpu.memory_space<vmem_shared>> -> memref<632x128xf32, #tpu.memory_space<vmem_shared>>
      %dma_start3A_134 = arith.constant 0 : i32
      %dma_start3A_135 = tpu.memref_slice %arg2[%mul3A_129, %dma_start3A_134] : memref<10000x128xf32, #tpu.memory_space<hbm>> -> memref<632x128xf32, #tpu.memory_space<hbm>>
      tpu.enqueue_dma source(%dma_start3A_135 : memref<632x128xf32, #tpu.memory_space<hbm>>) target(%dma_start3A_133 : memref<632x128xf32, #tpu.memory_space<vmem_shared>>) target_semaphore(%arg14 : memref<!tpu.dma_semaphore, #tpu.memory_space<semaphore_mem>>)
    } else {
    }
    %eq3A_4 = arith.constant 0 : i32
    %eq3A_5 = arith.cmpi eq, %arg0, %eq3A_4 : i32
    %eq3A_6 = arith.constant 15 : i32
    %eq3A_7 = arith.cmpi eq, %arg1, %eq3A_6 : i32
    %and3A_8 = arith.andi %eq3A_5, %eq3A_7 : i1
    %convert_element_type3A_9 = arith.extui %and3A_8 : i1 to i32
    %cond3A_10 = arith.constant 0 : i32
    %cond3A_11 = arith.cmpi ne, %convert_element_type3A_9, %cond3A_10 : i32
    scf.if %cond3A_11 {
      %dma_start3A_128 = arith.constant 9480 : i32
      %dma_start3A_129 = arith.constant 0 : i32
      %dma_start3A_130 = tpu.memref_slice %arg7[%dma_start3A_128, %dma_start3A_129] : memref<10016x128xf32, #tpu.memory_space<vmem_shared>> -> memref<520x128xf32, #tpu.memory_space<vmem_shared>>
      %dma_start3A_131 = arith.constant 9480 : i32
      %dma_start3A_132 = arith.constant 0 : i32
      %dma_start3A_133 = tpu.memref_slice %arg2[%dma_start3A_131, %dma_start3A_132] : memref<10000x128xf32, #tpu.memory_space<hbm>> -> memref<520x128xf32, #tpu.memory_space<hbm>>
      tpu.enqueue_dma source(%dma_start3A_133 : memref<520x128xf32, #tpu.memory_space<hbm>>) target(%dma_start3A_130 : memref<520x128xf32, #tpu.memory_space<vmem_shared>>) target_semaphore(%arg14 : memref<!tpu.dma_semaphore, #tpu.memory_space<semaphore_mem>>)
      %dma_start3A_134 = arith.constant 10000 : i32
      %dma_start3A_135 = arith.constant 0 : i32
      %dma_start3A_136 = tpu.memref_slice %arg7[%dma_start3A_134, %dma_start3A_135] : memref<10016x128xf32, #tpu.memory_space<vmem_shared>> -> memref<16x128xf32, #tpu.memory_space<vmem_shared>>
      %dma_start3A_137 = arith.constant 0 : i32
      %dma_start3A_138 = arith.constant 0 : i32
      %dma_start3A_139 = tpu.memref_slice %arg3[%dma_start3A_137, %dma_start3A_138] : memref<10016x128xf32, #tpu.memory_space<hbm>> -> memref<16x128xf32, #tpu.memory_space<hbm>>
      tpu.enqueue_dma source(%dma_start3A_139 : memref<16x128xf32, #tpu.memory_space<hbm>>) target(%dma_start3A_136 : memref<16x128xf32, #tpu.memory_space<vmem_shared>>) target_semaphore(%arg14 : memref<!tpu.dma_semaphore, #tpu.memory_space<semaphore_mem>>)
    } else {
    }
    %ne3A = arith.constant 0 : i32
    %ne3A_12 = arith.cmpi ne, %arg0, %ne3A : i32
    %lt3A_13 = arith.constant 15 : i32
    %lt3A_14 = arith.cmpi slt, %arg1, %lt3A_13 : i32
    %and3A_15 = arith.andi %ne3A_12, %lt3A_14 : i1
    %convert_element_type3A_16 = arith.extui %and3A_15 : i1 to i32
    %cond3A_17 = arith.constant 0 : i32
    %cond3A_18 = arith.cmpi ne, %convert_element_type3A_16, %cond3A_17 : i32
    scf.if %cond3A_18 {
      %mul3A_128 = arith.constant 632 : i32
      %mul3A_129 = arith.muli %arg1, %mul3A_128 : i32
      %mul3A_130 = arith.constant 632 : i32
      %mul3A_131 = arith.muli %arg1, %mul3A_130 : i32
      %dma_start3A_132 = arith.constant 0 : i32
      %dma_start3A_133 = tpu.memref_slice %arg7[%mul3A_131, %dma_start3A_132] : memref<10016x128xf32, #tpu.memory_space<vmem_shared>> -> memref<632x128xf32, #tpu.memory_space<vmem_shared>>
      %dma_start3A_134 = arith.constant 0 : i32
      %dma_start3A_135 = tpu.memref_slice %arg3[%mul3A_129, %dma_start3A_134] : memref<10016x128xf32, #tpu.memory_space<hbm>> -> memref<632x128xf32, #tpu.memory_space<hbm>>
      tpu.enqueue_dma source(%dma_start3A_135 : memref<632x128xf32, #tpu.memory_space<hbm>>) target(%dma_start3A_133 : memref<632x128xf32, #tpu.memory_space<vmem_shared>>) target_semaphore(%arg14 : memref<!tpu.dma_semaphore, #tpu.memory_space<semaphore_mem>>)
    } else {
    }
    %ne3A_19 = arith.constant 0 : i32
    %ne3A_20 = arith.cmpi ne, %arg0, %ne3A_19 : i32
    %eq3A_21 = arith.constant 15 : i32
    %eq3A_22 = arith.cmpi eq, %arg1, %eq3A_21 : i32
    %and3A_23 = arith.andi %ne3A_20, %eq3A_22 : i1
    %convert_element_type3A_24 = arith.extui %and3A_23 : i1 to i32
    %cond3A_25 = arith.constant 0 : i32
    %cond3A_26 = arith.cmpi ne, %convert_element_type3A_24, %cond3A_25 : i32
    scf.if %cond3A_26 {
      %dma_start3A_128 = arith.constant 9480 : i32
      %dma_start3A_129 = arith.constant 0 : i32
      %dma_start3A_130 = tpu.memref_slice %arg7[%dma_start3A_128, %dma_start3A_129] : memref<10016x128xf32, #tpu.memory_space<vmem_shared>> -> memref<536x128xf32, #tpu.memory_space<vmem_shared>>
      %dma_start3A_131 = arith.constant 9480 : i32
      %dma_start3A_132 = arith.constant 0 : i32
      %dma_start3A_133 = tpu.memref_slice %arg3[%dma_start3A_131, %dma_start3A_132] : memref<10016x128xf32, #tpu.memory_space<hbm>> -> memref<536x128xf32, #tpu.memory_space<hbm>>
      tpu.enqueue_dma source(%dma_start3A_133 : memref<536x128xf32, #tpu.memory_space<hbm>>) target(%dma_start3A_130 : memref<536x128xf32, #tpu.memory_space<vmem_shared>>) target_semaphore(%arg14 : memref<!tpu.dma_semaphore, #tpu.memory_space<semaphore_mem>>)
    } else {
    }
    %mul3A_27 = arith.constant 80 : i32
    %mul3A_28 = arith.muli %add3A, %mul3A_27 : i32
    %run_scoped3A = arith.constant 0 : i32
    "tpu.region"() ({
      %run_scoped3A_128 = tpu.sem_alloc : memref<!tpu.dma_semaphore, #tpu.memory_space<semaphore_mem>>
      %dma_start3A_129 = arith.constant 0 : i32
      %dma_start3A_130 = arith.constant 0 : i32
      %dma_start3A_131 = tpu.memref_slice %arg8[%run_scoped3A, %dma_start3A_129, %dma_start3A_130] : memref<2x24x128xi32, #tpu.memory_space<vmem>> -> memref<1x24x128xi32, #tpu.memory_space<vmem>>
      %dma_start3A_132 = tpu.memref_squeeze %dma_start3A_131 : memref<1x24x128xi32, #tpu.memory_space<vmem>> -> memref<24x128xi32, #tpu.memory_space<vmem>>
      %dma_start3A_133 = arith.constant 0 : i32
      %dma_start3A_134 = tpu.memref_slice %arg4[%mul3A_28, %dma_start3A_133] : memref<2568x128xi32, #tpu.memory_space<hbm>> -> memref<24x128xi32, #tpu.memory_space<hbm>>
      %dma_start3A_135 = arith.constant 0 : i32
      %dma_start3A_136 = arith.constant 0 : i32
      %dma_start3A_137 = tpu.memref_slice %arg8[%run_scoped3A, %dma_start3A_135, %dma_start3A_136] : memref<2x24x128xi32, #tpu.memory_space<vmem>> -> memref<1x24x128xi32, #tpu.memory_space<vmem>>
      %dma_start3A_138 = tpu.memref_squeeze %dma_start3A_137 : memref<1x24x128xi32, #tpu.memory_space<vmem>> -> memref<24x128xi32, #tpu.memory_space<vmem>>
      %dma_start3A_139 = arith.constant 0 : i32
      %dma_start3A_140 = tpu.memref_slice %arg4[%mul3A_28, %dma_start3A_139] : memref<2568x128xi32, #tpu.memory_space<hbm>> -> memref<24x128xi32, #tpu.memory_space<hbm>>
      tpu.enqueue_dma source(%dma_start3A_140 : memref<24x128xi32, #tpu.memory_space<hbm>>) target(%dma_start3A_138 : memref<24x128xi32, #tpu.memory_space<vmem>>) target_semaphore(%run_scoped3A_128 : memref<!tpu.dma_semaphore, #tpu.memory_space<semaphore_mem>>)
      %dma_wait3A_141 = arith.constant 0 : i32
      %dma_wait3A_142 = arith.constant 0 : i32
      %dma_wait3A_143 = tpu.memref_slice %arg8[%run_scoped3A, %dma_wait3A_141, %dma_wait3A_142] : memref<2x24x128xi32, #tpu.memory_space<vmem>> -> memref<1x24x128xi32, #tpu.memory_space<vmem>>
      %dma_wait3A_144 = tpu.memref_squeeze %dma_wait3A_143 : memref<1x24x128xi32, #tpu.memory_space<vmem>> -> memref<24x128xi32, #tpu.memory_space<vmem>>
      %dma_wait3A_145 = arith.constant 0 : i32
      %dma_wait3A_146 = tpu.memref_slice %arg4[%mul3A_28, %dma_wait3A_145] : memref<2568x128xi32, #tpu.memory_space<hbm>> -> memref<24x128xi32, #tpu.memory_space<hbm>>
      %dma_wait3A_147 = arith.constant 0 : i32
      %dma_wait3A_148 = arith.constant 0 : i32
      %dma_wait3A_149 = tpu.memref_slice %arg8[%run_scoped3A, %dma_wait3A_147, %dma_wait3A_148] : memref<2x24x128xi32, #tpu.memory_space<vmem>> -> memref<1x24x128xi32, #tpu.memory_space<vmem>>
      %dma_wait3A_150 = tpu.memref_squeeze %dma_wait3A_149 : memref<1x24x128xi32, #tpu.memory_space<vmem>> -> memref<24x128xi32, #tpu.memory_space<vmem>>
      %dma_wait3A_151 = arith.constant 0 : i32
      %dma_wait3A_152 = tpu.memref_slice %arg4[%mul3A_28, %dma_wait3A_151] : memref<2568x128xi32, #tpu.memory_space<hbm>> -> memref<24x128xi32, #tpu.memory_space<hbm>>
      tpu.wait_dma2 semaphore(%run_scoped3A_128 : memref<!tpu.dma_semaphore, #tpu.memory_space<semaphore_mem>>) src(%dma_wait3A_152 : memref<24x128xi32, #tpu.memory_space<hbm>>) dst(%dma_wait3A_150 : memref<24x128xi32, #tpu.memory_space<vmem>>)
      tpu.yield
    }) : () -> ()
    %run_scoped3A_29 = arith.constant 0 : i32
    "tpu.region"() ({
      %run_scoped3A_128 = tpu.sem_alloc : memref<!tpu.dma_semaphore, #tpu.memory_space<semaphore_mem>>
      %dma_start3A_129 = arith.constant 0 : i32
      %dma_start3A_130 = arith.constant 0 : i32
      %dma_start3A_131 = tpu.memref_slice %arg9[%run_scoped3A_29, %dma_start3A_129, %dma_start3A_130] : memref<2x24x128xi32, #tpu.memory_space<vmem>> -> memref<1x24x128xi32, #tpu.memory_space<vmem>>
      %dma_start3A_132 = tpu.memref_squeeze %dma_start3A_131 : memref<1x24x128xi32, #tpu.memory_space<vmem>> -> memref<24x128xi32, #tpu.memory_space<vmem>>
      %dma_start3A_133 = arith.constant 0 : i32
      %dma_start3A_134 = tpu.memref_slice %arg5[%mul3A_28, %dma_start3A_133] : memref<2568x128xi32, #tpu.memory_space<hbm>> -> memref<24x128xi32, #tpu.memory_space<hbm>>
      %dma_start3A_135 = arith.constant 0 : i32
      %dma_start3A_136 = arith.constant 0 : i32
      %dma_start3A_137 = tpu.memref_slice %arg9[%run_scoped3A_29, %dma_start3A_135, %dma_start3A_136] : memref<2x24x128xi32, #tpu.memory_space<vmem>> -> memref<1x24x128xi32, #tpu.memory_space<vmem>>
      %dma_start3A_138 = tpu.memref_squeeze %dma_start3A_137 : memref<1x24x128xi32, #tpu.memory_space<vmem>> -> memref<24x128xi32, #tpu.memory_space<vmem>>
      %dma_start3A_139 = arith.constant 0 : i32
      %dma_start3A_140 = tpu.memref_slice %arg5[%mul3A_28, %dma_start3A_139] : memref<2568x128xi32, #tpu.memory_space<hbm>> -> memref<24x128xi32, #tpu.memory_space<hbm>>
      tpu.enqueue_dma source(%dma_start3A_140 : memref<24x128xi32, #tpu.memory_space<hbm>>) target(%dma_start3A_138 : memref<24x128xi32, #tpu.memory_space<vmem>>) target_semaphore(%run_scoped3A_128 : memref<!tpu.dma_semaphore, #tpu.memory_space<semaphore_mem>>)
      %dma_wait3A_141 = arith.constant 0 : i32
      %dma_wait3A_142 = arith.constant 0 : i32
      %dma_wait3A_143 = tpu.memref_slice %arg9[%run_scoped3A_29, %dma_wait3A_141, %dma_wait3A_142] : memref<2x24x128xi32, #tpu.memory_space<vmem>> -> memref<1x24x128xi32, #tpu.memory_space<vmem>>
      %dma_wait3A_144 = tpu.memref_squeeze %dma_wait3A_143 : memref<1x24x128xi32, #tpu.memory_space<vmem>> -> memref<24x128xi32, #tpu.memory_space<vmem>>
      %dma_wait3A_145 = arith.constant 0 : i32
      %dma_wait3A_146 = tpu.memref_slice %arg5[%mul3A_28, %dma_wait3A_145] : memref<2568x128xi32, #tpu.memory_space<hbm>> -> memref<24x128xi32, #tpu.memory_space<hbm>>
      %dma_wait3A_147 = arith.constant 0 : i32
      %dma_wait3A_148 = arith.constant 0 : i32
      %dma_wait3A_149 = tpu.memref_slice %arg9[%run_scoped3A_29, %dma_wait3A_147, %dma_wait3A_148] : memref<2x24x128xi32, #tpu.memory_space<vmem>> -> memref<1x24x128xi32, #tpu.memory_space<vmem>>
      %dma_wait3A_150 = tpu.memref_squeeze %dma_wait3A_149 : memref<1x24x128xi32, #tpu.memory_space<vmem>> -> memref<24x128xi32, #tpu.memory_space<vmem>>
      %dma_wait3A_151 = arith.constant 0 : i32
      %dma_wait3A_152 = tpu.memref_slice %arg5[%mul3A_28, %dma_wait3A_151] : memref<2568x128xi32, #tpu.memory_space<hbm>> -> memref<24x128xi32, #tpu.memory_space<hbm>>
      tpu.wait_dma2 semaphore(%run_scoped3A_128 : memref<!tpu.dma_semaphore, #tpu.memory_space<semaphore_mem>>) src(%dma_wait3A_152 : memref<24x128xi32, #tpu.memory_space<hbm>>) dst(%dma_wait3A_150 : memref<24x128xi32, #tpu.memory_space<vmem>>)
      tpu.yield
    }) : () -> ()
    %dma_start3A = arith.constant 0 : i32
    %dma_start3A_30 = arith.constant 0 : i32
    %dma_start3A_31 = arith.constant 0 : i32
    %dma_start3A_32 = arith.constant 0 : i32
    %dma_start3A_33 = arith.constant 0 : i32
    %dma_start3A_34 = tpu.memref_slice %arg10[%dma_start3A_31, %dma_start3A_32, %dma_start3A_33] : memref<2x128x128xf32, #tpu.memory_space<vmem>> -> memref<1x128x128xf32, #tpu.memory_space<vmem>>
    %dma_start3A_35 = tpu.memref_squeeze %dma_start3A_34 : memref<1x128x128xf32, #tpu.memory_space<vmem>> -> memref<128x128xf32, #tpu.memory_space<vmem>>
    %dma_start3A_36 = arith.constant 0 : i32
    %dma_start3A_37 = tpu.memref_slice %arg8[%dma_start3A, %dma_start3A_30, %dma_start3A_36] : memref<2x24x128xi32, #tpu.memory_space<vmem>> -> memref<1x1x128xi32, #tpu.memory_space<vmem>>
    %dma_start3A_38 = tpu.memref_squeeze %dma_start3A_37 : memref<1x1x128xi32, #tpu.memory_space<vmem>> -> memref<128xi32, #tpu.memory_space<vmem>>
    %dma_start3A_39 = arith.constant 0 : i32
    %dma_start3A_40 = arith.constant 0 : i32
    %dma_start3A_41 = tpu.memref_slice %arg2[%dma_start3A_39, %dma_start3A_40] : memref<10000x128xf32, #tpu.memory_space<hbm>> -> memref<10000x128xf32, #tpu.memory_space<hbm>>
    tpu.enqueue_indirect_dma source(%dma_start3A_41 : memref<10000x128xf32, #tpu.memory_space<hbm>>) target(%dma_start3A_35 : memref<128x128xf32, #tpu.memory_space<vmem>>) offsets(%dma_start3A_38 : memref<128xi32, #tpu.memory_space<vmem>>) semaphore(%arg11 : memref<!tpu.dma_semaphore, #tpu.memory_space<semaphore_mem>>)
    %dma_start3A_42 = arith.constant 0 : i32
    %dma_start3A_43 = arith.constant 1 : i32
    %dma_start3A_44 = arith.constant 1 : i32
    %dma_start3A_45 = arith.constant 0 : i32
    %dma_start3A_46 = arith.constant 0 : i32
    %dma_start3A_47 = tpu.memref_slice %arg10[%dma_start3A_44, %dma_start3A_45, %dma_start3A_46] : memref<2x128x128xf32, #tpu.memory_space<vmem>> -> memref<1x128x128xf32, #tpu.memory_space<vmem>>
    %dma_start3A_48 = tpu.memref_squeeze %dma_start3A_47 : memref<1x128x128xf32, #tpu.memory_space<vmem>> -> memref<128x128xf32, #tpu.memory_space<vmem>>
    %dma_start3A_49 = arith.constant 0 : i32
    %dma_start3A_50 = tpu.memref_slice %arg8[%dma_start3A_42, %dma_start3A_43, %dma_start3A_49] : memref<2x24x128xi32, #tpu.memory_space<vmem>> -> memref<1x1x128xi32, #tpu.memory_space<vmem>>
    %dma_start3A_51 = tpu.memref_squeeze %dma_start3A_50 : memref<1x1x128xi32, #tpu.memory_space<vmem>> -> memref<128xi32, #tpu.memory_space<vmem>>
    %dma_start3A_52 = arith.constant 0 : i32
    %dma_start3A_53 = arith.constant 0 : i32
    %dma_start3A_54 = tpu.memref_slice %arg2[%dma_start3A_52, %dma_start3A_53] : memref<10000x128xf32, #tpu.memory_space<hbm>> -> memref<10000x128xf32, #tpu.memory_space<hbm>>
    tpu.enqueue_indirect_dma source(%dma_start3A_54 : memref<10000x128xf32, #tpu.memory_space<hbm>>) target(%dma_start3A_48 : memref<128x128xf32, #tpu.memory_space<vmem>>) offsets(%dma_start3A_51 : memref<128xi32, #tpu.memory_space<vmem>>) semaphore(%arg12 : memref<!tpu.dma_semaphore, #tpu.memory_space<semaphore_mem>>)
    %eq3A_55 = arith.constant 0 : i32
    %eq3A_56 = arith.cmpi eq, %arg0, %eq3A_55 : i32
    %lt3A_57 = arith.constant 15 : i32
    %lt3A_58 = arith.cmpi slt, %arg1, %lt3A_57 : i32
    %and3A_59 = arith.andi %eq3A_56, %lt3A_58 : i1
    %convert_element_type3A_60 = arith.extui %and3A_59 : i1 to i32
    %cond3A_61 = arith.constant 0 : i32
    %cond3A_62 = arith.cmpi ne, %convert_element_type3A_60, %cond3A_61 : i32
    scf.if %cond3A_62 {
      %mul3A_128 = arith.constant 632 : i32
      %mul3A_129 = arith.muli %arg1, %mul3A_128 : i32
      %mul3A_130 = arith.constant 632 : i32
      %mul3A_131 = arith.muli %arg1, %mul3A_130 : i32
      %dma_wait3A_132 = arith.constant 0 : i32
      %dma_wait3A_133 = tpu.memref_slice %arg7[%mul3A_131, %dma_wait3A_132] : memref<10016x128xf32, #tpu.memory_space<vmem_shared>> -> memref<632x128xf32, #tpu.memory_space<vmem_shared>>
      %dma_wait3A_134 = arith.constant 0 : i32
      %dma_wait3A_135 = tpu.memref_slice %arg2[%mul3A_129, %dma_wait3A_134] : memref<10000x128xf32, #tpu.memory_space<hbm>> -> memref<632x128xf32, #tpu.memory_space<hbm>>
      tpu.wait_dma2 semaphore(%arg14 : memref<!tpu.dma_semaphore, #tpu.memory_space<semaphore_mem>>) src(%dma_wait3A_135 : memref<632x128xf32, #tpu.memory_space<hbm>>) dst(%dma_wait3A_133 : memref<632x128xf32, #tpu.memory_space<vmem_shared>>)
    } else {
    }
    %eq3A_63 = arith.constant 0 : i32
    %eq3A_64 = arith.cmpi eq, %arg0, %eq3A_63 : i32
    %eq3A_65 = arith.constant 15 : i32
    %eq3A_66 = arith.cmpi eq, %arg1, %eq3A_65 : i32
    %and3A_67 = arith.andi %eq3A_64, %eq3A_66 : i1
    %convert_element_type3A_68 = arith.extui %and3A_67 : i1 to i32
    %cond3A_69 = arith.constant 0 : i32
    %cond3A_70 = arith.cmpi ne, %convert_element_type3A_68, %cond3A_69 : i32
    scf.if %cond3A_70 {
      %dma_wait3A_128 = arith.constant 9480 : i32
      %dma_wait3A_129 = arith.constant 0 : i32
      %dma_wait3A_130 = tpu.memref_slice %arg7[%dma_wait3A_128, %dma_wait3A_129] : memref<10016x128xf32, #tpu.memory_space<vmem_shared>> -> memref<520x128xf32, #tpu.memory_space<vmem_shared>>
      %dma_wait3A_131 = arith.constant 9480 : i32
      %dma_wait3A_132 = arith.constant 0 : i32
      %dma_wait3A_133 = tpu.memref_slice %arg2[%dma_wait3A_131, %dma_wait3A_132] : memref<10000x128xf32, #tpu.memory_space<hbm>> -> memref<520x128xf32, #tpu.memory_space<hbm>>
      tpu.wait_dma2 semaphore(%arg14 : memref<!tpu.dma_semaphore, #tpu.memory_space<semaphore_mem>>) src(%dma_wait3A_133 : memref<520x128xf32, #tpu.memory_space<hbm>>) dst(%dma_wait3A_130 : memref<520x128xf32, #tpu.memory_space<vmem_shared>>)
      %dma_wait3A_134 = arith.constant 10000 : i32
      %dma_wait3A_135 = arith.constant 0 : i32
      %dma_wait3A_136 = tpu.memref_slice %arg7[%dma_wait3A_134, %dma_wait3A_135] : memref<10016x128xf32, #tpu.memory_space<vmem_shared>> -> memref<16x128xf32, #tpu.memory_space<vmem_shared>>
      %dma_wait3A_137 = arith.constant 0 : i32
      %dma_wait3A_138 = arith.constant 0 : i32
      %dma_wait3A_139 = tpu.memref_slice %arg3[%dma_wait3A_137, %dma_wait3A_138] : memref<10016x128xf32, #tpu.memory_space<hbm>> -> memref<16x128xf32, #tpu.memory_space<hbm>>
      tpu.wait_dma2 semaphore(%arg14 : memref<!tpu.dma_semaphore, #tpu.memory_space<semaphore_mem>>) src(%dma_wait3A_139 : memref<16x128xf32, #tpu.memory_space<hbm>>) dst(%dma_wait3A_136 : memref<16x128xf32, #tpu.memory_space<vmem_shared>>)
    } else {
    }
    %ne3A_71 = arith.constant 0 : i32
    %ne3A_72 = arith.cmpi ne, %arg0, %ne3A_71 : i32
    %lt3A_73 = arith.constant 15 : i32
    %lt3A_74 = arith.cmpi slt, %arg1, %lt3A_73 : i32
    %and3A_75 = arith.andi %ne3A_72, %lt3A_74 : i1
    %convert_element_type3A_76 = arith.extui %and3A_75 : i1 to i32
    %cond3A_77 = arith.constant 0 : i32
    %cond3A_78 = arith.cmpi ne, %convert_element_type3A_76, %cond3A_77 : i32
    scf.if %cond3A_78 {
      %mul3A_128 = arith.constant 632 : i32
      %mul3A_129 = arith.muli %arg1, %mul3A_128 : i32
      %mul3A_130 = arith.constant 632 : i32
      %mul3A_131 = arith.muli %arg1, %mul3A_130 : i32
      %dma_wait3A_132 = arith.constant 0 : i32
      %dma_wait3A_133 = tpu.memref_slice %arg7[%mul3A_131, %dma_wait3A_132] : memref<10016x128xf32, #tpu.memory_space<vmem_shared>> -> memref<632x128xf32, #tpu.memory_space<vmem_shared>>
      %dma_wait3A_134 = arith.constant 0 : i32
      %dma_wait3A_135 = tpu.memref_slice %arg3[%mul3A_129, %dma_wait3A_134] : memref<10016x128xf32, #tpu.memory_space<hbm>> -> memref<632x128xf32, #tpu.memory_space<hbm>>
      tpu.wait_dma2 semaphore(%arg14 : memref<!tpu.dma_semaphore, #tpu.memory_space<semaphore_mem>>) src(%dma_wait3A_135 : memref<632x128xf32, #tpu.memory_space<hbm>>) dst(%dma_wait3A_133 : memref<632x128xf32, #tpu.memory_space<vmem_shared>>)
    } else {
    }
    %ne3A_79 = arith.constant 0 : i32
    %ne3A_80 = arith.cmpi ne, %arg0, %ne3A_79 : i32
    %eq3A_81 = arith.constant 15 : i32
    %eq3A_82 = arith.cmpi eq, %arg1, %eq3A_81 : i32
    %and3A_83 = arith.andi %ne3A_80, %eq3A_82 : i1
    %convert_element_type3A_84 = arith.extui %and3A_83 : i1 to i32
    %cond3A_85 = arith.constant 0 : i32
    %cond3A_86 = arith.cmpi ne, %convert_element_type3A_84, %cond3A_85 : i32
    scf.if %cond3A_86 {
      %dma_wait3A_128 = arith.constant 9480 : i32
      %dma_wait3A_129 = arith.constant 0 : i32
      %dma_wait3A_130 = tpu.memref_slice %arg7[%dma_wait3A_128, %dma_wait3A_129] : memref<10016x128xf32, #tpu.memory_space<vmem_shared>> -> memref<536x128xf32, #tpu.memory_space<vmem_shared>>
      %dma_wait3A_131 = arith.constant 9480 : i32
      %dma_wait3A_132 = arith.constant 0 : i32
      %dma_wait3A_133 = tpu.memref_slice %arg3[%dma_wait3A_131, %dma_wait3A_132] : memref<10016x128xf32, #tpu.memory_space<hbm>> -> memref<536x128xf32, #tpu.memory_space<hbm>>
      tpu.wait_dma2 semaphore(%arg14 : memref<!tpu.dma_semaphore, #tpu.memory_space<semaphore_mem>>) src(%dma_wait3A_133 : memref<536x128xf32, #tpu.memory_space<hbm>>) dst(%dma_wait3A_130 : memref<536x128xf32, #tpu.memory_space<vmem_shared>>)
    } else {
    }
    %barrier3A = arith.constant 0 : index
    tpu.barrier barrier_id(%barrier3A)
    %scan3A = arith.constant 0 : i32
    %scan3A_87 = arith.constant 0 : i32
    %scan3A_88 = arith.constant 5 : i32
    %scan3A_89 = arith.addi %scan3A_87, %scan3A_88 : i32
    %scan3A_90 = arith.constant 1 : i32
    scf.for %scan3A_128 = %scan3A_87 to %scan3A_89 step %scan3A_90  : i32 {
      %rem3A = arith.constant 2 : i32
      %rem3A_129 = arith.remsi %scan3A_128, %rem3A : i32
      %sub3A = arith.constant 1 : i32
      %sub3A_130 = arith.subi %sub3A, %rem3A_129 : i32
      %gt3A = arith.constant 0 : i32
      %gt3A_131 = arith.cmpi sgt, %scan3A_128, %gt3A : i32
      %convert_element_type3A_132 = arith.extui %gt3A_131 : i1 to i32
      %cond3A_133 = arith.constant 0 : i32
      %cond3A_134 = arith.cmpi ne, %convert_element_type3A_132, %cond3A_133 : i32
      scf.if %cond3A_134 {
        %dma_wait3A_148 = arith.constant 0 : i32
        %dma_wait3A_149 = arith.constant 0 : i32
        %dma_wait3A_150 = tpu.memref_slice %arg8[%rem3A_129, %dma_wait3A_148, %dma_wait3A_149] : memref<2x24x128xi32, #tpu.memory_space<vmem>> -> memref<1x24x128xi32, #tpu.memory_space<vmem>>
        %dma_wait3A_151 = tpu.memref_squeeze %dma_wait3A_150 : memref<1x24x128xi32, #tpu.memory_space<vmem>> -> memref<24x128xi32, #tpu.memory_space<vmem>>
        %dma_wait3A_152 = arith.constant 0 : i32
        %dma_wait3A_153 = arith.constant 0 : i32
        %dma_wait3A_154 = tpu.memref_slice %arg4[%dma_wait3A_152, %dma_wait3A_153] : memref<2568x128xi32, #tpu.memory_space<hbm>> -> memref<24x128xi32, #tpu.memory_space<hbm>>
        %dma_wait3A_155 = arith.constant 0 : i32
        %dma_wait3A_156 = arith.constant 0 : i32
        %dma_wait3A_157 = tpu.memref_slice %arg8[%rem3A_129, %dma_wait3A_155, %dma_wait3A_156] : memref<2x24x128xi32, #tpu.memory_space<vmem>> -> memref<1x24x128xi32, #tpu.memory_space<vmem>>
        %dma_wait3A_158 = tpu.memref_squeeze %dma_wait3A_157 : memref<1x24x128xi32, #tpu.memory_space<vmem>> -> memref<24x128xi32, #tpu.memory_space<vmem>>
        %dma_wait3A_159 = arith.constant 0 : i32
        %dma_wait3A_160 = arith.constant 0 : i32
        %dma_wait3A_161 = tpu.memref_slice %arg4[%dma_wait3A_159, %dma_wait3A_160] : memref<2568x128xi32, #tpu.memory_space<hbm>> -> memref<24x128xi32, #tpu.memory_space<hbm>>
        tpu.wait_dma2 semaphore(%arg13 : memref<!tpu.dma_semaphore, #tpu.memory_space<semaphore_mem>>) src(%dma_wait3A_161 : memref<24x128xi32, #tpu.memory_space<hbm>>) dst(%dma_wait3A_158 : memref<24x128xi32, #tpu.memory_space<vmem>>)
        %dma_wait3A_162 = arith.constant 0 : i32
        %dma_wait3A_163 = arith.constant 0 : i32
        %dma_wait3A_164 = tpu.memref_slice %arg9[%rem3A_129, %dma_wait3A_162, %dma_wait3A_163] : memref<2x24x128xi32, #tpu.memory_space<vmem>> -> memref<1x24x128xi32, #tpu.memory_space<vmem>>
        %dma_wait3A_165 = tpu.memref_squeeze %dma_wait3A_164 : memref<1x24x128xi32, #tpu.memory_space<vmem>> -> memref<24x128xi32, #tpu.memory_space<vmem>>
        %dma_wait3A_166 = arith.constant 0 : i32
        %dma_wait3A_167 = arith.constant 0 : i32
        %dma_wait3A_168 = tpu.memref_slice %arg5[%dma_wait3A_166, %dma_wait3A_167] : memref<2568x128xi32, #tpu.memory_space<hbm>> -> memref<24x128xi32, #tpu.memory_space<hbm>>
        %dma_wait3A_169 = arith.constant 0 : i32
        %dma_wait3A_170 = arith.constant 0 : i32
        %dma_wait3A_171 = tpu.memref_slice %arg9[%rem3A_129, %dma_wait3A_169, %dma_wait3A_170] : memref<2x24x128xi32, #tpu.memory_space<vmem>> -> memref<1x24x128xi32, #tpu.memory_space<vmem>>
        %dma_wait3A_172 = tpu.memref_squeeze %dma_wait3A_171 : memref<1x24x128xi32, #tpu.memory_space<vmem>> -> memref<24x128xi32, #tpu.memory_space<vmem>>
        %dma_wait3A_173 = arith.constant 0 : i32
        %dma_wait3A_174 = arith.constant 0 : i32
        %dma_wait3A_175 = tpu.memref_slice %arg5[%dma_wait3A_173, %dma_wait3A_174] : memref<2568x128xi32, #tpu.memory_space<hbm>> -> memref<24x128xi32, #tpu.memory_space<hbm>>
        tpu.wait_dma2 semaphore(%arg13 : memref<!tpu.dma_semaphore, #tpu.memory_space<semaphore_mem>>) src(%dma_wait3A_175 : memref<24x128xi32, #tpu.memory_space<hbm>>) dst(%dma_wait3A_172 : memref<24x128xi32, #tpu.memory_space<vmem>>)
      } else {
      }
      %add3A_135 = arith.constant 1 : i32
      %add3A_136 = arith.addi %scan3A_128, %add3A_135 : i32
      %lt3A_137 = arith.constant 5 : i32
      %lt3A_138 = arith.cmpi slt, %add3A_136, %lt3A_137 : i32
      %convert_element_type3A_139 = arith.extui %lt3A_138 : i1 to i32
      %cond3A_140 = arith.constant 0 : i32
      %cond3A_141 = arith.cmpi ne, %convert_element_type3A_139, %cond3A_140 : i32
      scf.if %cond3A_141 {
        %add3A_148 = arith.constant 1 : i32
        %add3A_149 = arith.addi %scan3A_128, %add3A_148 : i32
        %mul3A_150 = arith.constant 16 : i32
        %mul3A_151 = arith.muli %add3A_149, %mul3A_150 : i32
        %add3A_152 = arith.addi %mul3A_28, %mul3A_151 : i32
        %dma_start3A_153 = arith.constant 0 : i32
        %dma_start3A_154 = arith.constant 0 : i32
        %dma_start3A_155 = tpu.memref_slice %arg8[%sub3A_130, %dma_start3A_153, %dma_start3A_154] : memref<2x24x128xi32, #tpu.memory_space<vmem>> -> memref<1x24x128xi32, #tpu.memory_space<vmem>>
        %dma_start3A_156 = tpu.memref_squeeze %dma_start3A_155 : memref<1x24x128xi32, #tpu.memory_space<vmem>> -> memref<24x128xi32, #tpu.memory_space<vmem>>
        %dma_start3A_157 = arith.constant 0 : i32
        %dma_start3A_158 = tpu.memref_slice %arg4[%add3A_152, %dma_start3A_157] : memref<2568x128xi32, #tpu.memory_space<hbm>> -> memref<24x128xi32, #tpu.memory_space<hbm>>
        %dma_start3A_159 = arith.constant 0 : i32
        %dma_start3A_160 = arith.constant 0 : i32
        %dma_start3A_161 = tpu.memref_slice %arg8[%sub3A_130, %dma_start3A_159, %dma_start3A_160] : memref<2x24x128xi32, #tpu.memory_space<vmem>> -> memref<1x24x128xi32, #tpu.memory_space<vmem>>
        %dma_start3A_162 = tpu.memref_squeeze %dma_start3A_161 : memref<1x24x128xi32, #tpu.memory_space<vmem>> -> memref<24x128xi32, #tpu.memory_space<vmem>>
        %dma_start3A_163 = arith.constant 0 : i32
        %dma_start3A_164 = tpu.memref_slice %arg4[%add3A_152, %dma_start3A_163] : memref<2568x128xi32, #tpu.memory_space<hbm>> -> memref<24x128xi32, #tpu.memory_space<hbm>>
        tpu.enqueue_dma source(%dma_start3A_164 : memref<24x128xi32, #tpu.memory_space<hbm>>) target(%dma_start3A_162 : memref<24x128xi32, #tpu.memory_space<vmem>>) target_semaphore(%arg13 : memref<!tpu.dma_semaphore, #tpu.memory_space<semaphore_mem>>)
        %dma_start3A_165 = arith.constant 0 : i32
        %dma_start3A_166 = arith.constant 0 : i32
        %dma_start3A_167 = tpu.memref_slice %arg9[%sub3A_130, %dma_start3A_165, %dma_start3A_166] : memref<2x24x128xi32, #tpu.memory_space<vmem>> -> memref<1x24x128xi32, #tpu.memory_space<vmem>>
        %dma_start3A_168 = tpu.memref_squeeze %dma_start3A_167 : memref<1x24x128xi32, #tpu.memory_space<vmem>> -> memref<24x128xi32, #tpu.memory_space<vmem>>
        %dma_start3A_169 = arith.constant 0 : i32
        %dma_start3A_170 = tpu.memref_slice %arg5[%add3A_152, %dma_start3A_169] : memref<2568x128xi32, #tpu.memory_space<hbm>> -> memref<24x128xi32, #tpu.memory_space<hbm>>
        %dma_start3A_171 = arith.constant 0 : i32
        %dma_start3A_172 = arith.constant 0 : i32
        %dma_start3A_173 = tpu.memref_slice %arg9[%sub3A_130, %dma_start3A_171, %dma_start3A_172] : memref<2x24x128xi32, #tpu.memory_space<vmem>> -> memref<1x24x128xi32, #tpu.memory_space<vmem>>
        %dma_start3A_174 = tpu.memref_squeeze %dma_start3A_173 : memref<1x24x128xi32, #tpu.memory_space<vmem>> -> memref<24x128xi32, #tpu.memory_space<vmem>>
        %dma_start3A_175 = arith.constant 0 : i32
        %dma_start3A_176 = tpu.memref_slice %arg5[%add3A_152, %dma_start3A_175] : memref<2568x128xi32, #tpu.memory_space<hbm>> -> memref<24x128xi32, #tpu.memory_space<hbm>>
        tpu.enqueue_dma source(%dma_start3A_176 : memref<24x128xi32, #tpu.memory_space<hbm>>) target(%dma_start3A_174 : memref<24x128xi32, #tpu.memory_space<vmem>>) target_semaphore(%arg13 : memref<!tpu.dma_semaphore, #tpu.memory_space<semaphore_mem>>)
      } else {
      }
      %scan3A_142 = arith.constant 0 : i32
      %scan3A_143 = arith.constant 0 : i32
      %scan3A_144 = arith.constant 8 : i32
      %scan3A_145 = arith.addi %scan3A_143, %scan3A_144 : i32
      %scan3A_146 = arith.constant 1 : i32
      scf.for %scan3A_148 = %scan3A_143 to %scan3A_145 step %scan3A_146  : i32 {
        %mul3A_149 = arith.constant 2 : i32
        %mul3A_150 = arith.muli %mul3A_149, %scan3A_148 : i32
        %dma_wait3A_151 = arith.constant 0 : i32
        %dma_wait3A_152 = arith.constant 0 : i32
        %dma_wait3A_153 = arith.constant 0 : i32
        %dma_wait3A_154 = tpu.memref_slice %arg10[%dma_wait3A_151, %dma_wait3A_152, %dma_wait3A_153] : memref<2x128x128xf32, #tpu.memory_space<vmem>> -> memref<1x128x128xf32, #tpu.memory_space<vmem>>
        %dma_wait3A_155 = tpu.memref_squeeze %dma_wait3A_154 : memref<1x128x128xf32, #tpu.memory_space<vmem>> -> memref<128x128xf32, #tpu.memory_space<vmem>>
        %dma_wait3A_156 = arith.constant 0 : i32
        %dma_wait3A_157 = tpu.memref_slice %arg8[%rem3A_129, %mul3A_150, %dma_wait3A_156] : memref<2x24x128xi32, #tpu.memory_space<vmem>> -> memref<1x1x128xi32, #tpu.memory_space<vmem>>
        %dma_wait3A_158 = tpu.memref_squeeze %dma_wait3A_157 : memref<1x1x128xi32, #tpu.memory_space<vmem>> -> memref<128xi32, #tpu.memory_space<vmem>>
        %dma_wait3A_159 = arith.constant 0 : i32
        %dma_wait3A_160 = arith.constant 0 : i32
        %dma_wait3A_161 = tpu.memref_slice %arg2[%dma_wait3A_159, %dma_wait3A_160] : memref<10000x128xf32, #tpu.memory_space<hbm>> -> memref<10000x128xf32, #tpu.memory_space<hbm>>
        tpu.wait_indirect_dma semaphore(%arg11 : memref<!tpu.dma_semaphore, #tpu.memory_space<semaphore_mem>>) src(%dma_wait3A_161 : memref<10000x128xf32, #tpu.memory_space<hbm>>) dst(%dma_wait3A_155 : memref<128x128xf32, #tpu.memory_space<vmem>>)
        %run_scoped3A_162 = arith.constant 0 : i32
        "tpu.region"() ({
          %run_scoped3A_205 = tpu.sem_alloc : memref<!tpu.dma_semaphore, #tpu.memory_space<semaphore_mem>>
          %dma_start3A_206 = arith.constant 0 : i32
          %dma_start3A_207 = arith.constant 0 : i32
          %dma_start3A_208 = tpu.memref_slice %arg10[%run_scoped3A_162, %dma_start3A_206, %dma_start3A_207] : memref<2x128x128xf32, #tpu.memory_space<vmem>> -> memref<1x128x128xf32, #tpu.memory_space<vmem>>
          %dma_start3A_209 = tpu.memref_squeeze %dma_start3A_208 : memref<1x128x128xf32, #tpu.memory_space<vmem>> -> memref<128x128xf32, #tpu.memory_space<vmem>>
          %dma_start3A_210 = arith.constant 0 : i32
          %dma_start3A_211 = tpu.memref_slice %arg9[%rem3A_129, %mul3A_150, %dma_start3A_210] : memref<2x24x128xi32, #tpu.memory_space<vmem>> -> memref<1x1x128xi32, #tpu.memory_space<vmem>>
          %dma_start3A_212 = tpu.memref_squeeze %dma_start3A_211 : memref<1x1x128xi32, #tpu.memory_space<vmem>> -> memref<128xi32, #tpu.memory_space<vmem>>
          %dma_start3A_213 = arith.constant 0 : i32
          %dma_start3A_214 = arith.constant 0 : i32
          %dma_start3A_215 = tpu.memref_slice %arg7[%dma_start3A_213, %dma_start3A_214] : memref<10016x128xf32, #tpu.memory_space<vmem_shared>> -> memref<10016x128xf32, #tpu.memory_space<vmem_shared>>
          tpu.enqueue_indirect_dma source(%dma_start3A_209 : memref<128x128xf32, #tpu.memory_space<vmem>>) target(%dma_start3A_215 : memref<10016x128xf32, #tpu.memory_space<vmem_shared>>) offsets(%dma_start3A_212 : memref<128xi32, #tpu.memory_space<vmem>>) semaphore(%run_scoped3A_205 : memref<!tpu.dma_semaphore, #tpu.memory_space<semaphore_mem>>) {add = true}
          %dma_wait3A_216 = arith.constant 0 : i32
          %dma_wait3A_217 = arith.constant 0 : i32
          %dma_wait3A_218 = tpu.memref_slice %arg10[%run_scoped3A_162, %dma_wait3A_216, %dma_wait3A_217] : memref<2x128x128xf32, #tpu.memory_space<vmem>> -> memref<1x128x128xf32, #tpu.memory_space<vmem>>
          %dma_wait3A_219 = tpu.memref_squeeze %dma_wait3A_218 : memref<1x128x128xf32, #tpu.memory_space<vmem>> -> memref<128x128xf32, #tpu.memory_space<vmem>>
          %dma_wait3A_220 = arith.constant 0 : i32
          %dma_wait3A_221 = tpu.memref_slice %arg9[%rem3A_129, %mul3A_150, %dma_wait3A_220] : memref<2x24x128xi32, #tpu.memory_space<vmem>> -> memref<1x1x128xi32, #tpu.memory_space<vmem>>
          %dma_wait3A_222 = tpu.memref_squeeze %dma_wait3A_221 : memref<1x1x128xi32, #tpu.memory_space<vmem>> -> memref<128xi32, #tpu.memory_space<vmem>>
          %dma_wait3A_223 = arith.constant 0 : i32
          %dma_wait3A_224 = arith.constant 0 : i32
          %dma_wait3A_225 = tpu.memref_slice %arg7[%dma_wait3A_223, %dma_wait3A_224] : memref<10016x128xf32, #tpu.memory_space<vmem_shared>> -> memref<10016x128xf32, #tpu.memory_space<vmem_shared>>
          tpu.wait_indirect_dma semaphore(%run_scoped3A_205 : memref<!tpu.dma_semaphore, #tpu.memory_space<semaphore_mem>>) src(%dma_wait3A_219 : memref<128x128xf32, #tpu.memory_space<vmem>>) dst(%dma_wait3A_225 : memref<10016x128xf32, #tpu.memory_space<vmem_shared>>)
          tpu.yield
        }) : () -> ()
        %add3A_163 = arith.constant 2 : i32
        %add3A_164 = arith.addi %mul3A_150, %add3A_163 : i32
        %dma_start3A_165 = arith.constant 0 : i32
        %dma_start3A_166 = arith.constant 0 : i32
        %dma_start3A_167 = arith.constant 0 : i32
        %dma_start3A_168 = tpu.memref_slice %arg10[%dma_start3A_165, %dma_start3A_166, %dma_start3A_167] : memref<2x128x128xf32, #tpu.memory_space<vmem>> -> memref<1x128x128xf32, #tpu.memory_space<vmem>>
        %dma_start3A_169 = tpu.memref_squeeze %dma_start3A_168 : memref<1x128x128xf32, #tpu.memory_space<vmem>> -> memref<128x128xf32, #tpu.memory_space<vmem>>
        %dma_start3A_170 = arith.constant 0 : i32
        %dma_start3A_171 = tpu.memref_slice %arg8[%rem3A_129, %add3A_164, %dma_start3A_170] : memref<2x24x128xi32, #tpu.memory_space<vmem>> -> memref<1x1x128xi32, #tpu.memory_space<vmem>>
        %dma_start3A_172 = tpu.memref_squeeze %dma_start3A_171 : memref<1x1x128xi32, #tpu.memory_space<vmem>> -> memref<128xi32, #tpu.memory_space<vmem>>
        %dma_start3A_173 = arith.constant 0 : i32
        %dma_start3A_174 = arith.constant 0 : i32
        %dma_start3A_175 = tpu.memref_slice %arg2[%dma_start3A_173, %dma_start3A_174] : memref<10000x128xf32, #tpu.memory_space<hbm>> -> memref<10000x128xf32, #tpu.memory_space<hbm>>
        tpu.enqueue_indirect_dma source(%dma_start3A_175 : memref<10000x128xf32, #tpu.memory_space<hbm>>) target(%dma_start3A_169 : memref<128x128xf32, #tpu.memory_space<vmem>>) offsets(%dma_start3A_172 : memref<128xi32, #tpu.memory_space<vmem>>) semaphore(%arg11 : memref<!tpu.dma_semaphore, #tpu.memory_space<semaphore_mem>>)
        %add3A_176 = arith.constant 1 : i32
        %add3A_177 = arith.addi %mul3A_150, %add3A_176 : i32
        %dma_wait3A_178 = arith.constant 1 : i32
        %dma_wait3A_179 = arith.constant 0 : i32
        %dma_wait3A_180 = arith.constant 0 : i32
        %dma_wait3A_181 = tpu.memref_slice %arg10[%dma_wait3A_178, %dma_wait3A_179, %dma_wait3A_180] : memref<2x128x128xf32, #tpu.memory_space<vmem>> -> memref<1x128x128xf32, #tpu.memory_space<vmem>>
        %dma_wait3A_182 = tpu.memref_squeeze %dma_wait3A_181 : memref<1x128x128xf32, #tpu.memory_space<vmem>> -> memref<128x128xf32, #tpu.memory_space<vmem>>
        %dma_wait3A_183 = arith.constant 0 : i32
        %dma_wait3A_184 = tpu.memref_slice %arg8[%rem3A_129, %add3A_177, %dma_wait3A_183] : memref<2x24x128xi32, #tpu.memory_space<vmem>> -> memref<1x1x128xi32, #tpu.memory_space<vmem>>
        %dma_wait3A_185 = tpu.memref_squeeze %dma_wait3A_184 : memref<1x1x128xi32, #tpu.memory_space<vmem>> -> memref<128xi32, #tpu.memory_space<vmem>>
        %dma_wait3A_186 = arith.constant 0 : i32
        %dma_wait3A_187 = arith.constant 0 : i32
        %dma_wait3A_188 = tpu.memref_slice %arg2[%dma_wait3A_186, %dma_wait3A_187] : memref<10000x128xf32, #tpu.memory_space<hbm>> -> memref<10000x128xf32, #tpu.memory_space<hbm>>
        tpu.wait_indirect_dma semaphore(%arg12 : memref<!tpu.dma_semaphore, #tpu.memory_space<semaphore_mem>>) src(%dma_wait3A_188 : memref<10000x128xf32, #tpu.memory_space<hbm>>) dst(%dma_wait3A_182 : memref<128x128xf32, #tpu.memory_space<vmem>>)
        %add3A_189 = arith.constant 1 : i32
        %add3A_190 = arith.addi %mul3A_150, %add3A_189 : i32
        %run_scoped3A_191 = arith.constant 1 : i32
        "tpu.region"() ({
          %run_scoped3A_205 = tpu.sem_alloc : memref<!tpu.dma_semaphore, #tpu.memory_space<semaphore_mem>>
          %dma_start3A_206 = arith.constant 0 : i32
          %dma_start3A_207 = arith.constant 0 : i32
          %dma_start3A_208 = tpu.memref_slice %arg10[%run_scoped3A_191, %dma_start3A_206, %dma_start3A_207] : memref<2x128x128xf32, #tpu.memory_space<vmem>> -> memref<1x128x128xf32, #tpu.memory_space<vmem>>
          %dma_start3A_209 = tpu.memref_squeeze %dma_start3A_208 : memref<1x128x128xf32, #tpu.memory_space<vmem>> -> memref<128x128xf32, #tpu.memory_space<vmem>>
          %dma_start3A_210 = arith.constant 0 : i32
          %dma_start3A_211 = tpu.memref_slice %arg9[%rem3A_129, %add3A_190, %dma_start3A_210] : memref<2x24x128xi32, #tpu.memory_space<vmem>> -> memref<1x1x128xi32, #tpu.memory_space<vmem>>
          %dma_start3A_212 = tpu.memref_squeeze %dma_start3A_211 : memref<1x1x128xi32, #tpu.memory_space<vmem>> -> memref<128xi32, #tpu.memory_space<vmem>>
          %dma_start3A_213 = arith.constant 0 : i32
          %dma_start3A_214 = arith.constant 0 : i32
          %dma_start3A_215 = tpu.memref_slice %arg7[%dma_start3A_213, %dma_start3A_214] : memref<10016x128xf32, #tpu.memory_space<vmem_shared>> -> memref<10016x128xf32, #tpu.memory_space<vmem_shared>>
          tpu.enqueue_indirect_dma source(%dma_start3A_209 : memref<128x128xf32, #tpu.memory_space<vmem>>) target(%dma_start3A_215 : memref<10016x128xf32, #tpu.memory_space<vmem_shared>>) offsets(%dma_start3A_212 : memref<128xi32, #tpu.memory_space<vmem>>) semaphore(%run_scoped3A_205 : memref<!tpu.dma_semaphore, #tpu.memory_space<semaphore_mem>>) {add = true}
          %dma_wait3A_216 = arith.constant 0 : i32
          %dma_wait3A_217 = arith.constant 0 : i32
          %dma_wait3A_218 = tpu.memref_slice %arg10[%run_scoped3A_191, %dma_wait3A_216, %dma_wait3A_217] : memref<2x128x128xf32, #tpu.memory_space<vmem>> -> memref<1x128x128xf32, #tpu.memory_space<vmem>>
          %dma_wait3A_219 = tpu.memref_squeeze %dma_wait3A_218 : memref<1x128x128xf32, #tpu.memory_space<vmem>> -> memref<128x128xf32, #tpu.memory_space<vmem>>
          %dma_wait3A_220 = arith.constant 0 : i32
          %dma_wait3A_221 = tpu.memref_slice %arg9[%rem3A_129, %add3A_190, %dma_wait3A_220] : memref<2x24x128xi32, #tpu.memory_space<vmem>> -> memref<1x1x128xi32, #tpu.memory_space<vmem>>
          %dma_wait3A_222 = tpu.memref_squeeze %dma_wait3A_221 : memref<1x1x128xi32, #tpu.memory_space<vmem>> -> memref<128xi32, #tpu.memory_space<vmem>>
          %dma_wait3A_223 = arith.constant 0 : i32
          %dma_wait3A_224 = arith.constant 0 : i32
          %dma_wait3A_225 = tpu.memref_slice %arg7[%dma_wait3A_223, %dma_wait3A_224] : memref<10016x128xf32, #tpu.memory_space<vmem_shared>> -> memref<10016x128xf32, #tpu.memory_space<vmem_shared>>
          tpu.wait_indirect_dma semaphore(%run_scoped3A_205 : memref<!tpu.dma_semaphore, #tpu.memory_space<semaphore_mem>>) src(%dma_wait3A_219 : memref<128x128xf32, #tpu.memory_space<vmem>>) dst(%dma_wait3A_225 : memref<10016x128xf32, #tpu.memory_space<vmem_shared>>)
          tpu.yield
        }) : () -> ()
        %add3A_192 = arith.constant 3 : i32
        %add3A_193 = arith.addi %mul3A_150, %add3A_192 : i32
        %dma_start3A_194 = arith.constant 1 : i32
        %dma_start3A_195 = arith.constant 0 : i32
        %dma_start3A_196 = arith.constant 0 : i32
        %dma_start3A_197 = tpu.memref_slice %arg10[%dma_start3A_194, %dma_start3A_195, %dma_start3A_196] : memref<2x128x128xf32, #tpu.memory_space<vmem>> -> memref<1x128x128xf32, #tpu.memory_space<vmem>>
        %dma_start3A_198 = tpu.memref_squeeze %dma_start3A_197 : memref<1x128x128xf32, #tpu.memory_space<vmem>> -> memref<128x128xf32, #tpu.memory_space<vmem>>
        %dma_start3A_199 = arith.constant 0 : i32
        %dma_start3A_200 = tpu.memref_slice %arg8[%rem3A_129, %add3A_193, %dma_start3A_199] : memref<2x24x128xi32, #tpu.memory_space<vmem>> -> memref<1x1x128xi32, #tpu.memory_space<vmem>>
        %dma_start3A_201 = tpu.memref_squeeze %dma_start3A_200 : memref<1x1x128xi32, #tpu.memory_space<vmem>> -> memref<128xi32, #tpu.memory_space<vmem>>
        %dma_start3A_202 = arith.constant 0 : i32
        %dma_start3A_203 = arith.constant 0 : i32
        %dma_start3A_204 = tpu.memref_slice %arg2[%dma_start3A_202, %dma_start3A_203] : memref<10000x128xf32, #tpu.memory_space<hbm>> -> memref<10000x128xf32, #tpu.memory_space<hbm>>
        tpu.enqueue_indirect_dma source(%dma_start3A_204 : memref<10000x128xf32, #tpu.memory_space<hbm>>) target(%dma_start3A_198 : memref<128x128xf32, #tpu.memory_space<vmem>>) offsets(%dma_start3A_201 : memref<128xi32, #tpu.memory_space<vmem>>) semaphore(%arg12 : memref<!tpu.dma_semaphore, #tpu.memory_space<semaphore_mem>>)
      }
      %scan3A_147 = arith.constant 8 : i32
    }
    %scan3A_91 = arith.constant 5 : i32
    %dma_wait3A = arith.constant 0 : i32
    %dma_wait3A_92 = arith.constant 0 : i32
    %dma_wait3A_93 = arith.constant 0 : i32
    %dma_wait3A_94 = arith.constant 0 : i32
    %dma_wait3A_95 = arith.constant 0 : i32
    %dma_wait3A_96 = tpu.memref_slice %arg10[%dma_wait3A_93, %dma_wait3A_94, %dma_wait3A_95] : memref<2x128x128xf32, #tpu.memory_space<vmem>> -> memref<1x128x128xf32, #tpu.memory_space<vmem>>
    %dma_wait3A_97 = tpu.memref_squeeze %dma_wait3A_96 : memref<1x128x128xf32, #tpu.memory_space<vmem>> -> memref<128x128xf32, #tpu.memory_space<vmem>>
    %dma_wait3A_98 = arith.constant 0 : i32
    %dma_wait3A_99 = tpu.memref_slice %arg8[%dma_wait3A, %dma_wait3A_92, %dma_wait3A_98] : memref<2x24x128xi32, #tpu.memory_space<vmem>> -> memref<1x1x128xi32, #tpu.memory_space<vmem>>
    %dma_wait3A_100 = tpu.memref_squeeze %dma_wait3A_99 : memref<1x1x128xi32, #tpu.memory_space<vmem>> -> memref<128xi32, #tpu.memory_space<vmem>>
    %dma_wait3A_101 = arith.constant 0 : i32
    %dma_wait3A_102 = arith.constant 0 : i32
    %dma_wait3A_103 = tpu.memref_slice %arg2[%dma_wait3A_101, %dma_wait3A_102] : memref<10000x128xf32, #tpu.memory_space<hbm>> -> memref<10000x128xf32, #tpu.memory_space<hbm>>
    tpu.wait_indirect_dma semaphore(%arg11 : memref<!tpu.dma_semaphore, #tpu.memory_space<semaphore_mem>>) src(%dma_wait3A_103 : memref<10000x128xf32, #tpu.memory_space<hbm>>) dst(%dma_wait3A_97 : memref<128x128xf32, #tpu.memory_space<vmem>>)
    %dma_wait3A_104 = arith.constant 0 : i32
    %dma_wait3A_105 = arith.constant 1 : i32
    %dma_wait3A_106 = arith.constant 1 : i32
    %dma_wait3A_107 = arith.constant 0 : i32
    %dma_wait3A_108 = arith.constant 0 : i32
    %dma_wait3A_109 = tpu.memref_slice %arg10[%dma_wait3A_106, %dma_wait3A_107, %dma_wait3A_108] : memref<2x128x128xf32, #tpu.memory_space<vmem>> -> memref<1x128x128xf32, #tpu.memory_space<vmem>>
    %dma_wait3A_110 = tpu.memref_squeeze %dma_wait3A_109 : memref<1x128x128xf32, #tpu.memory_space<vmem>> -> memref<128x128xf32, #tpu.memory_space<vmem>>
    %dma_wait3A_111 = arith.constant 0 : i32
    %dma_wait3A_112 = tpu.memref_slice %arg8[%dma_wait3A_104, %dma_wait3A_105, %dma_wait3A_111] : memref<2x24x128xi32, #tpu.memory_space<vmem>> -> memref<1x1x128xi32, #tpu.memory_space<vmem>>
    %dma_wait3A_113 = tpu.memref_squeeze %dma_wait3A_112 : memref<1x1x128xi32, #tpu.memory_space<vmem>> -> memref<128xi32, #tpu.memory_space<vmem>>
    %dma_wait3A_114 = arith.constant 0 : i32
    %dma_wait3A_115 = arith.constant 0 : i32
    %dma_wait3A_116 = tpu.memref_slice %arg2[%dma_wait3A_114, %dma_wait3A_115] : memref<10000x128xf32, #tpu.memory_space<hbm>> -> memref<10000x128xf32, #tpu.memory_space<hbm>>
    tpu.wait_indirect_dma semaphore(%arg12 : memref<!tpu.dma_semaphore, #tpu.memory_space<semaphore_mem>>) src(%dma_wait3A_116 : memref<10000x128xf32, #tpu.memory_space<hbm>>) dst(%dma_wait3A_110 : memref<128x128xf32, #tpu.memory_space<vmem>>)
    %barrier3A_117 = arith.constant 0 : index
    tpu.barrier barrier_id(%barrier3A_117)
    %lt3A_118 = arith.constant 15 : i32
    %lt3A_119 = arith.cmpi slt, %arg1, %lt3A_118 : i32
    %convert_element_type3A_120 = arith.extui %lt3A_119 : i1 to i32
    %cond3A_121 = arith.constant 0 : i32
    %cond3A_122 = arith.cmpi ne, %convert_element_type3A_120, %cond3A_121 : i32
    scf.if %cond3A_122 {
      %mul3A_128 = arith.constant 632 : i32
      %mul3A_129 = arith.muli %arg1, %mul3A_128 : i32
      %mul3A_130 = arith.constant 632 : i32
      %mul3A_131 = arith.muli %arg1, %mul3A_130 : i32
      "tpu.region"() ({
        %run_scoped3A_132 = tpu.sem_alloc : memref<!tpu.dma_semaphore, #tpu.memory_space<semaphore_mem>>
        %dma_start3A_133 = arith.constant 0 : i32
        %dma_start3A_134 = tpu.memref_slice %arg6[%arg0, %mul3A_131, %dma_start3A_133] : memref<2x10000x128xf32, #tpu.memory_space<hbm>> -> memref<1x632x128xf32, #tpu.memory_space<hbm>>
        %dma_start3A_135 = tpu.memref_squeeze %dma_start3A_134 : memref<1x632x128xf32, #tpu.memory_space<hbm>> -> memref<632x128xf32, #tpu.memory_space<hbm>>
        %dma_start3A_136 = arith.constant 0 : i32
        %dma_start3A_137 = tpu.memref_slice %arg7[%mul3A_129, %dma_start3A_136] : memref<10016x128xf32, #tpu.memory_space<vmem_shared>> -> memref<632x128xf32, #tpu.memory_space<vmem_shared>>
        tpu.enqueue_dma source(%dma_start3A_137 : memref<632x128xf32, #tpu.memory_space<vmem_shared>>) target(%dma_start3A_135 : memref<632x128xf32, #tpu.memory_space<hbm>>) target_semaphore(%run_scoped3A_132 : memref<!tpu.dma_semaphore, #tpu.memory_space<semaphore_mem>>)
        %dma_wait3A_138 = arith.constant 0 : i32
        %dma_wait3A_139 = tpu.memref_slice %arg6[%arg0, %mul3A_131, %dma_wait3A_138] : memref<2x10000x128xf32, #tpu.memory_space<hbm>> -> memref<1x632x128xf32, #tpu.memory_space<hbm>>
        %dma_wait3A_140 = tpu.memref_squeeze %dma_wait3A_139 : memref<1x632x128xf32, #tpu.memory_space<hbm>> -> memref<632x128xf32, #tpu.memory_space<hbm>>
        %dma_wait3A_141 = arith.constant 0 : i32
        %dma_wait3A_142 = tpu.memref_slice %arg7[%mul3A_129, %dma_wait3A_141] : memref<10016x128xf32, #tpu.memory_space<vmem_shared>> -> memref<632x128xf32, #tpu.memory_space<vmem_shared>>
        tpu.wait_dma2 semaphore(%run_scoped3A_132 : memref<!tpu.dma_semaphore, #tpu.memory_space<semaphore_mem>>) src(%dma_wait3A_142 : memref<632x128xf32, #tpu.memory_space<vmem_shared>>) dst(%dma_wait3A_140 : memref<632x128xf32, #tpu.memory_space<hbm>>)
        tpu.yield
      }) : () -> ()
    } else {
    }
    %eq3A_123 = arith.constant 15 : i32
    %eq3A_124 = arith.cmpi eq, %arg1, %eq3A_123 : i32
    %convert_element_type3A_125 = arith.extui %eq3A_124 : i1 to i32
    %cond3A_126 = arith.constant 0 : i32
    %cond3A_127 = arith.cmpi ne, %convert_element_type3A_125, %cond3A_126 : i32
    scf.if %cond3A_127 {
      "tpu.region"() ({
        %run_scoped3A_128 = tpu.sem_alloc : memref<!tpu.dma_semaphore, #tpu.memory_space<semaphore_mem>>
        %dma_start3A_129 = arith.constant 9480 : i32
        %dma_start3A_130 = arith.constant 0 : i32
        %dma_start3A_131 = tpu.memref_slice %arg6[%arg0, %dma_start3A_129, %dma_start3A_130] : memref<2x10000x128xf32, #tpu.memory_space<hbm>> -> memref<1x520x128xf32, #tpu.memory_space<hbm>>
        %dma_start3A_132 = tpu.memref_squeeze %dma_start3A_131 : memref<1x520x128xf32, #tpu.memory_space<hbm>> -> memref<520x128xf32, #tpu.memory_space<hbm>>
        %dma_start3A_133 = arith.constant 9480 : i32
        %dma_start3A_134 = arith.constant 0 : i32
        %dma_start3A_135 = tpu.memref_slice %arg7[%dma_start3A_133, %dma_start3A_134] : memref<10016x128xf32, #tpu.memory_space<vmem_shared>> -> memref<520x128xf32, #tpu.memory_space<vmem_shared>>
        tpu.enqueue_dma source(%dma_start3A_135 : memref<520x128xf32, #tpu.memory_space<vmem_shared>>) target(%dma_start3A_132 : memref<520x128xf32, #tpu.memory_space<hbm>>) target_semaphore(%run_scoped3A_128 : memref<!tpu.dma_semaphore, #tpu.memory_space<semaphore_mem>>)
        %dma_wait3A_136 = arith.constant 9480 : i32
        %dma_wait3A_137 = arith.constant 0 : i32
        %dma_wait3A_138 = tpu.memref_slice %arg6[%arg0, %dma_wait3A_136, %dma_wait3A_137] : memref<2x10000x128xf32, #tpu.memory_space<hbm>> -> memref<1x520x128xf32, #tpu.memory_space<hbm>>
        %dma_wait3A_139 = tpu.memref_squeeze %dma_wait3A_138 : memref<1x520x128xf32, #tpu.memory_space<hbm>> -> memref<520x128xf32, #tpu.memory_space<hbm>>
        %dma_wait3A_140 = arith.constant 9480 : i32
        %dma_wait3A_141 = arith.constant 0 : i32
        %dma_wait3A_142 = tpu.memref_slice %arg7[%dma_wait3A_140, %dma_wait3A_141] : memref<10016x128xf32, #tpu.memory_space<vmem_shared>> -> memref<520x128xf32, #tpu.memory_space<vmem_shared>>
        tpu.wait_dma2 semaphore(%run_scoped3A_128 : memref<!tpu.dma_semaphore, #tpu.memory_space<semaphore_mem>>) src(%dma_wait3A_142 : memref<520x128xf32, #tpu.memory_space<vmem_shared>>) dst(%dma_wait3A_139 : memref<520x128xf32, #tpu.memory_space<hbm>>)
        tpu.yield
      }) : () -> ()
    } else {
    }
    return
  }
}

#map = affine_map<(d0, d1) -> (0, 0)>
#map1 = affine_map<(d0, d1) -> (0, 0, 0)>
module attributes {stable_mosaic.version = 14 : i64} {
  func.func @seg_sum(%arg0: i32, %arg1: i32, %arg2: memref<10000x128xf32, #tpu.memory_space<hbm>>, %arg3: memref<10016x128xf32, #tpu.memory_space<hbm>>, %arg4: memref<2568x128xi32, #tpu.memory_space<hbm>>, %arg5: memref<2568x128xi32, #tpu.memory_space<hbm>>, %arg6: memref<2x10000x128xf32, #tpu.memory_space<hbm>>, %arg7: memref<10016x128xf32, #tpu.memory_space<vmem_shared>>, %arg8: memref<2x24x128xi32, #tpu.memory_space<vmem>>, %arg9: memref<2x24x128xi32, #tpu.memory_space<vmem>>, %arg10: memref<2x128x128xf32, #tpu.memory_space<vmem>>, %arg11: memref<!tpu.dma_semaphore, #tpu.memory_space<semaphore_mem>>, %arg12: memref<!tpu.dma_semaphore, #tpu.memory_space<semaphore_mem>>, %arg13: memref<!tpu.dma_semaphore, #tpu.memory_space<semaphore_mem>>, %arg14: memref<!tpu.dma_semaphore, #tpu.memory_space<semaphore_mem>>) attributes {dimension_semantics = [#tpu.dimension_semantics<core_parallel>, #tpu.dimension_semantics<subcore_parallel>], iteration_bounds = array<i64: 2, 16>, scalar_prefetch = 0 : i64, scratch_operands = 8 : i64, tpu.core_type = #tpu.core_type<sc_vector_subcore>, window_params = [{transform_indices = #map}, {transform_indices = #map}, {transform_indices = #map}, {transform_indices = #map}, {transform_indices = #map1}]} {
    %mul3A = arith.constant 2 : i32
    %mul3A_0 = arith.muli %arg1, %mul3A : i32
    %add3A = arith.addi %mul3A_0, %arg0 : i32
    %eq3A = arith.constant 0 : i32
    %eq3A_1 = arith.cmpi eq, %arg0, %eq3A : i32
    %lt3A = arith.constant 15 : i32
    %lt3A_2 = arith.cmpi slt, %arg1, %lt3A : i32
    %and3A = arith.andi %eq3A_1, %lt3A_2 : i1
    %convert_element_type3A = arith.extui %and3A : i1 to i32
    %cond3A = arith.constant 0 : i32
    %cond3A_3 = arith.cmpi ne, %convert_element_type3A, %cond3A : i32
    scf.if %cond3A_3 {
      %mul3A_128 = arith.constant 632 : i32
      %mul3A_129 = arith.muli %arg1, %mul3A_128 : i32
      %mul3A_130 = arith.constant 632 : i32
      %mul3A_131 = arith.muli %arg1, %mul3A_130 : i32
      %dma_start3A_132 = arith.constant 0 : i32
      %dma_start3A_133 = tpu.memref_slice %arg7[%mul3A_131, %dma_start3A_132] : memref<10016x128xf32, #tpu.memory_space<vmem_shared>> -> memref<632x128xf32, #tpu.memory_space<vmem_shared>>
      %dma_start3A_134 = arith.constant 0 : i32
      %dma_start3A_135 = tpu.memref_slice %arg2[%mul3A_129, %dma_start3A_134] : memref<10000x128xf32, #tpu.memory_space<hbm>> -> memref<632x128xf32, #tpu.memory_space<hbm>>
      tpu.enqueue_dma source(%dma_start3A_135 : memref<632x128xf32, #tpu.memory_space<hbm>>) target(%dma_start3A_133 : memref<632x128xf32, #tpu.memory_space<vmem_shared>>) target_semaphore(%arg14 : memref<!tpu.dma_semaphore, #tpu.memory_space<semaphore_mem>>)
    } else {
    }
    %eq3A_4 = arith.constant 0 : i32
    %eq3A_5 = arith.cmpi eq, %arg0, %eq3A_4 : i32
    %eq3A_6 = arith.constant 15 : i32
    %eq3A_7 = arith.cmpi eq, %arg1, %eq3A_6 : i32
    %and3A_8 = arith.andi %eq3A_5, %eq3A_7 : i1
    %convert_element_type3A_9 = arith.extui %and3A_8 : i1 to i32
    %cond3A_10 = arith.constant 0 : i32
    %cond3A_11 = arith.cmpi ne, %convert_element_type3A_9, %cond3A_10 : i32
    scf.if %cond3A_11 {
      %dma_start3A_128 = arith.constant 9480 : i32
      %dma_start3A_129 = arith.constant 0 : i32
      %dma_start3A_130 = tpu.memref_slice %arg7[%dma_start3A_128, %dma_start3A_129] : memref<10016x128xf32, #tpu.memory_space<vmem_shared>> -> memref<520x128xf32, #tpu.memory_space<vmem_shared>>
      %dma_start3A_131 = arith.constant 9480 : i32
      %dma_start3A_132 = arith.constant 0 : i32
      %dma_start3A_133 = tpu.memref_slice %arg2[%dma_start3A_131, %dma_start3A_132] : memref<10000x128xf32, #tpu.memory_space<hbm>> -> memref<520x128xf32, #tpu.memory_space<hbm>>
      tpu.enqueue_dma source(%dma_start3A_133 : memref<520x128xf32, #tpu.memory_space<hbm>>) target(%dma_start3A_130 : memref<520x128xf32, #tpu.memory_space<vmem_shared>>) target_semaphore(%arg14 : memref<!tpu.dma_semaphore, #tpu.memory_space<semaphore_mem>>)
      %dma_start3A_134 = arith.constant 10000 : i32
      %dma_start3A_135 = arith.constant 0 : i32
      %dma_start3A_136 = tpu.memref_slice %arg7[%dma_start3A_134, %dma_start3A_135] : memref<10016x128xf32, #tpu.memory_space<vmem_shared>> -> memref<16x128xf32, #tpu.memory_space<vmem_shared>>
      %dma_start3A_137 = arith.constant 0 : i32
      %dma_start3A_138 = arith.constant 0 : i32
      %dma_start3A_139 = tpu.memref_slice %arg3[%dma_start3A_137, %dma_start3A_138] : memref<10016x128xf32, #tpu.memory_space<hbm>> -> memref<16x128xf32, #tpu.memory_space<hbm>>
      tpu.enqueue_dma source(%dma_start3A_139 : memref<16x128xf32, #tpu.memory_space<hbm>>) target(%dma_start3A_136 : memref<16x128xf32, #tpu.memory_space<vmem_shared>>) target_semaphore(%arg14 : memref<!tpu.dma_semaphore, #tpu.memory_space<semaphore_mem>>)
    } else {
    }
    %ne3A = arith.constant 0 : i32
    %ne3A_12 = arith.cmpi ne, %arg0, %ne3A : i32
    %lt3A_13 = arith.constant 15 : i32
    %lt3A_14 = arith.cmpi slt, %arg1, %lt3A_13 : i32
    %and3A_15 = arith.andi %ne3A_12, %lt3A_14 : i1
    %convert_element_type3A_16 = arith.extui %and3A_15 : i1 to i32
    %cond3A_17 = arith.constant 0 : i32
    %cond3A_18 = arith.cmpi ne, %convert_element_type3A_16, %cond3A_17 : i32
    scf.if %cond3A_18 {
      %mul3A_128 = arith.constant 632 : i32
      %mul3A_129 = arith.muli %arg1, %mul3A_128 : i32
      %mul3A_130 = arith.constant 632 : i32
      %mul3A_131 = arith.muli %arg1, %mul3A_130 : i32
      %dma_start3A_132 = arith.constant 0 : i32
      %dma_start3A_133 = tpu.memref_slice %arg7[%mul3A_131, %dma_start3A_132] : memref<10016x128xf32, #tpu.memory_space<vmem_shared>> -> memref<632x128xf32, #tpu.memory_space<vmem_shared>>
      %dma_start3A_134 = arith.constant 0 : i32
      %dma_start3A_135 = tpu.memref_slice %arg3[%mul3A_129, %dma_start3A_134] : memref<10016x128xf32, #tpu.memory_space<hbm>> -> memref<632x128xf32, #tpu.memory_space<hbm>>
      tpu.enqueue_dma source(%dma_start3A_135 : memref<632x128xf32, #tpu.memory_space<hbm>>) target(%dma_start3A_133 : memref<632x128xf32, #tpu.memory_space<vmem_shared>>) target_semaphore(%arg14 : memref<!tpu.dma_semaphore, #tpu.memory_space<semaphore_mem>>)
    } else {
    }
    %ne3A_19 = arith.constant 0 : i32
    %ne3A_20 = arith.cmpi ne, %arg0, %ne3A_19 : i32
    %eq3A_21 = arith.constant 15 : i32
    %eq3A_22 = arith.cmpi eq, %arg1, %eq3A_21 : i32
    %and3A_23 = arith.andi %ne3A_20, %eq3A_22 : i1
    %convert_element_type3A_24 = arith.extui %and3A_23 : i1 to i32
    %cond3A_25 = arith.constant 0 : i32
    %cond3A_26 = arith.cmpi ne, %convert_element_type3A_24, %cond3A_25 : i32
    scf.if %cond3A_26 {
      %dma_start3A_128 = arith.constant 9480 : i32
      %dma_start3A_129 = arith.constant 0 : i32
      %dma_start3A_130 = tpu.memref_slice %arg7[%dma_start3A_128, %dma_start3A_129] : memref<10016x128xf32, #tpu.memory_space<vmem_shared>> -> memref<536x128xf32, #tpu.memory_space<vmem_shared>>
      %dma_start3A_131 = arith.constant 9480 : i32
      %dma_start3A_132 = arith.constant 0 : i32
      %dma_start3A_133 = tpu.memref_slice %arg3[%dma_start3A_131, %dma_start3A_132] : memref<10016x128xf32, #tpu.memory_space<hbm>> -> memref<536x128xf32, #tpu.memory_space<hbm>>
      tpu.enqueue_dma source(%dma_start3A_133 : memref<536x128xf32, #tpu.memory_space<hbm>>) target(%dma_start3A_130 : memref<536x128xf32, #tpu.memory_space<vmem_shared>>) target_semaphore(%arg14 : memref<!tpu.dma_semaphore, #tpu.memory_space<semaphore_mem>>)
    } else {
    }
    %mul3A_27 = arith.constant 80 : i32
    %mul3A_28 = arith.muli %add3A, %mul3A_27 : i32
    %run_scoped3A = arith.constant 0 : i32
    "tpu.region"() ({
      %run_scoped3A_128 = tpu.sem_alloc : memref<!tpu.dma_semaphore, #tpu.memory_space<semaphore_mem>>
      %dma_start3A_129 = arith.constant 0 : i32
      %dma_start3A_130 = arith.constant 0 : i32
      %dma_start3A_131 = tpu.memref_slice %arg8[%run_scoped3A, %dma_start3A_129, %dma_start3A_130] : memref<2x24x128xi32, #tpu.memory_space<vmem>> -> memref<1x24x128xi32, #tpu.memory_space<vmem>>
      %dma_start3A_132 = tpu.memref_squeeze %dma_start3A_131 : memref<1x24x128xi32, #tpu.memory_space<vmem>> -> memref<24x128xi32, #tpu.memory_space<vmem>>
      %dma_start3A_133 = arith.constant 0 : i32
      %dma_start3A_134 = tpu.memref_slice %arg4[%mul3A_28, %dma_start3A_133] : memref<2568x128xi32, #tpu.memory_space<hbm>> -> memref<24x128xi32, #tpu.memory_space<hbm>>
      %dma_start3A_135 = arith.constant 0 : i32
      %dma_start3A_136 = arith.constant 0 : i32
      %dma_start3A_137 = tpu.memref_slice %arg8[%run_scoped3A, %dma_start3A_135, %dma_start3A_136] : memref<2x24x128xi32, #tpu.memory_space<vmem>> -> memref<1x24x128xi32, #tpu.memory_space<vmem>>
      %dma_start3A_138 = tpu.memref_squeeze %dma_start3A_137 : memref<1x24x128xi32, #tpu.memory_space<vmem>> -> memref<24x128xi32, #tpu.memory_space<vmem>>
      %dma_start3A_139 = arith.constant 0 : i32
      %dma_start3A_140 = tpu.memref_slice %arg4[%mul3A_28, %dma_start3A_139] : memref<2568x128xi32, #tpu.memory_space<hbm>> -> memref<24x128xi32, #tpu.memory_space<hbm>>
      tpu.enqueue_dma source(%dma_start3A_140 : memref<24x128xi32, #tpu.memory_space<hbm>>) target(%dma_start3A_138 : memref<24x128xi32, #tpu.memory_space<vmem>>) target_semaphore(%run_scoped3A_128 : memref<!tpu.dma_semaphore, #tpu.memory_space<semaphore_mem>>)
      %dma_wait3A_141 = arith.constant 0 : i32
      %dma_wait3A_142 = arith.constant 0 : i32
      %dma_wait3A_143 = tpu.memref_slice %arg8[%run_scoped3A, %dma_wait3A_141, %dma_wait3A_142] : memref<2x24x128xi32, #tpu.memory_space<vmem>> -> memref<1x24x128xi32, #tpu.memory_space<vmem>>
      %dma_wait3A_144 = tpu.memref_squeeze %dma_wait3A_143 : memref<1x24x128xi32, #tpu.memory_space<vmem>> -> memref<24x128xi32, #tpu.memory_space<vmem>>
      %dma_wait3A_145 = arith.constant 0 : i32
      %dma_wait3A_146 = tpu.memref_slice %arg4[%mul3A_28, %dma_wait3A_145] : memref<2568x128xi32, #tpu.memory_space<hbm>> -> memref<24x128xi32, #tpu.memory_space<hbm>>
      %dma_wait3A_147 = arith.constant 0 : i32
      %dma_wait3A_148 = arith.constant 0 : i32
      %dma_wait3A_149 = tpu.memref_slice %arg8[%run_scoped3A, %dma_wait3A_147, %dma_wait3A_148] : memref<2x24x128xi32, #tpu.memory_space<vmem>> -> memref<1x24x128xi32, #tpu.memory_space<vmem>>
      %dma_wait3A_150 = tpu.memref_squeeze %dma_wait3A_149 : memref<1x24x128xi32, #tpu.memory_space<vmem>> -> memref<24x128xi32, #tpu.memory_space<vmem>>
      %dma_wait3A_151 = arith.constant 0 : i32
      %dma_wait3A_152 = tpu.memref_slice %arg4[%mul3A_28, %dma_wait3A_151] : memref<2568x128xi32, #tpu.memory_space<hbm>> -> memref<24x128xi32, #tpu.memory_space<hbm>>
      tpu.wait_dma2 semaphore(%run_scoped3A_128 : memref<!tpu.dma_semaphore, #tpu.memory_space<semaphore_mem>>) src(%dma_wait3A_152 : memref<24x128xi32, #tpu.memory_space<hbm>>) dst(%dma_wait3A_150 : memref<24x128xi32, #tpu.memory_space<vmem>>)
      tpu.yield
    }) : () -> ()
    %run_scoped3A_29 = arith.constant 0 : i32
    "tpu.region"() ({
      %run_scoped3A_128 = tpu.sem_alloc : memref<!tpu.dma_semaphore, #tpu.memory_space<semaphore_mem>>
      %dma_start3A_129 = arith.constant 0 : i32
      %dma_start3A_130 = arith.constant 0 : i32
      %dma_start3A_131 = tpu.memref_slice %arg9[%run_scoped3A_29, %dma_start3A_129, %dma_start3A_130] : memref<2x24x128xi32, #tpu.memory_space<vmem>> -> memref<1x24x128xi32, #tpu.memory_space<vmem>>
      %dma_start3A_132 = tpu.memref_squeeze %dma_start3A_131 : memref<1x24x128xi32, #tpu.memory_space<vmem>> -> memref<24x128xi32, #tpu.memory_space<vmem>>
      %dma_start3A_133 = arith.constant 0 : i32
      %dma_start3A_134 = tpu.memref_slice %arg5[%mul3A_28, %dma_start3A_133] : memref<2568x128xi32, #tpu.memory_space<hbm>> -> memref<24x128xi32, #tpu.memory_space<hbm>>
      %dma_start3A_135 = arith.constant 0 : i32
      %dma_start3A_136 = arith.constant 0 : i32
      %dma_start3A_137 = tpu.memref_slice %arg9[%run_scoped3A_29, %dma_start3A_135, %dma_start3A_136] : memref<2x24x128xi32, #tpu.memory_space<vmem>> -> memref<1x24x128xi32, #tpu.memory_space<vmem>>
      %dma_start3A_138 = tpu.memref_squeeze %dma_start3A_137 : memref<1x24x128xi32, #tpu.memory_space<vmem>> -> memref<24x128xi32, #tpu.memory_space<vmem>>
      %dma_start3A_139 = arith.constant 0 : i32
      %dma_start3A_140 = tpu.memref_slice %arg5[%mul3A_28, %dma_start3A_139] : memref<2568x128xi32, #tpu.memory_space<hbm>> -> memref<24x128xi32, #tpu.memory_space<hbm>>
      tpu.enqueue_dma source(%dma_start3A_140 : memref<24x128xi32, #tpu.memory_space<hbm>>) target(%dma_start3A_138 : memref<24x128xi32, #tpu.memory_space<vmem>>) target_semaphore(%run_scoped3A_128 : memref<!tpu.dma_semaphore, #tpu.memory_space<semaphore_mem>>)
      %dma_wait3A_141 = arith.constant 0 : i32
      %dma_wait3A_142 = arith.constant 0 : i32
      %dma_wait3A_143 = tpu.memref_slice %arg9[%run_scoped3A_29, %dma_wait3A_141, %dma_wait3A_142] : memref<2x24x128xi32, #tpu.memory_space<vmem>> -> memref<1x24x128xi32, #tpu.memory_space<vmem>>
      %dma_wait3A_144 = tpu.memref_squeeze %dma_wait3A_143 : memref<1x24x128xi32, #tpu.memory_space<vmem>> -> memref<24x128xi32, #tpu.memory_space<vmem>>
      %dma_wait3A_145 = arith.constant 0 : i32
      %dma_wait3A_146 = tpu.memref_slice %arg5[%mul3A_28, %dma_wait3A_145] : memref<2568x128xi32, #tpu.memory_space<hbm>> -> memref<24x128xi32, #tpu.memory_space<hbm>>
      %dma_wait3A_147 = arith.constant 0 : i32
      %dma_wait3A_148 = arith.constant 0 : i32
      %dma_wait3A_149 = tpu.memref_slice %arg9[%run_scoped3A_29, %dma_wait3A_147, %dma_wait3A_148] : memref<2x24x128xi32, #tpu.memory_space<vmem>> -> memref<1x24x128xi32, #tpu.memory_space<vmem>>
      %dma_wait3A_150 = tpu.memref_squeeze %dma_wait3A_149 : memref<1x24x128xi32, #tpu.memory_space<vmem>> -> memref<24x128xi32, #tpu.memory_space<vmem>>
      %dma_wait3A_151 = arith.constant 0 : i32
      %dma_wait3A_152 = tpu.memref_slice %arg5[%mul3A_28, %dma_wait3A_151] : memref<2568x128xi32, #tpu.memory_space<hbm>> -> memref<24x128xi32, #tpu.memory_space<hbm>>
      tpu.wait_dma2 semaphore(%run_scoped3A_128 : memref<!tpu.dma_semaphore, #tpu.memory_space<semaphore_mem>>) src(%dma_wait3A_152 : memref<24x128xi32, #tpu.memory_space<hbm>>) dst(%dma_wait3A_150 : memref<24x128xi32, #tpu.memory_space<vmem>>)
      tpu.yield
    }) : () -> ()
    %dma_start3A = arith.constant 0 : i32
    %dma_start3A_30 = arith.constant 0 : i32
    %dma_start3A_31 = arith.constant 0 : i32
    %dma_start3A_32 = arith.constant 0 : i32
    %dma_start3A_33 = arith.constant 0 : i32
    %dma_start3A_34 = tpu.memref_slice %arg10[%dma_start3A_31, %dma_start3A_32, %dma_start3A_33] : memref<2x128x128xf32, #tpu.memory_space<vmem>> -> memref<1x128x128xf32, #tpu.memory_space<vmem>>
    %dma_start3A_35 = tpu.memref_squeeze %dma_start3A_34 : memref<1x128x128xf32, #tpu.memory_space<vmem>> -> memref<128x128xf32, #tpu.memory_space<vmem>>
    %dma_start3A_36 = arith.constant 0 : i32
    %dma_start3A_37 = tpu.memref_slice %arg8[%dma_start3A, %dma_start3A_30, %dma_start3A_36] : memref<2x24x128xi32, #tpu.memory_space<vmem>> -> memref<1x1x128xi32, #tpu.memory_space<vmem>>
    %dma_start3A_38 = tpu.memref_squeeze %dma_start3A_37 : memref<1x1x128xi32, #tpu.memory_space<vmem>> -> memref<128xi32, #tpu.memory_space<vmem>>
    %dma_start3A_39 = arith.constant 0 : i32
    %dma_start3A_40 = arith.constant 0 : i32
    %dma_start3A_41 = tpu.memref_slice %arg2[%dma_start3A_39, %dma_start3A_40] : memref<10000x128xf32, #tpu.memory_space<hbm>> -> memref<10000x128xf32, #tpu.memory_space<hbm>>
    tpu.enqueue_indirect_dma source(%dma_start3A_41 : memref<10000x128xf32, #tpu.memory_space<hbm>>) target(%dma_start3A_35 : memref<128x128xf32, #tpu.memory_space<vmem>>) offsets(%dma_start3A_38 : memref<128xi32, #tpu.memory_space<vmem>>) semaphore(%arg11 : memref<!tpu.dma_semaphore, #tpu.memory_space<semaphore_mem>>)
    %dma_start3A_42 = arith.constant 0 : i32
    %dma_start3A_43 = arith.constant 1 : i32
    %dma_start3A_44 = arith.constant 1 : i32
    %dma_start3A_45 = arith.constant 0 : i32
    %dma_start3A_46 = arith.constant 0 : i32
    %dma_start3A_47 = tpu.memref_slice %arg10[%dma_start3A_44, %dma_start3A_45, %dma_start3A_46] : memref<2x128x128xf32, #tpu.memory_space<vmem>> -> memref<1x128x128xf32, #tpu.memory_space<vmem>>
    %dma_start3A_48 = tpu.memref_squeeze %dma_start3A_47 : memref<1x128x128xf32, #tpu.memory_space<vmem>> -> memref<128x128xf32, #tpu.memory_space<vmem>>
    %dma_start3A_49 = arith.constant 0 : i32
    %dma_start3A_50 = tpu.memref_slice %arg8[%dma_start3A_42, %dma_start3A_43, %dma_start3A_49] : memref<2x24x128xi32, #tpu.memory_space<vmem>> -> memref<1x1x128xi32, #tpu.memory_space<vmem>>
    %dma_start3A_51 = tpu.memref_squeeze %dma_start3A_50 : memref<1x1x128xi32, #tpu.memory_space<vmem>> -> memref<128xi32, #tpu.memory_space<vmem>>
    %dma_start3A_52 = arith.constant 0 : i32
    %dma_start3A_53 = arith.constant 0 : i32
    %dma_start3A_54 = tpu.memref_slice %arg2[%dma_start3A_52, %dma_start3A_53] : memref<10000x128xf32, #tpu.memory_space<hbm>> -> memref<10000x128xf32, #tpu.memory_space<hbm>>
    tpu.enqueue_indirect_dma source(%dma_start3A_54 : memref<10000x128xf32, #tpu.memory_space<hbm>>) target(%dma_start3A_48 : memref<128x128xf32, #tpu.memory_space<vmem>>) offsets(%dma_start3A_51 : memref<128xi32, #tpu.memory_space<vmem>>) semaphore(%arg12 : memref<!tpu.dma_semaphore, #tpu.memory_space<semaphore_mem>>)
    %eq3A_55 = arith.constant 0 : i32
    %eq3A_56 = arith.cmpi eq, %arg0, %eq3A_55 : i32
    %lt3A_57 = arith.constant 15 : i32
    %lt3A_58 = arith.cmpi slt, %arg1, %lt3A_57 : i32
    %and3A_59 = arith.andi %eq3A_56, %lt3A_58 : i1
    %convert_element_type3A_60 = arith.extui %and3A_59 : i1 to i32
    %cond3A_61 = arith.constant 0 : i32
    %cond3A_62 = arith.cmpi ne, %convert_element_type3A_60, %cond3A_61 : i32
    scf.if %cond3A_62 {
      %mul3A_128 = arith.constant 632 : i32
      %mul3A_129 = arith.muli %arg1, %mul3A_128 : i32
      %mul3A_130 = arith.constant 632 : i32
      %mul3A_131 = arith.muli %arg1, %mul3A_130 : i32
      %dma_wait3A_132 = arith.constant 0 : i32
      %dma_wait3A_133 = tpu.memref_slice %arg7[%mul3A_131, %dma_wait3A_132] : memref<10016x128xf32, #tpu.memory_space<vmem_shared>> -> memref<632x128xf32, #tpu.memory_space<vmem_shared>>
      %dma_wait3A_134 = arith.constant 0 : i32
      %dma_wait3A_135 = tpu.memref_slice %arg2[%mul3A_129, %dma_wait3A_134] : memref<10000x128xf32, #tpu.memory_space<hbm>> -> memref<632x128xf32, #tpu.memory_space<hbm>>
      tpu.wait_dma2 semaphore(%arg14 : memref<!tpu.dma_semaphore, #tpu.memory_space<semaphore_mem>>) src(%dma_wait3A_135 : memref<632x128xf32, #tpu.memory_space<hbm>>) dst(%dma_wait3A_133 : memref<632x128xf32, #tpu.memory_space<vmem_shared>>)
    } else {
    }
    %eq3A_63 = arith.constant 0 : i32
    %eq3A_64 = arith.cmpi eq, %arg0, %eq3A_63 : i32
    %eq3A_65 = arith.constant 15 : i32
    %eq3A_66 = arith.cmpi eq, %arg1, %eq3A_65 : i32
    %and3A_67 = arith.andi %eq3A_64, %eq3A_66 : i1
    %convert_element_type3A_68 = arith.extui %and3A_67 : i1 to i32
    %cond3A_69 = arith.constant 0 : i32
    %cond3A_70 = arith.cmpi ne, %convert_element_type3A_68, %cond3A_69 : i32
    scf.if %cond3A_70 {
      %dma_wait3A_128 = arith.constant 9480 : i32
      %dma_wait3A_129 = arith.constant 0 : i32
      %dma_wait3A_130 = tpu.memref_slice %arg7[%dma_wait3A_128, %dma_wait3A_129] : memref<10016x128xf32, #tpu.memory_space<vmem_shared>> -> memref<520x128xf32, #tpu.memory_space<vmem_shared>>
      %dma_wait3A_131 = arith.constant 9480 : i32
      %dma_wait3A_132 = arith.constant 0 : i32
      %dma_wait3A_133 = tpu.memref_slice %arg2[%dma_wait3A_131, %dma_wait3A_132] : memref<10000x128xf32, #tpu.memory_space<hbm>> -> memref<520x128xf32, #tpu.memory_space<hbm>>
      tpu.wait_dma2 semaphore(%arg14 : memref<!tpu.dma_semaphore, #tpu.memory_space<semaphore_mem>>) src(%dma_wait3A_133 : memref<520x128xf32, #tpu.memory_space<hbm>>) dst(%dma_wait3A_130 : memref<520x128xf32, #tpu.memory_space<vmem_shared>>)
      %dma_wait3A_134 = arith.constant 10000 : i32
      %dma_wait3A_135 = arith.constant 0 : i32
      %dma_wait3A_136 = tpu.memref_slice %arg7[%dma_wait3A_134, %dma_wait3A_135] : memref<10016x128xf32, #tpu.memory_space<vmem_shared>> -> memref<16x128xf32, #tpu.memory_space<vmem_shared>>
      %dma_wait3A_137 = arith.constant 0 : i32
      %dma_wait3A_138 = arith.constant 0 : i32
      %dma_wait3A_139 = tpu.memref_slice %arg3[%dma_wait3A_137, %dma_wait3A_138] : memref<10016x128xf32, #tpu.memory_space<hbm>> -> memref<16x128xf32, #tpu.memory_space<hbm>>
      tpu.wait_dma2 semaphore(%arg14 : memref<!tpu.dma_semaphore, #tpu.memory_space<semaphore_mem>>) src(%dma_wait3A_139 : memref<16x128xf32, #tpu.memory_space<hbm>>) dst(%dma_wait3A_136 : memref<16x128xf32, #tpu.memory_space<vmem_shared>>)
    } else {
    }
    %ne3A_71 = arith.constant 0 : i32
    %ne3A_72 = arith.cmpi ne, %arg0, %ne3A_71 : i32
    %lt3A_73 = arith.constant 15 : i32
    %lt3A_74 = arith.cmpi slt, %arg1, %lt3A_73 : i32
    %and3A_75 = arith.andi %ne3A_72, %lt3A_74 : i1
    %convert_element_type3A_76 = arith.extui %and3A_75 : i1 to i32
    %cond3A_77 = arith.constant 0 : i32
    %cond3A_78 = arith.cmpi ne, %convert_element_type3A_76, %cond3A_77 : i32
    scf.if %cond3A_78 {
      %mul3A_128 = arith.constant 632 : i32
      %mul3A_129 = arith.muli %arg1, %mul3A_128 : i32
      %mul3A_130 = arith.constant 632 : i32
      %mul3A_131 = arith.muli %arg1, %mul3A_130 : i32
      %dma_wait3A_132 = arith.constant 0 : i32
      %dma_wait3A_133 = tpu.memref_slice %arg7[%mul3A_131, %dma_wait3A_132] : memref<10016x128xf32, #tpu.memory_space<vmem_shared>> -> memref<632x128xf32, #tpu.memory_space<vmem_shared>>
      %dma_wait3A_134 = arith.constant 0 : i32
      %dma_wait3A_135 = tpu.memref_slice %arg3[%mul3A_129, %dma_wait3A_134] : memref<10016x128xf32, #tpu.memory_space<hbm>> -> memref<632x128xf32, #tpu.memory_space<hbm>>
      tpu.wait_dma2 semaphore(%arg14 : memref<!tpu.dma_semaphore, #tpu.memory_space<semaphore_mem>>) src(%dma_wait3A_135 : memref<632x128xf32, #tpu.memory_space<hbm>>) dst(%dma_wait3A_133 : memref<632x128xf32, #tpu.memory_space<vmem_shared>>)
    } else {
    }
    %ne3A_79 = arith.constant 0 : i32
    %ne3A_80 = arith.cmpi ne, %arg0, %ne3A_79 : i32
    %eq3A_81 = arith.constant 15 : i32
    %eq3A_82 = arith.cmpi eq, %arg1, %eq3A_81 : i32
    %and3A_83 = arith.andi %ne3A_80, %eq3A_82 : i1
    %convert_element_type3A_84 = arith.extui %and3A_83 : i1 to i32
    %cond3A_85 = arith.constant 0 : i32
    %cond3A_86 = arith.cmpi ne, %convert_element_type3A_84, %cond3A_85 : i32
    scf.if %cond3A_86 {
      %dma_wait3A_128 = arith.constant 9480 : i32
      %dma_wait3A_129 = arith.constant 0 : i32
      %dma_wait3A_130 = tpu.memref_slice %arg7[%dma_wait3A_128, %dma_wait3A_129] : memref<10016x128xf32, #tpu.memory_space<vmem_shared>> -> memref<536x128xf32, #tpu.memory_space<vmem_shared>>
      %dma_wait3A_131 = arith.constant 9480 : i32
      %dma_wait3A_132 = arith.constant 0 : i32
      %dma_wait3A_133 = tpu.memref_slice %arg3[%dma_wait3A_131, %dma_wait3A_132] : memref<10016x128xf32, #tpu.memory_space<hbm>> -> memref<536x128xf32, #tpu.memory_space<hbm>>
      tpu.wait_dma2 semaphore(%arg14 : memref<!tpu.dma_semaphore, #tpu.memory_space<semaphore_mem>>) src(%dma_wait3A_133 : memref<536x128xf32, #tpu.memory_space<hbm>>) dst(%dma_wait3A_130 : memref<536x128xf32, #tpu.memory_space<vmem_shared>>)
    } else {
    }
    %barrier3A = arith.constant 0 : index
    tpu.barrier barrier_id(%barrier3A)
    %scan3A = arith.constant 0 : i32
    %scan3A_87 = arith.constant 0 : i32
    %scan3A_88 = arith.constant 5 : i32
    %scan3A_89 = arith.addi %scan3A_87, %scan3A_88 : i32
    %scan3A_90 = arith.constant 1 : i32
    scf.for %scan3A_128 = %scan3A_87 to %scan3A_89 step %scan3A_90  : i32 {
      %rem3A = arith.constant 2 : i32
      %rem3A_129 = arith.remsi %scan3A_128, %rem3A : i32
      %sub3A = arith.constant 1 : i32
      %sub3A_130 = arith.subi %sub3A, %rem3A_129 : i32
      %gt3A = arith.constant 0 : i32
      %gt3A_131 = arith.cmpi sgt, %scan3A_128, %gt3A : i32
      %convert_element_type3A_132 = arith.extui %gt3A_131 : i1 to i32
      %cond3A_133 = arith.constant 0 : i32
      %cond3A_134 = arith.cmpi ne, %convert_element_type3A_132, %cond3A_133 : i32
      scf.if %cond3A_134 {
        %dma_wait3A_148 = arith.constant 0 : i32
        %dma_wait3A_149 = arith.constant 0 : i32
        %dma_wait3A_150 = tpu.memref_slice %arg8[%rem3A_129, %dma_wait3A_148, %dma_wait3A_149] : memref<2x24x128xi32, #tpu.memory_space<vmem>> -> memref<1x24x128xi32, #tpu.memory_space<vmem>>
        %dma_wait3A_151 = tpu.memref_squeeze %dma_wait3A_150 : memref<1x24x128xi32, #tpu.memory_space<vmem>> -> memref<24x128xi32, #tpu.memory_space<vmem>>
        %dma_wait3A_152 = arith.constant 0 : i32
        %dma_wait3A_153 = arith.constant 0 : i32
        %dma_wait3A_154 = tpu.memref_slice %arg4[%dma_wait3A_152, %dma_wait3A_153] : memref<2568x128xi32, #tpu.memory_space<hbm>> -> memref<24x128xi32, #tpu.memory_space<hbm>>
        %dma_wait3A_155 = arith.constant 0 : i32
        %dma_wait3A_156 = arith.constant 0 : i32
        %dma_wait3A_157 = tpu.memref_slice %arg8[%rem3A_129, %dma_wait3A_155, %dma_wait3A_156] : memref<2x24x128xi32, #tpu.memory_space<vmem>> -> memref<1x24x128xi32, #tpu.memory_space<vmem>>
        %dma_wait3A_158 = tpu.memref_squeeze %dma_wait3A_157 : memref<1x24x128xi32, #tpu.memory_space<vmem>> -> memref<24x128xi32, #tpu.memory_space<vmem>>
        %dma_wait3A_159 = arith.constant 0 : i32
        %dma_wait3A_160 = arith.constant 0 : i32
        %dma_wait3A_161 = tpu.memref_slice %arg4[%dma_wait3A_159, %dma_wait3A_160] : memref<2568x128xi32, #tpu.memory_space<hbm>> -> memref<24x128xi32, #tpu.memory_space<hbm>>
        tpu.wait_dma2 semaphore(%arg13 : memref<!tpu.dma_semaphore, #tpu.memory_space<semaphore_mem>>) src(%dma_wait3A_161 : memref<24x128xi32, #tpu.memory_space<hbm>>) dst(%dma_wait3A_158 : memref<24x128xi32, #tpu.memory_space<vmem>>)
        %dma_wait3A_162 = arith.constant 0 : i32
        %dma_wait3A_163 = arith.constant 0 : i32
        %dma_wait3A_164 = tpu.memref_slice %arg9[%rem3A_129, %dma_wait3A_162, %dma_wait3A_163] : memref<2x24x128xi32, #tpu.memory_space<vmem>> -> memref<1x24x128xi32, #tpu.memory_space<vmem>>
        %dma_wait3A_165 = tpu.memref_squeeze %dma_wait3A_164 : memref<1x24x128xi32, #tpu.memory_space<vmem>> -> memref<24x128xi32, #tpu.memory_space<vmem>>
        %dma_wait3A_166 = arith.constant 0 : i32
        %dma_wait3A_167 = arith.constant 0 : i32
        %dma_wait3A_168 = tpu.memref_slice %arg5[%dma_wait3A_166, %dma_wait3A_167] : memref<2568x128xi32, #tpu.memory_space<hbm>> -> memref<24x128xi32, #tpu.memory_space<hbm>>
        %dma_wait3A_169 = arith.constant 0 : i32
        %dma_wait3A_170 = arith.constant 0 : i32
        %dma_wait3A_171 = tpu.memref_slice %arg9[%rem3A_129, %dma_wait3A_169, %dma_wait3A_170] : memref<2x24x128xi32, #tpu.memory_space<vmem>> -> memref<1x24x128xi32, #tpu.memory_space<vmem>>
        %dma_wait3A_172 = tpu.memref_squeeze %dma_wait3A_171 : memref<1x24x128xi32, #tpu.memory_space<vmem>> -> memref<24x128xi32, #tpu.memory_space<vmem>>
        %dma_wait3A_173 = arith.constant 0 : i32
        %dma_wait3A_174 = arith.constant 0 : i32
        %dma_wait3A_175 = tpu.memref_slice %arg5[%dma_wait3A_173, %dma_wait3A_174] : memref<2568x128xi32, #tpu.memory_space<hbm>> -> memref<24x128xi32, #tpu.memory_space<hbm>>
        tpu.wait_dma2 semaphore(%arg13 : memref<!tpu.dma_semaphore, #tpu.memory_space<semaphore_mem>>) src(%dma_wait3A_175 : memref<24x128xi32, #tpu.memory_space<hbm>>) dst(%dma_wait3A_172 : memref<24x128xi32, #tpu.memory_space<vmem>>)
      } else {
      }
      %add3A_135 = arith.constant 1 : i32
      %add3A_136 = arith.addi %scan3A_128, %add3A_135 : i32
      %lt3A_137 = arith.constant 5 : i32
      %lt3A_138 = arith.cmpi slt, %add3A_136, %lt3A_137 : i32
      %convert_element_type3A_139 = arith.extui %lt3A_138 : i1 to i32
      %cond3A_140 = arith.constant 0 : i32
      %cond3A_141 = arith.cmpi ne, %convert_element_type3A_139, %cond3A_140 : i32
      scf.if %cond3A_141 {
        %add3A_148 = arith.constant 1 : i32
        %add3A_149 = arith.addi %scan3A_128, %add3A_148 : i32
        %mul3A_150 = arith.constant 16 : i32
        %mul3A_151 = arith.muli %add3A_149, %mul3A_150 : i32
        %add3A_152 = arith.addi %mul3A_28, %mul3A_151 : i32
        %dma_start3A_153 = arith.constant 0 : i32
        %dma_start3A_154 = arith.constant 0 : i32
        %dma_start3A_155 = tpu.memref_slice %arg8[%sub3A_130, %dma_start3A_153, %dma_start3A_154] : memref<2x24x128xi32, #tpu.memory_space<vmem>> -> memref<1x24x128xi32, #tpu.memory_space<vmem>>
        %dma_start3A_156 = tpu.memref_squeeze %dma_start3A_155 : memref<1x24x128xi32, #tpu.memory_space<vmem>> -> memref<24x128xi32, #tpu.memory_space<vmem>>
        %dma_start3A_157 = arith.constant 0 : i32
        %dma_start3A_158 = tpu.memref_slice %arg4[%add3A_152, %dma_start3A_157] : memref<2568x128xi32, #tpu.memory_space<hbm>> -> memref<24x128xi32, #tpu.memory_space<hbm>>
        %dma_start3A_159 = arith.constant 0 : i32
        %dma_start3A_160 = arith.constant 0 : i32
        %dma_start3A_161 = tpu.memref_slice %arg8[%sub3A_130, %dma_start3A_159, %dma_start3A_160] : memref<2x24x128xi32, #tpu.memory_space<vmem>> -> memref<1x24x128xi32, #tpu.memory_space<vmem>>
        %dma_start3A_162 = tpu.memref_squeeze %dma_start3A_161 : memref<1x24x128xi32, #tpu.memory_space<vmem>> -> memref<24x128xi32, #tpu.memory_space<vmem>>
        %dma_start3A_163 = arith.constant 0 : i32
        %dma_start3A_164 = tpu.memref_slice %arg4[%add3A_152, %dma_start3A_163] : memref<2568x128xi32, #tpu.memory_space<hbm>> -> memref<24x128xi32, #tpu.memory_space<hbm>>
        tpu.enqueue_dma source(%dma_start3A_164 : memref<24x128xi32, #tpu.memory_space<hbm>>) target(%dma_start3A_162 : memref<24x128xi32, #tpu.memory_space<vmem>>) target_semaphore(%arg13 : memref<!tpu.dma_semaphore, #tpu.memory_space<semaphore_mem>>)
        %dma_start3A_165 = arith.constant 0 : i32
        %dma_start3A_166 = arith.constant 0 : i32
        %dma_start3A_167 = tpu.memref_slice %arg9[%sub3A_130, %dma_start3A_165, %dma_start3A_166] : memref<2x24x128xi32, #tpu.memory_space<vmem>> -> memref<1x24x128xi32, #tpu.memory_space<vmem>>
        %dma_start3A_168 = tpu.memref_squeeze %dma_start3A_167 : memref<1x24x128xi32, #tpu.memory_space<vmem>> -> memref<24x128xi32, #tpu.memory_space<vmem>>
        %dma_start3A_169 = arith.constant 0 : i32
        %dma_start3A_170 = tpu.memref_slice %arg5[%add3A_152, %dma_start3A_169] : memref<2568x128xi32, #tpu.memory_space<hbm>> -> memref<24x128xi32, #tpu.memory_space<hbm>>
        %dma_start3A_171 = arith.constant 0 : i32
        %dma_start3A_172 = arith.constant 0 : i32
        %dma_start3A_173 = tpu.memref_slice %arg9[%sub3A_130, %dma_start3A_171, %dma_start3A_172] : memref<2x24x128xi32, #tpu.memory_space<vmem>> -> memref<1x24x128xi32, #tpu.memory_space<vmem>>
        %dma_start3A_174 = tpu.memref_squeeze %dma_start3A_173 : memref<1x24x128xi32, #tpu.memory_space<vmem>> -> memref<24x128xi32, #tpu.memory_space<vmem>>
        %dma_start3A_175 = arith.constant 0 : i32
        %dma_start3A_176 = tpu.memref_slice %arg5[%add3A_152, %dma_start3A_175] : memref<2568x128xi32, #tpu.memory_space<hbm>> -> memref<24x128xi32, #tpu.memory_space<hbm>>
        tpu.enqueue_dma source(%dma_start3A_176 : memref<24x128xi32, #tpu.memory_space<hbm>>) target(%dma_start3A_174 : memref<24x128xi32, #tpu.memory_space<vmem>>) target_semaphore(%arg13 : memref<!tpu.dma_semaphore, #tpu.memory_space<semaphore_mem>>)
      } else {
      }
      %scan3A_142 = arith.constant 0 : i32
      %scan3A_143 = arith.constant 0 : i32
      %scan3A_144 = arith.constant 8 : i32
      %scan3A_145 = arith.addi %scan3A_143, %scan3A_144 : i32
      %scan3A_146 = arith.constant 1 : i32
      scf.for %scan3A_148 = %scan3A_143 to %scan3A_145 step %scan3A_146  : i32 {
        %mul3A_149 = arith.constant 2 : i32
        %mul3A_150 = arith.muli %mul3A_149, %scan3A_148 : i32
        %dma_wait3A_151 = arith.constant 0 : i32
        %dma_wait3A_152 = arith.constant 0 : i32
        %dma_wait3A_153 = arith.constant 0 : i32
        %dma_wait3A_154 = tpu.memref_slice %arg10[%dma_wait3A_151, %dma_wait3A_152, %dma_wait3A_153] : memref<2x128x128xf32, #tpu.memory_space<vmem>> -> memref<1x128x128xf32, #tpu.memory_space<vmem>>
        %dma_wait3A_155 = tpu.memref_squeeze %dma_wait3A_154 : memref<1x128x128xf32, #tpu.memory_space<vmem>> -> memref<128x128xf32, #tpu.memory_space<vmem>>
        %dma_wait3A_156 = arith.constant 0 : i32
        %dma_wait3A_157 = tpu.memref_slice %arg8[%rem3A_129, %mul3A_150, %dma_wait3A_156] : memref<2x24x128xi32, #tpu.memory_space<vmem>> -> memref<1x1x128xi32, #tpu.memory_space<vmem>>
        %dma_wait3A_158 = tpu.memref_squeeze %dma_wait3A_157 : memref<1x1x128xi32, #tpu.memory_space<vmem>> -> memref<128xi32, #tpu.memory_space<vmem>>
        %dma_wait3A_159 = arith.constant 0 : i32
        %dma_wait3A_160 = arith.constant 0 : i32
        %dma_wait3A_161 = tpu.memref_slice %arg2[%dma_wait3A_159, %dma_wait3A_160] : memref<10000x128xf32, #tpu.memory_space<hbm>> -> memref<10000x128xf32, #tpu.memory_space<hbm>>
        tpu.wait_indirect_dma semaphore(%arg11 : memref<!tpu.dma_semaphore, #tpu.memory_space<semaphore_mem>>) src(%dma_wait3A_161 : memref<10000x128xf32, #tpu.memory_space<hbm>>) dst(%dma_wait3A_155 : memref<128x128xf32, #tpu.memory_space<vmem>>)
        %run_scoped3A_162 = arith.constant 0 : i32
        "tpu.region"() ({
          %run_scoped3A_205 = tpu.sem_alloc : memref<!tpu.dma_semaphore, #tpu.memory_space<semaphore_mem>>
          %dma_start3A_206 = arith.constant 0 : i32
          %dma_start3A_207 = arith.constant 0 : i32
          %dma_start3A_208 = tpu.memref_slice %arg10[%run_scoped3A_162, %dma_start3A_206, %dma_start3A_207] : memref<2x128x128xf32, #tpu.memory_space<vmem>> -> memref<1x128x128xf32, #tpu.memory_space<vmem>>
          %dma_start3A_209 = tpu.memref_squeeze %dma_start3A_208 : memref<1x128x128xf32, #tpu.memory_space<vmem>> -> memref<128x128xf32, #tpu.memory_space<vmem>>
          %dma_start3A_210 = arith.constant 0 : i32
          %dma_start3A_211 = tpu.memref_slice %arg9[%rem3A_129, %mul3A_150, %dma_start3A_210] : memref<2x24x128xi32, #tpu.memory_space<vmem>> -> memref<1x1x128xi32, #tpu.memory_space<vmem>>
          %dma_start3A_212 = tpu.memref_squeeze %dma_start3A_211 : memref<1x1x128xi32, #tpu.memory_space<vmem>> -> memref<128xi32, #tpu.memory_space<vmem>>
          %dma_start3A_213 = arith.constant 0 : i32
          %dma_start3A_214 = arith.constant 0 : i32
          %dma_start3A_215 = tpu.memref_slice %arg7[%dma_start3A_213, %dma_start3A_214] : memref<10016x128xf32, #tpu.memory_space<vmem_shared>> -> memref<10016x128xf32, #tpu.memory_space<vmem_shared>>
          tpu.enqueue_indirect_dma source(%dma_start3A_209 : memref<128x128xf32, #tpu.memory_space<vmem>>) target(%dma_start3A_215 : memref<10016x128xf32, #tpu.memory_space<vmem_shared>>) offsets(%dma_start3A_212 : memref<128xi32, #tpu.memory_space<vmem>>) semaphore(%run_scoped3A_205 : memref<!tpu.dma_semaphore, #tpu.memory_space<semaphore_mem>>) {add = true}
          %dma_wait3A_216 = arith.constant 0 : i32
          %dma_wait3A_217 = arith.constant 0 : i32
          %dma_wait3A_218 = tpu.memref_slice %arg10[%run_scoped3A_162, %dma_wait3A_216, %dma_wait3A_217] : memref<2x128x128xf32, #tpu.memory_space<vmem>> -> memref<1x128x128xf32, #tpu.memory_space<vmem>>
          %dma_wait3A_219 = tpu.memref_squeeze %dma_wait3A_218 : memref<1x128x128xf32, #tpu.memory_space<vmem>> -> memref<128x128xf32, #tpu.memory_space<vmem>>
          %dma_wait3A_220 = arith.constant 0 : i32
          %dma_wait3A_221 = tpu.memref_slice %arg9[%rem3A_129, %mul3A_150, %dma_wait3A_220] : memref<2x24x128xi32, #tpu.memory_space<vmem>> -> memref<1x1x128xi32, #tpu.memory_space<vmem>>
          %dma_wait3A_222 = tpu.memref_squeeze %dma_wait3A_221 : memref<1x1x128xi32, #tpu.memory_space<vmem>> -> memref<128xi32, #tpu.memory_space<vmem>>
          %dma_wait3A_223 = arith.constant 0 : i32
          %dma_wait3A_224 = arith.constant 0 : i32
          %dma_wait3A_225 = tpu.memref_slice %arg7[%dma_wait3A_223, %dma_wait3A_224] : memref<10016x128xf32, #tpu.memory_space<vmem_shared>> -> memref<10016x128xf32, #tpu.memory_space<vmem_shared>>
          tpu.wait_indirect_dma semaphore(%run_scoped3A_205 : memref<!tpu.dma_semaphore, #tpu.memory_space<semaphore_mem>>) src(%dma_wait3A_219 : memref<128x128xf32, #tpu.memory_space<vmem>>) dst(%dma_wait3A_225 : memref<10016x128xf32, #tpu.memory_space<vmem_shared>>)
          tpu.yield
        }) : () -> ()
        %add3A_163 = arith.constant 2 : i32
        %add3A_164 = arith.addi %mul3A_150, %add3A_163 : i32
        %dma_start3A_165 = arith.constant 0 : i32
        %dma_start3A_166 = arith.constant 0 : i32
        %dma_start3A_167 = arith.constant 0 : i32
        %dma_start3A_168 = tpu.memref_slice %arg10[%dma_start3A_165, %dma_start3A_166, %dma_start3A_167] : memref<2x128x128xf32, #tpu.memory_space<vmem>> -> memref<1x128x128xf32, #tpu.memory_space<vmem>>
        %dma_start3A_169 = tpu.memref_squeeze %dma_start3A_168 : memref<1x128x128xf32, #tpu.memory_space<vmem>> -> memref<128x128xf32, #tpu.memory_space<vmem>>
        %dma_start3A_170 = arith.constant 0 : i32
        %dma_start3A_171 = tpu.memref_slice %arg8[%rem3A_129, %add3A_164, %dma_start3A_170] : memref<2x24x128xi32, #tpu.memory_space<vmem>> -> memref<1x1x128xi32, #tpu.memory_space<vmem>>
        %dma_start3A_172 = tpu.memref_squeeze %dma_start3A_171 : memref<1x1x128xi32, #tpu.memory_space<vmem>> -> memref<128xi32, #tpu.memory_space<vmem>>
        %dma_start3A_173 = arith.constant 0 : i32
        %dma_start3A_174 = arith.constant 0 : i32
        %dma_start3A_175 = tpu.memref_slice %arg2[%dma_start3A_173, %dma_start3A_174] : memref<10000x128xf32, #tpu.memory_space<hbm>> -> memref<10000x128xf32, #tpu.memory_space<hbm>>
        tpu.enqueue_indirect_dma source(%dma_start3A_175 : memref<10000x128xf32, #tpu.memory_space<hbm>>) target(%dma_start3A_169 : memref<128x128xf32, #tpu.memory_space<vmem>>) offsets(%dma_start3A_172 : memref<128xi32, #tpu.memory_space<vmem>>) semaphore(%arg11 : memref<!tpu.dma_semaphore, #tpu.memory_space<semaphore_mem>>)
        %add3A_176 = arith.constant 1 : i32
        %add3A_177 = arith.addi %mul3A_150, %add3A_176 : i32
        %dma_wait3A_178 = arith.constant 1 : i32
        %dma_wait3A_179 = arith.constant 0 : i32
        %dma_wait3A_180 = arith.constant 0 : i32
        %dma_wait3A_181 = tpu.memref_slice %arg10[%dma_wait3A_178, %dma_wait3A_179, %dma_wait3A_180] : memref<2x128x128xf32, #tpu.memory_space<vmem>> -> memref<1x128x128xf32, #tpu.memory_space<vmem>>
        %dma_wait3A_182 = tpu.memref_squeeze %dma_wait3A_181 : memref<1x128x128xf32, #tpu.memory_space<vmem>> -> memref<128x128xf32, #tpu.memory_space<vmem>>
        %dma_wait3A_183 = arith.constant 0 : i32
        %dma_wait3A_184 = tpu.memref_slice %arg8[%rem3A_129, %add3A_177, %dma_wait3A_183] : memref<2x24x128xi32, #tpu.memory_space<vmem>> -> memref<1x1x128xi32, #tpu.memory_space<vmem>>
        %dma_wait3A_185 = tpu.memref_squeeze %dma_wait3A_184 : memref<1x1x128xi32, #tpu.memory_space<vmem>> -> memref<128xi32, #tpu.memory_space<vmem>>
        %dma_wait3A_186 = arith.constant 0 : i32
        %dma_wait3A_187 = arith.constant 0 : i32
        %dma_wait3A_188 = tpu.memref_slice %arg2[%dma_wait3A_186, %dma_wait3A_187] : memref<10000x128xf32, #tpu.memory_space<hbm>> -> memref<10000x128xf32, #tpu.memory_space<hbm>>
        tpu.wait_indirect_dma semaphore(%arg12 : memref<!tpu.dma_semaphore, #tpu.memory_space<semaphore_mem>>) src(%dma_wait3A_188 : memref<10000x128xf32, #tpu.memory_space<hbm>>) dst(%dma_wait3A_182 : memref<128x128xf32, #tpu.memory_space<vmem>>)
        %add3A_189 = arith.constant 1 : i32
        %add3A_190 = arith.addi %mul3A_150, %add3A_189 : i32
        %run_scoped3A_191 = arith.constant 1 : i32
        "tpu.region"() ({
          %run_scoped3A_205 = tpu.sem_alloc : memref<!tpu.dma_semaphore, #tpu.memory_space<semaphore_mem>>
          %dma_start3A_206 = arith.constant 0 : i32
          %dma_start3A_207 = arith.constant 0 : i32
          %dma_start3A_208 = tpu.memref_slice %arg10[%run_scoped3A_191, %dma_start3A_206, %dma_start3A_207] : memref<2x128x128xf32, #tpu.memory_space<vmem>> -> memref<1x128x128xf32, #tpu.memory_space<vmem>>
          %dma_start3A_209 = tpu.memref_squeeze %dma_start3A_208 : memref<1x128x128xf32, #tpu.memory_space<vmem>> -> memref<128x128xf32, #tpu.memory_space<vmem>>
          %dma_start3A_210 = arith.constant 0 : i32
          %dma_start3A_211 = tpu.memref_slice %arg9[%rem3A_129, %add3A_190, %dma_start3A_210] : memref<2x24x128xi32, #tpu.memory_space<vmem>> -> memref<1x1x128xi32, #tpu.memory_space<vmem>>
          %dma_start3A_212 = tpu.memref_squeeze %dma_start3A_211 : memref<1x1x128xi32, #tpu.memory_space<vmem>> -> memref<128xi32, #tpu.memory_space<vmem>>
          %dma_start3A_213 = arith.constant 0 : i32
          %dma_start3A_214 = arith.constant 0 : i32
          %dma_start3A_215 = tpu.memref_slice %arg7[%dma_start3A_213, %dma_start3A_214] : memref<10016x128xf32, #tpu.memory_space<vmem_shared>> -> memref<10016x128xf32, #tpu.memory_space<vmem_shared>>
          tpu.enqueue_indirect_dma source(%dma_start3A_209 : memref<128x128xf32, #tpu.memory_space<vmem>>) target(%dma_start3A_215 : memref<10016x128xf32, #tpu.memory_space<vmem_shared>>) offsets(%dma_start3A_212 : memref<128xi32, #tpu.memory_space<vmem>>) semaphore(%run_scoped3A_205 : memref<!tpu.dma_semaphore, #tpu.memory_space<semaphore_mem>>) {add = true}
          %dma_wait3A_216 = arith.constant 0 : i32
          %dma_wait3A_217 = arith.constant 0 : i32
          %dma_wait3A_218 = tpu.memref_slice %arg10[%run_scoped3A_191, %dma_wait3A_216, %dma_wait3A_217] : memref<2x128x128xf32, #tpu.memory_space<vmem>> -> memref<1x128x128xf32, #tpu.memory_space<vmem>>
          %dma_wait3A_219 = tpu.memref_squeeze %dma_wait3A_218 : memref<1x128x128xf32, #tpu.memory_space<vmem>> -> memref<128x128xf32, #tpu.memory_space<vmem>>
          %dma_wait3A_220 = arith.constant 0 : i32
          %dma_wait3A_221 = tpu.memref_slice %arg9[%rem3A_129, %add3A_190, %dma_wait3A_220] : memref<2x24x128xi32, #tpu.memory_space<vmem>> -> memref<1x1x128xi32, #tpu.memory_space<vmem>>
          %dma_wait3A_222 = tpu.memref_squeeze %dma_wait3A_221 : memref<1x1x128xi32, #tpu.memory_space<vmem>> -> memref<128xi32, #tpu.memory_space<vmem>>
          %dma_wait3A_223 = arith.constant 0 : i32
          %dma_wait3A_224 = arith.constant 0 : i32
          %dma_wait3A_225 = tpu.memref_slice %arg7[%dma_wait3A_223, %dma_wait3A_224] : memref<10016x128xf32, #tpu.memory_space<vmem_shared>> -> memref<10016x128xf32, #tpu.memory_space<vmem_shared>>
          tpu.wait_indirect_dma semaphore(%run_scoped3A_205 : memref<!tpu.dma_semaphore, #tpu.memory_space<semaphore_mem>>) src(%dma_wait3A_219 : memref<128x128xf32, #tpu.memory_space<vmem>>) dst(%dma_wait3A_225 : memref<10016x128xf32, #tpu.memory_space<vmem_shared>>)
          tpu.yield
        }) : () -> ()
        %add3A_192 = arith.constant 3 : i32
        %add3A_193 = arith.addi %mul3A_150, %add3A_192 : i32
        %dma_start3A_194 = arith.constant 1 : i32
        %dma_start3A_195 = arith.constant 0 : i32
        %dma_start3A_196 = arith.constant 0 : i32
        %dma_start3A_197 = tpu.memref_slice %arg10[%dma_start3A_194, %dma_start3A_195, %dma_start3A_196] : memref<2x128x128xf32, #tpu.memory_space<vmem>> -> memref<1x128x128xf32, #tpu.memory_space<vmem>>
        %dma_start3A_198 = tpu.memref_squeeze %dma_start3A_197 : memref<1x128x128xf32, #tpu.memory_space<vmem>> -> memref<128x128xf32, #tpu.memory_space<vmem>>
        %dma_start3A_199 = arith.constant 0 : i32
        %dma_start3A_200 = tpu.memref_slice %arg8[%rem3A_129, %add3A_193, %dma_start3A_199] : memref<2x24x128xi32, #tpu.memory_space<vmem>> -> memref<1x1x128xi32, #tpu.memory_space<vmem>>
        %dma_start3A_201 = tpu.memref_squeeze %dma_start3A_200 : memref<1x1x128xi32, #tpu.memory_space<vmem>> -> memref<128xi32, #tpu.memory_space<vmem>>
        %dma_start3A_202 = arith.constant 0 : i32
        %dma_start3A_203 = arith.constant 0 : i32
        %dma_start3A_204 = tpu.memref_slice %arg2[%dma_start3A_202, %dma_start3A_203] : memref<10000x128xf32, #tpu.memory_space<hbm>> -> memref<10000x128xf32, #tpu.memory_space<hbm>>
        tpu.enqueue_indirect_dma source(%dma_start3A_204 : memref<10000x128xf32, #tpu.memory_space<hbm>>) target(%dma_start3A_198 : memref<128x128xf32, #tpu.memory_space<vmem>>) offsets(%dma_start3A_201 : memref<128xi32, #tpu.memory_space<vmem>>) semaphore(%arg12 : memref<!tpu.dma_semaphore, #tpu.memory_space<semaphore_mem>>)
      }
      %scan3A_147 = arith.constant 8 : i32
    }
    %scan3A_91 = arith.constant 5 : i32
    %dma_wait3A = arith.constant 0 : i32
    %dma_wait3A_92 = arith.constant 0 : i32
    %dma_wait3A_93 = arith.constant 0 : i32
    %dma_wait3A_94 = arith.constant 0 : i32
    %dma_wait3A_95 = arith.constant 0 : i32
    %dma_wait3A_96 = tpu.memref_slice %arg10[%dma_wait3A_93, %dma_wait3A_94, %dma_wait3A_95] : memref<2x128x128xf32, #tpu.memory_space<vmem>> -> memref<1x128x128xf32, #tpu.memory_space<vmem>>
    %dma_wait3A_97 = tpu.memref_squeeze %dma_wait3A_96 : memref<1x128x128xf32, #tpu.memory_space<vmem>> -> memref<128x128xf32, #tpu.memory_space<vmem>>
    %dma_wait3A_98 = arith.constant 0 : i32
    %dma_wait3A_99 = tpu.memref_slice %arg8[%dma_wait3A, %dma_wait3A_92, %dma_wait3A_98] : memref<2x24x128xi32, #tpu.memory_space<vmem>> -> memref<1x1x128xi32, #tpu.memory_space<vmem>>
    %dma_wait3A_100 = tpu.memref_squeeze %dma_wait3A_99 : memref<1x1x128xi32, #tpu.memory_space<vmem>> -> memref<128xi32, #tpu.memory_space<vmem>>
    %dma_wait3A_101 = arith.constant 0 : i32
    %dma_wait3A_102 = arith.constant 0 : i32
    %dma_wait3A_103 = tpu.memref_slice %arg2[%dma_wait3A_101, %dma_wait3A_102] : memref<10000x128xf32, #tpu.memory_space<hbm>> -> memref<10000x128xf32, #tpu.memory_space<hbm>>
    tpu.wait_indirect_dma semaphore(%arg11 : memref<!tpu.dma_semaphore, #tpu.memory_space<semaphore_mem>>) src(%dma_wait3A_103 : memref<10000x128xf32, #tpu.memory_space<hbm>>) dst(%dma_wait3A_97 : memref<128x128xf32, #tpu.memory_space<vmem>>)
    %dma_wait3A_104 = arith.constant 0 : i32
    %dma_wait3A_105 = arith.constant 1 : i32
    %dma_wait3A_106 = arith.constant 1 : i32
    %dma_wait3A_107 = arith.constant 0 : i32
    %dma_wait3A_108 = arith.constant 0 : i32
    %dma_wait3A_109 = tpu.memref_slice %arg10[%dma_wait3A_106, %dma_wait3A_107, %dma_wait3A_108] : memref<2x128x128xf32, #tpu.memory_space<vmem>> -> memref<1x128x128xf32, #tpu.memory_space<vmem>>
    %dma_wait3A_110 = tpu.memref_squeeze %dma_wait3A_109 : memref<1x128x128xf32, #tpu.memory_space<vmem>> -> memref<128x128xf32, #tpu.memory_space<vmem>>
    %dma_wait3A_111 = arith.constant 0 : i32
    %dma_wait3A_112 = tpu.memref_slice %arg8[%dma_wait3A_104, %dma_wait3A_105, %dma_wait3A_111] : memref<2x24x128xi32, #tpu.memory_space<vmem>> -> memref<1x1x128xi32, #tpu.memory_space<vmem>>
    %dma_wait3A_113 = tpu.memref_squeeze %dma_wait3A_112 : memref<1x1x128xi32, #tpu.memory_space<vmem>> -> memref<128xi32, #tpu.memory_space<vmem>>
    %dma_wait3A_114 = arith.constant 0 : i32
    %dma_wait3A_115 = arith.constant 0 : i32
    %dma_wait3A_116 = tpu.memref_slice %arg2[%dma_wait3A_114, %dma_wait3A_115] : memref<10000x128xf32, #tpu.memory_space<hbm>> -> memref<10000x128xf32, #tpu.memory_space<hbm>>
    tpu.wait_indirect_dma semaphore(%arg12 : memref<!tpu.dma_semaphore, #tpu.memory_space<semaphore_mem>>) src(%dma_wait3A_116 : memref<10000x128xf32, #tpu.memory_space<hbm>>) dst(%dma_wait3A_110 : memref<128x128xf32, #tpu.memory_space<vmem>>)
    %barrier3A_117 = arith.constant 0 : index
    tpu.barrier barrier_id(%barrier3A_117)
    %lt3A_118 = arith.constant 15 : i32
    %lt3A_119 = arith.cmpi slt, %arg1, %lt3A_118 : i32
    %convert_element_type3A_120 = arith.extui %lt3A_119 : i1 to i32
    %cond3A_121 = arith.constant 0 : i32
    %cond3A_122 = arith.cmpi ne, %convert_element_type3A_120, %cond3A_121 : i32
    scf.if %cond3A_122 {
      %mul3A_128 = arith.constant 632 : i32
      %mul3A_129 = arith.muli %arg1, %mul3A_128 : i32
      %mul3A_130 = arith.constant 632 : i32
      %mul3A_131 = arith.muli %arg1, %mul3A_130 : i32
      "tpu.region"() ({
        %run_scoped3A_132 = tpu.sem_alloc : memref<!tpu.dma_semaphore, #tpu.memory_space<semaphore_mem>>
        %dma_start3A_133 = arith.constant 0 : i32
        %dma_start3A_134 = tpu.memref_slice %arg6[%arg0, %mul3A_131, %dma_start3A_133] : memref<2x10000x128xf32, #tpu.memory_space<hbm>> -> memref<1x632x128xf32, #tpu.memory_space<hbm>>
        %dma_start3A_135 = tpu.memref_squeeze %dma_start3A_134 : memref<1x632x128xf32, #tpu.memory_space<hbm>> -> memref<632x128xf32, #tpu.memory_space<hbm>>
        %dma_start3A_136 = arith.constant 0 : i32
        %dma_start3A_137 = tpu.memref_slice %arg7[%mul3A_129, %dma_start3A_136] : memref<10016x128xf32, #tpu.memory_space<vmem_shared>> -> memref<632x128xf32, #tpu.memory_space<vmem_shared>>
        tpu.enqueue_dma source(%dma_start3A_137 : memref<632x128xf32, #tpu.memory_space<vmem_shared>>) target(%dma_start3A_135 : memref<632x128xf32, #tpu.memory_space<hbm>>) target_semaphore(%run_scoped3A_132 : memref<!tpu.dma_semaphore, #tpu.memory_space<semaphore_mem>>)
        %dma_wait3A_138 = arith.constant 0 : i32
        %dma_wait3A_139 = tpu.memref_slice %arg6[%arg0, %mul3A_131, %dma_wait3A_138] : memref<2x10000x128xf32, #tpu.memory_space<hbm>> -> memref<1x632x128xf32, #tpu.memory_space<hbm>>
        %dma_wait3A_140 = tpu.memref_squeeze %dma_wait3A_139 : memref<1x632x128xf32, #tpu.memory_space<hbm>> -> memref<632x128xf32, #tpu.memory_space<hbm>>
        %dma_wait3A_141 = arith.constant 0 : i32
        %dma_wait3A_142 = tpu.memref_slice %arg7[%mul3A_129, %dma_wait3A_141] : memref<10016x128xf32, #tpu.memory_space<vmem_shared>> -> memref<632x128xf32, #tpu.memory_space<vmem_shared>>
        tpu.wait_dma2 semaphore(%run_scoped3A_132 : memref<!tpu.dma_semaphore, #tpu.memory_space<semaphore_mem>>) src(%dma_wait3A_142 : memref<632x128xf32, #tpu.memory_space<vmem_shared>>) dst(%dma_wait3A_140 : memref<632x128xf32, #tpu.memory_space<hbm>>)
        tpu.yield
      }) : () -> ()
    } else {
    }
    %eq3A_123 = arith.constant 15 : i32
    %eq3A_124 = arith.cmpi eq, %arg1, %eq3A_123 : i32
    %convert_element_type3A_125 = arith.extui %eq3A_124 : i1 to i32
    %cond3A_126 = arith.constant 0 : i32
    %cond3A_127 = arith.cmpi ne, %convert_element_type3A_125, %cond3A_126 : i32
    scf.if %cond3A_127 {
      "tpu.region"() ({
        %run_scoped3A_128 = tpu.sem_alloc : memref<!tpu.dma_semaphore, #tpu.memory_space<semaphore_mem>>
        %dma_start3A_129 = arith.constant 9480 : i32
        %dma_start3A_130 = arith.constant 0 : i32
        %dma_start3A_131 = tpu.memref_slice %arg6[%arg0, %dma_start3A_129, %dma_start3A_130] : memref<2x10000x128xf32, #tpu.memory_space<hbm>> -> memref<1x520x128xf32, #tpu.memory_space<hbm>>
        %dma_start3A_132 = tpu.memref_squeeze %dma_start3A_131 : memref<1x520x128xf32, #tpu.memory_space<hbm>> -> memref<520x128xf32, #tpu.memory_space<hbm>>
        %dma_start3A_133 = arith.constant 9480 : i32
        %dma_start3A_134 = arith.constant 0 : i32
        %dma_start3A_135 = tpu.memref_slice %arg7[%dma_start3A_133, %dma_start3A_134] : memref<10016x128xf32, #tpu.memory_space<vmem_shared>> -> memref<520x128xf32, #tpu.memory_space<vmem_shared>>
        tpu.enqueue_dma source(%dma_start3A_135 : memref<520x128xf32, #tpu.memory_space<vmem_shared>>) target(%dma_start3A_132 : memref<520x128xf32, #tpu.memory_space<hbm>>) target_semaphore(%run_scoped3A_128 : memref<!tpu.dma_semaphore, #tpu.memory_space<semaphore_mem>>)
        %dma_wait3A_136 = arith.constant 9480 : i32
        %dma_wait3A_137 = arith.constant 0 : i32
        %dma_wait3A_138 = tpu.memref_slice %arg6[%arg0, %dma_wait3A_136, %dma_wait3A_137] : memref<2x10000x128xf32, #tpu.memory_space<hbm>> -> memref<1x520x128xf32, #tpu.memory_space<hbm>>
        %dma_wait3A_139 = tpu.memref_squeeze %dma_wait3A_138 : memref<1x520x128xf32, #tpu.memory_space<hbm>> -> memref<520x128xf32, #tpu.memory_space<hbm>>
        %dma_wait3A_140 = arith.constant 9480 : i32
        %dma_wait3A_141 = arith.constant 0 : i32
        %dma_wait3A_142 = tpu.memref_slice %arg7[%dma_wait3A_140, %dma_wait3A_141] : memref<10016x128xf32, #tpu.memory_space<vmem_shared>> -> memref<520x128xf32, #tpu.memory_space<vmem_shared>>
        tpu.wait_dma2 semaphore(%run_scoped3A_128 : memref<!tpu.dma_semaphore, #tpu.memory_space<semaphore_mem>>) src(%dma_wait3A_142 : memref<520x128xf32, #tpu.memory_space<vmem_shared>>) dst(%dma_wait3A_139 : memref<520x128xf32, #tpu.memory_space<hbm>>)
        tpu.yield
      }) : () -> ()
    } else {
    }
    return
  }
}

#map = affine_map<(d0, d1) -> (0, 0)>
#map1 = affine_map<(d0, d1) -> (0, 0, 0)>
module attributes {stable_mosaic.version = 14 : i64} {
  func.func @seg_sum(%arg0: i32, %arg1: i32, %arg2: memref<10000x128xf32, #tpu.memory_space<hbm>>, %arg3: memref<10016x128xf32, #tpu.memory_space<hbm>>, %arg4: memref<2568x128xi32, #tpu.memory_space<hbm>>, %arg5: memref<2568x128xi32, #tpu.memory_space<hbm>>, %arg6: memref<2x10000x128xf32, #tpu.memory_space<hbm>>, %arg7: memref<10016x128xf32, #tpu.memory_space<vmem_shared>>, %arg8: memref<2x24x128xi32, #tpu.memory_space<vmem>>, %arg9: memref<2x24x128xi32, #tpu.memory_space<vmem>>, %arg10: memref<2x128x128xf32, #tpu.memory_space<vmem>>, %arg11: memref<!tpu.dma_semaphore, #tpu.memory_space<semaphore_mem>>, %arg12: memref<!tpu.dma_semaphore, #tpu.memory_space<semaphore_mem>>, %arg13: memref<!tpu.dma_semaphore, #tpu.memory_space<semaphore_mem>>, %arg14: memref<!tpu.dma_semaphore, #tpu.memory_space<semaphore_mem>>) attributes {dimension_semantics = [#tpu.dimension_semantics<core_parallel>, #tpu.dimension_semantics<subcore_parallel>], iteration_bounds = array<i64: 2, 16>, scalar_prefetch = 0 : i64, scratch_operands = 8 : i64, tpu.core_type = #tpu.core_type<sc_vector_subcore>, window_params = [{transform_indices = #map}, {transform_indices = #map}, {transform_indices = #map}, {transform_indices = #map}, {transform_indices = #map1}]} {
    %mul3A = arith.constant 2 : i32
    %mul3A_0 = arith.muli %arg1, %mul3A : i32
    %add3A = arith.addi %mul3A_0, %arg0 : i32
    %eq3A = arith.constant 0 : i32
    %eq3A_1 = arith.cmpi eq, %arg0, %eq3A : i32
    %lt3A = arith.constant 15 : i32
    %lt3A_2 = arith.cmpi slt, %arg1, %lt3A : i32
    %and3A = arith.andi %eq3A_1, %lt3A_2 : i1
    %convert_element_type3A = arith.extui %and3A : i1 to i32
    %cond3A = arith.constant 0 : i32
    %cond3A_3 = arith.cmpi ne, %convert_element_type3A, %cond3A : i32
    scf.if %cond3A_3 {
      %mul3A_128 = arith.constant 632 : i32
      %mul3A_129 = arith.muli %arg1, %mul3A_128 : i32
      %mul3A_130 = arith.constant 632 : i32
      %mul3A_131 = arith.muli %arg1, %mul3A_130 : i32
      %dma_start3A_132 = arith.constant 0 : i32
      %dma_start3A_133 = tpu.memref_slice %arg7[%mul3A_131, %dma_start3A_132] : memref<10016x128xf32, #tpu.memory_space<vmem_shared>> -> memref<632x128xf32, #tpu.memory_space<vmem_shared>>
      %dma_start3A_134 = arith.constant 0 : i32
      %dma_start3A_135 = tpu.memref_slice %arg2[%mul3A_129, %dma_start3A_134] : memref<10000x128xf32, #tpu.memory_space<hbm>> -> memref<632x128xf32, #tpu.memory_space<hbm>>
      tpu.enqueue_dma source(%dma_start3A_135 : memref<632x128xf32, #tpu.memory_space<hbm>>) target(%dma_start3A_133 : memref<632x128xf32, #tpu.memory_space<vmem_shared>>) target_semaphore(%arg14 : memref<!tpu.dma_semaphore, #tpu.memory_space<semaphore_mem>>)
    } else {
    }
    %eq3A_4 = arith.constant 0 : i32
    %eq3A_5 = arith.cmpi eq, %arg0, %eq3A_4 : i32
    %eq3A_6 = arith.constant 15 : i32
    %eq3A_7 = arith.cmpi eq, %arg1, %eq3A_6 : i32
    %and3A_8 = arith.andi %eq3A_5, %eq3A_7 : i1
    %convert_element_type3A_9 = arith.extui %and3A_8 : i1 to i32
    %cond3A_10 = arith.constant 0 : i32
    %cond3A_11 = arith.cmpi ne, %convert_element_type3A_9, %cond3A_10 : i32
    scf.if %cond3A_11 {
      %dma_start3A_128 = arith.constant 9480 : i32
      %dma_start3A_129 = arith.constant 0 : i32
      %dma_start3A_130 = tpu.memref_slice %arg7[%dma_start3A_128, %dma_start3A_129] : memref<10016x128xf32, #tpu.memory_space<vmem_shared>> -> memref<520x128xf32, #tpu.memory_space<vmem_shared>>
      %dma_start3A_131 = arith.constant 9480 : i32
      %dma_start3A_132 = arith.constant 0 : i32
      %dma_start3A_133 = tpu.memref_slice %arg2[%dma_start3A_131, %dma_start3A_132] : memref<10000x128xf32, #tpu.memory_space<hbm>> -> memref<520x128xf32, #tpu.memory_space<hbm>>
      tpu.enqueue_dma source(%dma_start3A_133 : memref<520x128xf32, #tpu.memory_space<hbm>>) target(%dma_start3A_130 : memref<520x128xf32, #tpu.memory_space<vmem_shared>>) target_semaphore(%arg14 : memref<!tpu.dma_semaphore, #tpu.memory_space<semaphore_mem>>)
      %dma_start3A_134 = arith.constant 10000 : i32
      %dma_start3A_135 = arith.constant 0 : i32
      %dma_start3A_136 = tpu.memref_slice %arg7[%dma_start3A_134, %dma_start3A_135] : memref<10016x128xf32, #tpu.memory_space<vmem_shared>> -> memref<16x128xf32, #tpu.memory_space<vmem_shared>>
      %dma_start3A_137 = arith.constant 0 : i32
      %dma_start3A_138 = arith.constant 0 : i32
      %dma_start3A_139 = tpu.memref_slice %arg3[%dma_start3A_137, %dma_start3A_138] : memref<10016x128xf32, #tpu.memory_space<hbm>> -> memref<16x128xf32, #tpu.memory_space<hbm>>
      tpu.enqueue_dma source(%dma_start3A_139 : memref<16x128xf32, #tpu.memory_space<hbm>>) target(%dma_start3A_136 : memref<16x128xf32, #tpu.memory_space<vmem_shared>>) target_semaphore(%arg14 : memref<!tpu.dma_semaphore, #tpu.memory_space<semaphore_mem>>)
    } else {
    }
    %ne3A = arith.constant 0 : i32
    %ne3A_12 = arith.cmpi ne, %arg0, %ne3A : i32
    %lt3A_13 = arith.constant 15 : i32
    %lt3A_14 = arith.cmpi slt, %arg1, %lt3A_13 : i32
    %and3A_15 = arith.andi %ne3A_12, %lt3A_14 : i1
    %convert_element_type3A_16 = arith.extui %and3A_15 : i1 to i32
    %cond3A_17 = arith.constant 0 : i32
    %cond3A_18 = arith.cmpi ne, %convert_element_type3A_16, %cond3A_17 : i32
    scf.if %cond3A_18 {
      %mul3A_128 = arith.constant 632 : i32
      %mul3A_129 = arith.muli %arg1, %mul3A_128 : i32
      %mul3A_130 = arith.constant 632 : i32
      %mul3A_131 = arith.muli %arg1, %mul3A_130 : i32
      %dma_start3A_132 = arith.constant 0 : i32
      %dma_start3A_133 = tpu.memref_slice %arg7[%mul3A_131, %dma_start3A_132] : memref<10016x128xf32, #tpu.memory_space<vmem_shared>> -> memref<632x128xf32, #tpu.memory_space<vmem_shared>>
      %dma_start3A_134 = arith.constant 0 : i32
      %dma_start3A_135 = tpu.memref_slice %arg3[%mul3A_129, %dma_start3A_134] : memref<10016x128xf32, #tpu.memory_space<hbm>> -> memref<632x128xf32, #tpu.memory_space<hbm>>
      tpu.enqueue_dma source(%dma_start3A_135 : memref<632x128xf32, #tpu.memory_space<hbm>>) target(%dma_start3A_133 : memref<632x128xf32, #tpu.memory_space<vmem_shared>>) target_semaphore(%arg14 : memref<!tpu.dma_semaphore, #tpu.memory_space<semaphore_mem>>)
    } else {
    }
    %ne3A_19 = arith.constant 0 : i32
    %ne3A_20 = arith.cmpi ne, %arg0, %ne3A_19 : i32
    %eq3A_21 = arith.constant 15 : i32
    %eq3A_22 = arith.cmpi eq, %arg1, %eq3A_21 : i32
    %and3A_23 = arith.andi %ne3A_20, %eq3A_22 : i1
    %convert_element_type3A_24 = arith.extui %and3A_23 : i1 to i32
    %cond3A_25 = arith.constant 0 : i32
    %cond3A_26 = arith.cmpi ne, %convert_element_type3A_24, %cond3A_25 : i32
    scf.if %cond3A_26 {
      %dma_start3A_128 = arith.constant 9480 : i32
      %dma_start3A_129 = arith.constant 0 : i32
      %dma_start3A_130 = tpu.memref_slice %arg7[%dma_start3A_128, %dma_start3A_129] : memref<10016x128xf32, #tpu.memory_space<vmem_shared>> -> memref<536x128xf32, #tpu.memory_space<vmem_shared>>
      %dma_start3A_131 = arith.constant 9480 : i32
      %dma_start3A_132 = arith.constant 0 : i32
      %dma_start3A_133 = tpu.memref_slice %arg3[%dma_start3A_131, %dma_start3A_132] : memref<10016x128xf32, #tpu.memory_space<hbm>> -> memref<536x128xf32, #tpu.memory_space<hbm>>
      tpu.enqueue_dma source(%dma_start3A_133 : memref<536x128xf32, #tpu.memory_space<hbm>>) target(%dma_start3A_130 : memref<536x128xf32, #tpu.memory_space<vmem_shared>>) target_semaphore(%arg14 : memref<!tpu.dma_semaphore, #tpu.memory_space<semaphore_mem>>)
    } else {
    }
    %mul3A_27 = arith.constant 80 : i32
    %mul3A_28 = arith.muli %add3A, %mul3A_27 : i32
    %run_scoped3A = arith.constant 0 : i32
    "tpu.region"() ({
      %run_scoped3A_128 = tpu.sem_alloc : memref<!tpu.dma_semaphore, #tpu.memory_space<semaphore_mem>>
      %dma_start3A_129 = arith.constant 0 : i32
      %dma_start3A_130 = arith.constant 0 : i32
      %dma_start3A_131 = tpu.memref_slice %arg8[%run_scoped3A, %dma_start3A_129, %dma_start3A_130] : memref<2x24x128xi32, #tpu.memory_space<vmem>> -> memref<1x24x128xi32, #tpu.memory_space<vmem>>
      %dma_start3A_132 = tpu.memref_squeeze %dma_start3A_131 : memref<1x24x128xi32, #tpu.memory_space<vmem>> -> memref<24x128xi32, #tpu.memory_space<vmem>>
      %dma_start3A_133 = arith.constant 0 : i32
      %dma_start3A_134 = tpu.memref_slice %arg4[%mul3A_28, %dma_start3A_133] : memref<2568x128xi32, #tpu.memory_space<hbm>> -> memref<24x128xi32, #tpu.memory_space<hbm>>
      %dma_start3A_135 = arith.constant 0 : i32
      %dma_start3A_136 = arith.constant 0 : i32
      %dma_start3A_137 = tpu.memref_slice %arg8[%run_scoped3A, %dma_start3A_135, %dma_start3A_136] : memref<2x24x128xi32, #tpu.memory_space<vmem>> -> memref<1x24x128xi32, #tpu.memory_space<vmem>>
      %dma_start3A_138 = tpu.memref_squeeze %dma_start3A_137 : memref<1x24x128xi32, #tpu.memory_space<vmem>> -> memref<24x128xi32, #tpu.memory_space<vmem>>
      %dma_start3A_139 = arith.constant 0 : i32
      %dma_start3A_140 = tpu.memref_slice %arg4[%mul3A_28, %dma_start3A_139] : memref<2568x128xi32, #tpu.memory_space<hbm>> -> memref<24x128xi32, #tpu.memory_space<hbm>>
      tpu.enqueue_dma source(%dma_start3A_140 : memref<24x128xi32, #tpu.memory_space<hbm>>) target(%dma_start3A_138 : memref<24x128xi32, #tpu.memory_space<vmem>>) target_semaphore(%run_scoped3A_128 : memref<!tpu.dma_semaphore, #tpu.memory_space<semaphore_mem>>)
      %dma_wait3A_141 = arith.constant 0 : i32
      %dma_wait3A_142 = arith.constant 0 : i32
      %dma_wait3A_143 = tpu.memref_slice %arg8[%run_scoped3A, %dma_wait3A_141, %dma_wait3A_142] : memref<2x24x128xi32, #tpu.memory_space<vmem>> -> memref<1x24x128xi32, #tpu.memory_space<vmem>>
      %dma_wait3A_144 = tpu.memref_squeeze %dma_wait3A_143 : memref<1x24x128xi32, #tpu.memory_space<vmem>> -> memref<24x128xi32, #tpu.memory_space<vmem>>
      %dma_wait3A_145 = arith.constant 0 : i32
      %dma_wait3A_146 = tpu.memref_slice %arg4[%mul3A_28, %dma_wait3A_145] : memref<2568x128xi32, #tpu.memory_space<hbm>> -> memref<24x128xi32, #tpu.memory_space<hbm>>
      %dma_wait3A_147 = arith.constant 0 : i32
      %dma_wait3A_148 = arith.constant 0 : i32
      %dma_wait3A_149 = tpu.memref_slice %arg8[%run_scoped3A, %dma_wait3A_147, %dma_wait3A_148] : memref<2x24x128xi32, #tpu.memory_space<vmem>> -> memref<1x24x128xi32, #tpu.memory_space<vmem>>
      %dma_wait3A_150 = tpu.memref_squeeze %dma_wait3A_149 : memref<1x24x128xi32, #tpu.memory_space<vmem>> -> memref<24x128xi32, #tpu.memory_space<vmem>>
      %dma_wait3A_151 = arith.constant 0 : i32
      %dma_wait3A_152 = tpu.memref_slice %arg4[%mul3A_28, %dma_wait3A_151] : memref<2568x128xi32, #tpu.memory_space<hbm>> -> memref<24x128xi32, #tpu.memory_space<hbm>>
      tpu.wait_dma2 semaphore(%run_scoped3A_128 : memref<!tpu.dma_semaphore, #tpu.memory_space<semaphore_mem>>) src(%dma_wait3A_152 : memref<24x128xi32, #tpu.memory_space<hbm>>) dst(%dma_wait3A_150 : memref<24x128xi32, #tpu.memory_space<vmem>>)
      tpu.yield
    }) : () -> ()
    %run_scoped3A_29 = arith.constant 0 : i32
    "tpu.region"() ({
      %run_scoped3A_128 = tpu.sem_alloc : memref<!tpu.dma_semaphore, #tpu.memory_space<semaphore_mem>>
      %dma_start3A_129 = arith.constant 0 : i32
      %dma_start3A_130 = arith.constant 0 : i32
      %dma_start3A_131 = tpu.memref_slice %arg9[%run_scoped3A_29, %dma_start3A_129, %dma_start3A_130] : memref<2x24x128xi32, #tpu.memory_space<vmem>> -> memref<1x24x128xi32, #tpu.memory_space<vmem>>
      %dma_start3A_132 = tpu.memref_squeeze %dma_start3A_131 : memref<1x24x128xi32, #tpu.memory_space<vmem>> -> memref<24x128xi32, #tpu.memory_space<vmem>>
      %dma_start3A_133 = arith.constant 0 : i32
      %dma_start3A_134 = tpu.memref_slice %arg5[%mul3A_28, %dma_start3A_133] : memref<2568x128xi32, #tpu.memory_space<hbm>> -> memref<24x128xi32, #tpu.memory_space<hbm>>
      %dma_start3A_135 = arith.constant 0 : i32
      %dma_start3A_136 = arith.constant 0 : i32
      %dma_start3A_137 = tpu.memref_slice %arg9[%run_scoped3A_29, %dma_start3A_135, %dma_start3A_136] : memref<2x24x128xi32, #tpu.memory_space<vmem>> -> memref<1x24x128xi32, #tpu.memory_space<vmem>>
      %dma_start3A_138 = tpu.memref_squeeze %dma_start3A_137 : memref<1x24x128xi32, #tpu.memory_space<vmem>> -> memref<24x128xi32, #tpu.memory_space<vmem>>
      %dma_start3A_139 = arith.constant 0 : i32
      %dma_start3A_140 = tpu.memref_slice %arg5[%mul3A_28, %dma_start3A_139] : memref<2568x128xi32, #tpu.memory_space<hbm>> -> memref<24x128xi32, #tpu.memory_space<hbm>>
      tpu.enqueue_dma source(%dma_start3A_140 : memref<24x128xi32, #tpu.memory_space<hbm>>) target(%dma_start3A_138 : memref<24x128xi32, #tpu.memory_space<vmem>>) target_semaphore(%run_scoped3A_128 : memref<!tpu.dma_semaphore, #tpu.memory_space<semaphore_mem>>)
      %dma_wait3A_141 = arith.constant 0 : i32
      %dma_wait3A_142 = arith.constant 0 : i32
      %dma_wait3A_143 = tpu.memref_slice %arg9[%run_scoped3A_29, %dma_wait3A_141, %dma_wait3A_142] : memref<2x24x128xi32, #tpu.memory_space<vmem>> -> memref<1x24x128xi32, #tpu.memory_space<vmem>>
      %dma_wait3A_144 = tpu.memref_squeeze %dma_wait3A_143 : memref<1x24x128xi32, #tpu.memory_space<vmem>> -> memref<24x128xi32, #tpu.memory_space<vmem>>
      %dma_wait3A_145 = arith.constant 0 : i32
      %dma_wait3A_146 = tpu.memref_slice %arg5[%mul3A_28, %dma_wait3A_145] : memref<2568x128xi32, #tpu.memory_space<hbm>> -> memref<24x128xi32, #tpu.memory_space<hbm>>
      %dma_wait3A_147 = arith.constant 0 : i32
      %dma_wait3A_148 = arith.constant 0 : i32
      %dma_wait3A_149 = tpu.memref_slice %arg9[%run_scoped3A_29, %dma_wait3A_147, %dma_wait3A_148] : memref<2x24x128xi32, #tpu.memory_space<vmem>> -> memref<1x24x128xi32, #tpu.memory_space<vmem>>
      %dma_wait3A_150 = tpu.memref_squeeze %dma_wait3A_149 : memref<1x24x128xi32, #tpu.memory_space<vmem>> -> memref<24x128xi32, #tpu.memory_space<vmem>>
      %dma_wait3A_151 = arith.constant 0 : i32
      %dma_wait3A_152 = tpu.memref_slice %arg5[%mul3A_28, %dma_wait3A_151] : memref<2568x128xi32, #tpu.memory_space<hbm>> -> memref<24x128xi32, #tpu.memory_space<hbm>>
      tpu.wait_dma2 semaphore(%run_scoped3A_128 : memref<!tpu.dma_semaphore, #tpu.memory_space<semaphore_mem>>) src(%dma_wait3A_152 : memref<24x128xi32, #tpu.memory_space<hbm>>) dst(%dma_wait3A_150 : memref<24x128xi32, #tpu.memory_space<vmem>>)
      tpu.yield
    }) : () -> ()
    %dma_start3A = arith.constant 0 : i32
    %dma_start3A_30 = arith.constant 0 : i32
    %dma_start3A_31 = arith.constant 0 : i32
    %dma_start3A_32 = arith.constant 0 : i32
    %dma_start3A_33 = arith.constant 0 : i32
    %dma_start3A_34 = tpu.memref_slice %arg10[%dma_start3A_31, %dma_start3A_32, %dma_start3A_33] : memref<2x128x128xf32, #tpu.memory_space<vmem>> -> memref<1x128x128xf32, #tpu.memory_space<vmem>>
    %dma_start3A_35 = tpu.memref_squeeze %dma_start3A_34 : memref<1x128x128xf32, #tpu.memory_space<vmem>> -> memref<128x128xf32, #tpu.memory_space<vmem>>
    %dma_start3A_36 = arith.constant 0 : i32
    %dma_start3A_37 = tpu.memref_slice %arg8[%dma_start3A, %dma_start3A_30, %dma_start3A_36] : memref<2x24x128xi32, #tpu.memory_space<vmem>> -> memref<1x1x128xi32, #tpu.memory_space<vmem>>
    %dma_start3A_38 = tpu.memref_squeeze %dma_start3A_37 : memref<1x1x128xi32, #tpu.memory_space<vmem>> -> memref<128xi32, #tpu.memory_space<vmem>>
    %dma_start3A_39 = arith.constant 0 : i32
    %dma_start3A_40 = arith.constant 0 : i32
    %dma_start3A_41 = tpu.memref_slice %arg2[%dma_start3A_39, %dma_start3A_40] : memref<10000x128xf32, #tpu.memory_space<hbm>> -> memref<10000x128xf32, #tpu.memory_space<hbm>>
    tpu.enqueue_indirect_dma source(%dma_start3A_41 : memref<10000x128xf32, #tpu.memory_space<hbm>>) target(%dma_start3A_35 : memref<128x128xf32, #tpu.memory_space<vmem>>) offsets(%dma_start3A_38 : memref<128xi32, #tpu.memory_space<vmem>>) semaphore(%arg11 : memref<!tpu.dma_semaphore, #tpu.memory_space<semaphore_mem>>)
    %dma_start3A_42 = arith.constant 0 : i32
    %dma_start3A_43 = arith.constant 1 : i32
    %dma_start3A_44 = arith.constant 1 : i32
    %dma_start3A_45 = arith.constant 0 : i32
    %dma_start3A_46 = arith.constant 0 : i32
    %dma_start3A_47 = tpu.memref_slice %arg10[%dma_start3A_44, %dma_start3A_45, %dma_start3A_46] : memref<2x128x128xf32, #tpu.memory_space<vmem>> -> memref<1x128x128xf32, #tpu.memory_space<vmem>>
    %dma_start3A_48 = tpu.memref_squeeze %dma_start3A_47 : memref<1x128x128xf32, #tpu.memory_space<vmem>> -> memref<128x128xf32, #tpu.memory_space<vmem>>
    %dma_start3A_49 = arith.constant 0 : i32
    %dma_start3A_50 = tpu.memref_slice %arg8[%dma_start3A_42, %dma_start3A_43, %dma_start3A_49] : memref<2x24x128xi32, #tpu.memory_space<vmem>> -> memref<1x1x128xi32, #tpu.memory_space<vmem>>
    %dma_start3A_51 = tpu.memref_squeeze %dma_start3A_50 : memref<1x1x128xi32, #tpu.memory_space<vmem>> -> memref<128xi32, #tpu.memory_space<vmem>>
    %dma_start3A_52 = arith.constant 0 : i32
    %dma_start3A_53 = arith.constant 0 : i32
    %dma_start3A_54 = tpu.memref_slice %arg2[%dma_start3A_52, %dma_start3A_53] : memref<10000x128xf32, #tpu.memory_space<hbm>> -> memref<10000x128xf32, #tpu.memory_space<hbm>>
    tpu.enqueue_indirect_dma source(%dma_start3A_54 : memref<10000x128xf32, #tpu.memory_space<hbm>>) target(%dma_start3A_48 : memref<128x128xf32, #tpu.memory_space<vmem>>) offsets(%dma_start3A_51 : memref<128xi32, #tpu.memory_space<vmem>>) semaphore(%arg12 : memref<!tpu.dma_semaphore, #tpu.memory_space<semaphore_mem>>)
    %eq3A_55 = arith.constant 0 : i32
    %eq3A_56 = arith.cmpi eq, %arg0, %eq3A_55 : i32
    %lt3A_57 = arith.constant 15 : i32
    %lt3A_58 = arith.cmpi slt, %arg1, %lt3A_57 : i32
    %and3A_59 = arith.andi %eq3A_56, %lt3A_58 : i1
    %convert_element_type3A_60 = arith.extui %and3A_59 : i1 to i32
    %cond3A_61 = arith.constant 0 : i32
    %cond3A_62 = arith.cmpi ne, %convert_element_type3A_60, %cond3A_61 : i32
    scf.if %cond3A_62 {
      %mul3A_128 = arith.constant 632 : i32
      %mul3A_129 = arith.muli %arg1, %mul3A_128 : i32
      %mul3A_130 = arith.constant 632 : i32
      %mul3A_131 = arith.muli %arg1, %mul3A_130 : i32
      %dma_wait3A_132 = arith.constant 0 : i32
      %dma_wait3A_133 = tpu.memref_slice %arg7[%mul3A_131, %dma_wait3A_132] : memref<10016x128xf32, #tpu.memory_space<vmem_shared>> -> memref<632x128xf32, #tpu.memory_space<vmem_shared>>
      %dma_wait3A_134 = arith.constant 0 : i32
      %dma_wait3A_135 = tpu.memref_slice %arg2[%mul3A_129, %dma_wait3A_134] : memref<10000x128xf32, #tpu.memory_space<hbm>> -> memref<632x128xf32, #tpu.memory_space<hbm>>
      tpu.wait_dma2 semaphore(%arg14 : memref<!tpu.dma_semaphore, #tpu.memory_space<semaphore_mem>>) src(%dma_wait3A_135 : memref<632x128xf32, #tpu.memory_space<hbm>>) dst(%dma_wait3A_133 : memref<632x128xf32, #tpu.memory_space<vmem_shared>>)
    } else {
    }
    %eq3A_63 = arith.constant 0 : i32
    %eq3A_64 = arith.cmpi eq, %arg0, %eq3A_63 : i32
    %eq3A_65 = arith.constant 15 : i32
    %eq3A_66 = arith.cmpi eq, %arg1, %eq3A_65 : i32
    %and3A_67 = arith.andi %eq3A_64, %eq3A_66 : i1
    %convert_element_type3A_68 = arith.extui %and3A_67 : i1 to i32
    %cond3A_69 = arith.constant 0 : i32
    %cond3A_70 = arith.cmpi ne, %convert_element_type3A_68, %cond3A_69 : i32
    scf.if %cond3A_70 {
      %dma_wait3A_128 = arith.constant 9480 : i32
      %dma_wait3A_129 = arith.constant 0 : i32
      %dma_wait3A_130 = tpu.memref_slice %arg7[%dma_wait3A_128, %dma_wait3A_129] : memref<10016x128xf32, #tpu.memory_space<vmem_shared>> -> memref<520x128xf32, #tpu.memory_space<vmem_shared>>
      %dma_wait3A_131 = arith.constant 9480 : i32
      %dma_wait3A_132 = arith.constant 0 : i32
      %dma_wait3A_133 = tpu.memref_slice %arg2[%dma_wait3A_131, %dma_wait3A_132] : memref<10000x128xf32, #tpu.memory_space<hbm>> -> memref<520x128xf32, #tpu.memory_space<hbm>>
      tpu.wait_dma2 semaphore(%arg14 : memref<!tpu.dma_semaphore, #tpu.memory_space<semaphore_mem>>) src(%dma_wait3A_133 : memref<520x128xf32, #tpu.memory_space<hbm>>) dst(%dma_wait3A_130 : memref<520x128xf32, #tpu.memory_space<vmem_shared>>)
      %dma_wait3A_134 = arith.constant 10000 : i32
      %dma_wait3A_135 = arith.constant 0 : i32
      %dma_wait3A_136 = tpu.memref_slice %arg7[%dma_wait3A_134, %dma_wait3A_135] : memref<10016x128xf32, #tpu.memory_space<vmem_shared>> -> memref<16x128xf32, #tpu.memory_space<vmem_shared>>
      %dma_wait3A_137 = arith.constant 0 : i32
      %dma_wait3A_138 = arith.constant 0 : i32
      %dma_wait3A_139 = tpu.memref_slice %arg3[%dma_wait3A_137, %dma_wait3A_138] : memref<10016x128xf32, #tpu.memory_space<hbm>> -> memref<16x128xf32, #tpu.memory_space<hbm>>
      tpu.wait_dma2 semaphore(%arg14 : memref<!tpu.dma_semaphore, #tpu.memory_space<semaphore_mem>>) src(%dma_wait3A_139 : memref<16x128xf32, #tpu.memory_space<hbm>>) dst(%dma_wait3A_136 : memref<16x128xf32, #tpu.memory_space<vmem_shared>>)
    } else {
    }
    %ne3A_71 = arith.constant 0 : i32
    %ne3A_72 = arith.cmpi ne, %arg0, %ne3A_71 : i32
    %lt3A_73 = arith.constant 15 : i32
    %lt3A_74 = arith.cmpi slt, %arg1, %lt3A_73 : i32
    %and3A_75 = arith.andi %ne3A_72, %lt3A_74 : i1
    %convert_element_type3A_76 = arith.extui %and3A_75 : i1 to i32
    %cond3A_77 = arith.constant 0 : i32
    %cond3A_78 = arith.cmpi ne, %convert_element_type3A_76, %cond3A_77 : i32
    scf.if %cond3A_78 {
      %mul3A_128 = arith.constant 632 : i32
      %mul3A_129 = arith.muli %arg1, %mul3A_128 : i32
      %mul3A_130 = arith.constant 632 : i32
      %mul3A_131 = arith.muli %arg1, %mul3A_130 : i32
      %dma_wait3A_132 = arith.constant 0 : i32
      %dma_wait3A_133 = tpu.memref_slice %arg7[%mul3A_131, %dma_wait3A_132] : memref<10016x128xf32, #tpu.memory_space<vmem_shared>> -> memref<632x128xf32, #tpu.memory_space<vmem_shared>>
      %dma_wait3A_134 = arith.constant 0 : i32
      %dma_wait3A_135 = tpu.memref_slice %arg3[%mul3A_129, %dma_wait3A_134] : memref<10016x128xf32, #tpu.memory_space<hbm>> -> memref<632x128xf32, #tpu.memory_space<hbm>>
      tpu.wait_dma2 semaphore(%arg14 : memref<!tpu.dma_semaphore, #tpu.memory_space<semaphore_mem>>) src(%dma_wait3A_135 : memref<632x128xf32, #tpu.memory_space<hbm>>) dst(%dma_wait3A_133 : memref<632x128xf32, #tpu.memory_space<vmem_shared>>)
    } else {
    }
    %ne3A_79 = arith.constant 0 : i32
    %ne3A_80 = arith.cmpi ne, %arg0, %ne3A_79 : i32
    %eq3A_81 = arith.constant 15 : i32
    %eq3A_82 = arith.cmpi eq, %arg1, %eq3A_81 : i32
    %and3A_83 = arith.andi %ne3A_80, %eq3A_82 : i1
    %convert_element_type3A_84 = arith.extui %and3A_83 : i1 to i32
    %cond3A_85 = arith.constant 0 : i32
    %cond3A_86 = arith.cmpi ne, %convert_element_type3A_84, %cond3A_85 : i32
    scf.if %cond3A_86 {
      %dma_wait3A_128 = arith.constant 9480 : i32
      %dma_wait3A_129 = arith.constant 0 : i32
      %dma_wait3A_130 = tpu.memref_slice %arg7[%dma_wait3A_128, %dma_wait3A_129] : memref<10016x128xf32, #tpu.memory_space<vmem_shared>> -> memref<536x128xf32, #tpu.memory_space<vmem_shared>>
      %dma_wait3A_131 = arith.constant 9480 : i32
      %dma_wait3A_132 = arith.constant 0 : i32
      %dma_wait3A_133 = tpu.memref_slice %arg3[%dma_wait3A_131, %dma_wait3A_132] : memref<10016x128xf32, #tpu.memory_space<hbm>> -> memref<536x128xf32, #tpu.memory_space<hbm>>
      tpu.wait_dma2 semaphore(%arg14 : memref<!tpu.dma_semaphore, #tpu.memory_space<semaphore_mem>>) src(%dma_wait3A_133 : memref<536x128xf32, #tpu.memory_space<hbm>>) dst(%dma_wait3A_130 : memref<536x128xf32, #tpu.memory_space<vmem_shared>>)
    } else {
    }
    %barrier3A = arith.constant 0 : index
    tpu.barrier barrier_id(%barrier3A)
    %scan3A = arith.constant 0 : i32
    %scan3A_87 = arith.constant 0 : i32
    %scan3A_88 = arith.constant 5 : i32
    %scan3A_89 = arith.addi %scan3A_87, %scan3A_88 : i32
    %scan3A_90 = arith.constant 1 : i32
    scf.for %scan3A_128 = %scan3A_87 to %scan3A_89 step %scan3A_90  : i32 {
      %rem3A = arith.constant 2 : i32
      %rem3A_129 = arith.remsi %scan3A_128, %rem3A : i32
      %sub3A = arith.constant 1 : i32
      %sub3A_130 = arith.subi %sub3A, %rem3A_129 : i32
      %gt3A = arith.constant 0 : i32
      %gt3A_131 = arith.cmpi sgt, %scan3A_128, %gt3A : i32
      %convert_element_type3A_132 = arith.extui %gt3A_131 : i1 to i32
      %cond3A_133 = arith.constant 0 : i32
      %cond3A_134 = arith.cmpi ne, %convert_element_type3A_132, %cond3A_133 : i32
      scf.if %cond3A_134 {
        %dma_wait3A_148 = arith.constant 0 : i32
        %dma_wait3A_149 = arith.constant 0 : i32
        %dma_wait3A_150 = tpu.memref_slice %arg8[%rem3A_129, %dma_wait3A_148, %dma_wait3A_149] : memref<2x24x128xi32, #tpu.memory_space<vmem>> -> memref<1x24x128xi32, #tpu.memory_space<vmem>>
        %dma_wait3A_151 = tpu.memref_squeeze %dma_wait3A_150 : memref<1x24x128xi32, #tpu.memory_space<vmem>> -> memref<24x128xi32, #tpu.memory_space<vmem>>
        %dma_wait3A_152 = arith.constant 0 : i32
        %dma_wait3A_153 = arith.constant 0 : i32
        %dma_wait3A_154 = tpu.memref_slice %arg4[%dma_wait3A_152, %dma_wait3A_153] : memref<2568x128xi32, #tpu.memory_space<hbm>> -> memref<24x128xi32, #tpu.memory_space<hbm>>
        %dma_wait3A_155 = arith.constant 0 : i32
        %dma_wait3A_156 = arith.constant 0 : i32
        %dma_wait3A_157 = tpu.memref_slice %arg8[%rem3A_129, %dma_wait3A_155, %dma_wait3A_156] : memref<2x24x128xi32, #tpu.memory_space<vmem>> -> memref<1x24x128xi32, #tpu.memory_space<vmem>>
        %dma_wait3A_158 = tpu.memref_squeeze %dma_wait3A_157 : memref<1x24x128xi32, #tpu.memory_space<vmem>> -> memref<24x128xi32, #tpu.memory_space<vmem>>
        %dma_wait3A_159 = arith.constant 0 : i32
        %dma_wait3A_160 = arith.constant 0 : i32
        %dma_wait3A_161 = tpu.memref_slice %arg4[%dma_wait3A_159, %dma_wait3A_160] : memref<2568x128xi32, #tpu.memory_space<hbm>> -> memref<24x128xi32, #tpu.memory_space<hbm>>
        tpu.wait_dma2 semaphore(%arg13 : memref<!tpu.dma_semaphore, #tpu.memory_space<semaphore_mem>>) src(%dma_wait3A_161 : memref<24x128xi32, #tpu.memory_space<hbm>>) dst(%dma_wait3A_158 : memref<24x128xi32, #tpu.memory_space<vmem>>)
        %dma_wait3A_162 = arith.constant 0 : i32
        %dma_wait3A_163 = arith.constant 0 : i32
        %dma_wait3A_164 = tpu.memref_slice %arg9[%rem3A_129, %dma_wait3A_162, %dma_wait3A_163] : memref<2x24x128xi32, #tpu.memory_space<vmem>> -> memref<1x24x128xi32, #tpu.memory_space<vmem>>
        %dma_wait3A_165 = tpu.memref_squeeze %dma_wait3A_164 : memref<1x24x128xi32, #tpu.memory_space<vmem>> -> memref<24x128xi32, #tpu.memory_space<vmem>>
        %dma_wait3A_166 = arith.constant 0 : i32
        %dma_wait3A_167 = arith.constant 0 : i32
        %dma_wait3A_168 = tpu.memref_slice %arg5[%dma_wait3A_166, %dma_wait3A_167] : memref<2568x128xi32, #tpu.memory_space<hbm>> -> memref<24x128xi32, #tpu.memory_space<hbm>>
        %dma_wait3A_169 = arith.constant 0 : i32
        %dma_wait3A_170 = arith.constant 0 : i32
        %dma_wait3A_171 = tpu.memref_slice %arg9[%rem3A_129, %dma_wait3A_169, %dma_wait3A_170] : memref<2x24x128xi32, #tpu.memory_space<vmem>> -> memref<1x24x128xi32, #tpu.memory_space<vmem>>
        %dma_wait3A_172 = tpu.memref_squeeze %dma_wait3A_171 : memref<1x24x128xi32, #tpu.memory_space<vmem>> -> memref<24x128xi32, #tpu.memory_space<vmem>>
        %dma_wait3A_173 = arith.constant 0 : i32
        %dma_wait3A_174 = arith.constant 0 : i32
        %dma_wait3A_175 = tpu.memref_slice %arg5[%dma_wait3A_173, %dma_wait3A_174] : memref<2568x128xi32, #tpu.memory_space<hbm>> -> memref<24x128xi32, #tpu.memory_space<hbm>>
        tpu.wait_dma2 semaphore(%arg13 : memref<!tpu.dma_semaphore, #tpu.memory_space<semaphore_mem>>) src(%dma_wait3A_175 : memref<24x128xi32, #tpu.memory_space<hbm>>) dst(%dma_wait3A_172 : memref<24x128xi32, #tpu.memory_space<vmem>>)
      } else {
      }
      %add3A_135 = arith.constant 1 : i32
      %add3A_136 = arith.addi %scan3A_128, %add3A_135 : i32
      %lt3A_137 = arith.constant 5 : i32
      %lt3A_138 = arith.cmpi slt, %add3A_136, %lt3A_137 : i32
      %convert_element_type3A_139 = arith.extui %lt3A_138 : i1 to i32
      %cond3A_140 = arith.constant 0 : i32
      %cond3A_141 = arith.cmpi ne, %convert_element_type3A_139, %cond3A_140 : i32
      scf.if %cond3A_141 {
        %add3A_148 = arith.constant 1 : i32
        %add3A_149 = arith.addi %scan3A_128, %add3A_148 : i32
        %mul3A_150 = arith.constant 16 : i32
        %mul3A_151 = arith.muli %add3A_149, %mul3A_150 : i32
        %add3A_152 = arith.addi %mul3A_28, %mul3A_151 : i32
        %dma_start3A_153 = arith.constant 0 : i32
        %dma_start3A_154 = arith.constant 0 : i32
        %dma_start3A_155 = tpu.memref_slice %arg8[%sub3A_130, %dma_start3A_153, %dma_start3A_154] : memref<2x24x128xi32, #tpu.memory_space<vmem>> -> memref<1x24x128xi32, #tpu.memory_space<vmem>>
        %dma_start3A_156 = tpu.memref_squeeze %dma_start3A_155 : memref<1x24x128xi32, #tpu.memory_space<vmem>> -> memref<24x128xi32, #tpu.memory_space<vmem>>
        %dma_start3A_157 = arith.constant 0 : i32
        %dma_start3A_158 = tpu.memref_slice %arg4[%add3A_152, %dma_start3A_157] : memref<2568x128xi32, #tpu.memory_space<hbm>> -> memref<24x128xi32, #tpu.memory_space<hbm>>
        %dma_start3A_159 = arith.constant 0 : i32
        %dma_start3A_160 = arith.constant 0 : i32
        %dma_start3A_161 = tpu.memref_slice %arg8[%sub3A_130, %dma_start3A_159, %dma_start3A_160] : memref<2x24x128xi32, #tpu.memory_space<vmem>> -> memref<1x24x128xi32, #tpu.memory_space<vmem>>
        %dma_start3A_162 = tpu.memref_squeeze %dma_start3A_161 : memref<1x24x128xi32, #tpu.memory_space<vmem>> -> memref<24x128xi32, #tpu.memory_space<vmem>>
        %dma_start3A_163 = arith.constant 0 : i32
        %dma_start3A_164 = tpu.memref_slice %arg4[%add3A_152, %dma_start3A_163] : memref<2568x128xi32, #tpu.memory_space<hbm>> -> memref<24x128xi32, #tpu.memory_space<hbm>>
        tpu.enqueue_dma source(%dma_start3A_164 : memref<24x128xi32, #tpu.memory_space<hbm>>) target(%dma_start3A_162 : memref<24x128xi32, #tpu.memory_space<vmem>>) target_semaphore(%arg13 : memref<!tpu.dma_semaphore, #tpu.memory_space<semaphore_mem>>)
        %dma_start3A_165 = arith.constant 0 : i32
        %dma_start3A_166 = arith.constant 0 : i32
        %dma_start3A_167 = tpu.memref_slice %arg9[%sub3A_130, %dma_start3A_165, %dma_start3A_166] : memref<2x24x128xi32, #tpu.memory_space<vmem>> -> memref<1x24x128xi32, #tpu.memory_space<vmem>>
        %dma_start3A_168 = tpu.memref_squeeze %dma_start3A_167 : memref<1x24x128xi32, #tpu.memory_space<vmem>> -> memref<24x128xi32, #tpu.memory_space<vmem>>
        %dma_start3A_169 = arith.constant 0 : i32
        %dma_start3A_170 = tpu.memref_slice %arg5[%add3A_152, %dma_start3A_169] : memref<2568x128xi32, #tpu.memory_space<hbm>> -> memref<24x128xi32, #tpu.memory_space<hbm>>
        %dma_start3A_171 = arith.constant 0 : i32
        %dma_start3A_172 = arith.constant 0 : i32
        %dma_start3A_173 = tpu.memref_slice %arg9[%sub3A_130, %dma_start3A_171, %dma_start3A_172] : memref<2x24x128xi32, #tpu.memory_space<vmem>> -> memref<1x24x128xi32, #tpu.memory_space<vmem>>
        %dma_start3A_174 = tpu.memref_squeeze %dma_start3A_173 : memref<1x24x128xi32, #tpu.memory_space<vmem>> -> memref<24x128xi32, #tpu.memory_space<vmem>>
        %dma_start3A_175 = arith.constant 0 : i32
        %dma_start3A_176 = tpu.memref_slice %arg5[%add3A_152, %dma_start3A_175] : memref<2568x128xi32, #tpu.memory_space<hbm>> -> memref<24x128xi32, #tpu.memory_space<hbm>>
        tpu.enqueue_dma source(%dma_start3A_176 : memref<24x128xi32, #tpu.memory_space<hbm>>) target(%dma_start3A_174 : memref<24x128xi32, #tpu.memory_space<vmem>>) target_semaphore(%arg13 : memref<!tpu.dma_semaphore, #tpu.memory_space<semaphore_mem>>)
      } else {
      }
      %scan3A_142 = arith.constant 0 : i32
      %scan3A_143 = arith.constant 0 : i32
      %scan3A_144 = arith.constant 8 : i32
      %scan3A_145 = arith.addi %scan3A_143, %scan3A_144 : i32
      %scan3A_146 = arith.constant 1 : i32
      scf.for %scan3A_148 = %scan3A_143 to %scan3A_145 step %scan3A_146  : i32 {
        %mul3A_149 = arith.constant 2 : i32
        %mul3A_150 = arith.muli %mul3A_149, %scan3A_148 : i32
        %dma_wait3A_151 = arith.constant 0 : i32
        %dma_wait3A_152 = arith.constant 0 : i32
        %dma_wait3A_153 = arith.constant 0 : i32
        %dma_wait3A_154 = tpu.memref_slice %arg10[%dma_wait3A_151, %dma_wait3A_152, %dma_wait3A_153] : memref<2x128x128xf32, #tpu.memory_space<vmem>> -> memref<1x128x128xf32, #tpu.memory_space<vmem>>
        %dma_wait3A_155 = tpu.memref_squeeze %dma_wait3A_154 : memref<1x128x128xf32, #tpu.memory_space<vmem>> -> memref<128x128xf32, #tpu.memory_space<vmem>>
        %dma_wait3A_156 = arith.constant 0 : i32
        %dma_wait3A_157 = tpu.memref_slice %arg8[%rem3A_129, %mul3A_150, %dma_wait3A_156] : memref<2x24x128xi32, #tpu.memory_space<vmem>> -> memref<1x1x128xi32, #tpu.memory_space<vmem>>
        %dma_wait3A_158 = tpu.memref_squeeze %dma_wait3A_157 : memref<1x1x128xi32, #tpu.memory_space<vmem>> -> memref<128xi32, #tpu.memory_space<vmem>>
        %dma_wait3A_159 = arith.constant 0 : i32
        %dma_wait3A_160 = arith.constant 0 : i32
        %dma_wait3A_161 = tpu.memref_slice %arg2[%dma_wait3A_159, %dma_wait3A_160] : memref<10000x128xf32, #tpu.memory_space<hbm>> -> memref<10000x128xf32, #tpu.memory_space<hbm>>
        tpu.wait_indirect_dma semaphore(%arg11 : memref<!tpu.dma_semaphore, #tpu.memory_space<semaphore_mem>>) src(%dma_wait3A_161 : memref<10000x128xf32, #tpu.memory_space<hbm>>) dst(%dma_wait3A_155 : memref<128x128xf32, #tpu.memory_space<vmem>>)
        %run_scoped3A_162 = arith.constant 0 : i32
        "tpu.region"() ({
          %run_scoped3A_205 = tpu.sem_alloc : memref<!tpu.dma_semaphore, #tpu.memory_space<semaphore_mem>>
          %dma_start3A_206 = arith.constant 0 : i32
          %dma_start3A_207 = arith.constant 0 : i32
          %dma_start3A_208 = tpu.memref_slice %arg10[%run_scoped3A_162, %dma_start3A_206, %dma_start3A_207] : memref<2x128x128xf32, #tpu.memory_space<vmem>> -> memref<1x128x128xf32, #tpu.memory_space<vmem>>
          %dma_start3A_209 = tpu.memref_squeeze %dma_start3A_208 : memref<1x128x128xf32, #tpu.memory_space<vmem>> -> memref<128x128xf32, #tpu.memory_space<vmem>>
          %dma_start3A_210 = arith.constant 0 : i32
          %dma_start3A_211 = tpu.memref_slice %arg9[%rem3A_129, %mul3A_150, %dma_start3A_210] : memref<2x24x128xi32, #tpu.memory_space<vmem>> -> memref<1x1x128xi32, #tpu.memory_space<vmem>>
          %dma_start3A_212 = tpu.memref_squeeze %dma_start3A_211 : memref<1x1x128xi32, #tpu.memory_space<vmem>> -> memref<128xi32, #tpu.memory_space<vmem>>
          %dma_start3A_213 = arith.constant 0 : i32
          %dma_start3A_214 = arith.constant 0 : i32
          %dma_start3A_215 = tpu.memref_slice %arg7[%dma_start3A_213, %dma_start3A_214] : memref<10016x128xf32, #tpu.memory_space<vmem_shared>> -> memref<10016x128xf32, #tpu.memory_space<vmem_shared>>
          tpu.enqueue_indirect_dma source(%dma_start3A_209 : memref<128x128xf32, #tpu.memory_space<vmem>>) target(%dma_start3A_215 : memref<10016x128xf32, #tpu.memory_space<vmem_shared>>) offsets(%dma_start3A_212 : memref<128xi32, #tpu.memory_space<vmem>>) semaphore(%run_scoped3A_205 : memref<!tpu.dma_semaphore, #tpu.memory_space<semaphore_mem>>) {add = true}
          %dma_wait3A_216 = arith.constant 0 : i32
          %dma_wait3A_217 = arith.constant 0 : i32
          %dma_wait3A_218 = tpu.memref_slice %arg10[%run_scoped3A_162, %dma_wait3A_216, %dma_wait3A_217] : memref<2x128x128xf32, #tpu.memory_space<vmem>> -> memref<1x128x128xf32, #tpu.memory_space<vmem>>
          %dma_wait3A_219 = tpu.memref_squeeze %dma_wait3A_218 : memref<1x128x128xf32, #tpu.memory_space<vmem>> -> memref<128x128xf32, #tpu.memory_space<vmem>>
          %dma_wait3A_220 = arith.constant 0 : i32
          %dma_wait3A_221 = tpu.memref_slice %arg9[%rem3A_129, %mul3A_150, %dma_wait3A_220] : memref<2x24x128xi32, #tpu.memory_space<vmem>> -> memref<1x1x128xi32, #tpu.memory_space<vmem>>
          %dma_wait3A_222 = tpu.memref_squeeze %dma_wait3A_221 : memref<1x1x128xi32, #tpu.memory_space<vmem>> -> memref<128xi32, #tpu.memory_space<vmem>>
          %dma_wait3A_223 = arith.constant 0 : i32
          %dma_wait3A_224 = arith.constant 0 : i32
          %dma_wait3A_225 = tpu.memref_slice %arg7[%dma_wait3A_223, %dma_wait3A_224] : memref<10016x128xf32, #tpu.memory_space<vmem_shared>> -> memref<10016x128xf32, #tpu.memory_space<vmem_shared>>
          tpu.wait_indirect_dma semaphore(%run_scoped3A_205 : memref<!tpu.dma_semaphore, #tpu.memory_space<semaphore_mem>>) src(%dma_wait3A_219 : memref<128x128xf32, #tpu.memory_space<vmem>>) dst(%dma_wait3A_225 : memref<10016x128xf32, #tpu.memory_space<vmem_shared>>)
          tpu.yield
        }) : () -> ()
        %add3A_163 = arith.constant 2 : i32
        %add3A_164 = arith.addi %mul3A_150, %add3A_163 : i32
        %dma_start3A_165 = arith.constant 0 : i32
        %dma_start3A_166 = arith.constant 0 : i32
        %dma_start3A_167 = arith.constant 0 : i32
        %dma_start3A_168 = tpu.memref_slice %arg10[%dma_start3A_165, %dma_start3A_166, %dma_start3A_167] : memref<2x128x128xf32, #tpu.memory_space<vmem>> -> memref<1x128x128xf32, #tpu.memory_space<vmem>>
        %dma_start3A_169 = tpu.memref_squeeze %dma_start3A_168 : memref<1x128x128xf32, #tpu.memory_space<vmem>> -> memref<128x128xf32, #tpu.memory_space<vmem>>
        %dma_start3A_170 = arith.constant 0 : i32
        %dma_start3A_171 = tpu.memref_slice %arg8[%rem3A_129, %add3A_164, %dma_start3A_170] : memref<2x24x128xi32, #tpu.memory_space<vmem>> -> memref<1x1x128xi32, #tpu.memory_space<vmem>>
        %dma_start3A_172 = tpu.memref_squeeze %dma_start3A_171 : memref<1x1x128xi32, #tpu.memory_space<vmem>> -> memref<128xi32, #tpu.memory_space<vmem>>
        %dma_start3A_173 = arith.constant 0 : i32
        %dma_start3A_174 = arith.constant 0 : i32
        %dma_start3A_175 = tpu.memref_slice %arg2[%dma_start3A_173, %dma_start3A_174] : memref<10000x128xf32, #tpu.memory_space<hbm>> -> memref<10000x128xf32, #tpu.memory_space<hbm>>
        tpu.enqueue_indirect_dma source(%dma_start3A_175 : memref<10000x128xf32, #tpu.memory_space<hbm>>) target(%dma_start3A_169 : memref<128x128xf32, #tpu.memory_space<vmem>>) offsets(%dma_start3A_172 : memref<128xi32, #tpu.memory_space<vmem>>) semaphore(%arg11 : memref<!tpu.dma_semaphore, #tpu.memory_space<semaphore_mem>>)
        %add3A_176 = arith.constant 1 : i32
        %add3A_177 = arith.addi %mul3A_150, %add3A_176 : i32
        %dma_wait3A_178 = arith.constant 1 : i32
        %dma_wait3A_179 = arith.constant 0 : i32
        %dma_wait3A_180 = arith.constant 0 : i32
        %dma_wait3A_181 = tpu.memref_slice %arg10[%dma_wait3A_178, %dma_wait3A_179, %dma_wait3A_180] : memref<2x128x128xf32, #tpu.memory_space<vmem>> -> memref<1x128x128xf32, #tpu.memory_space<vmem>>
        %dma_wait3A_182 = tpu.memref_squeeze %dma_wait3A_181 : memref<1x128x128xf32, #tpu.memory_space<vmem>> -> memref<128x128xf32, #tpu.memory_space<vmem>>
        %dma_wait3A_183 = arith.constant 0 : i32
        %dma_wait3A_184 = tpu.memref_slice %arg8[%rem3A_129, %add3A_177, %dma_wait3A_183] : memref<2x24x128xi32, #tpu.memory_space<vmem>> -> memref<1x1x128xi32, #tpu.memory_space<vmem>>
        %dma_wait3A_185 = tpu.memref_squeeze %dma_wait3A_184 : memref<1x1x128xi32, #tpu.memory_space<vmem>> -> memref<128xi32, #tpu.memory_space<vmem>>
        %dma_wait3A_186 = arith.constant 0 : i32
        %dma_wait3A_187 = arith.constant 0 : i32
        %dma_wait3A_188 = tpu.memref_slice %arg2[%dma_wait3A_186, %dma_wait3A_187] : memref<10000x128xf32, #tpu.memory_space<hbm>> -> memref<10000x128xf32, #tpu.memory_space<hbm>>
        tpu.wait_indirect_dma semaphore(%arg12 : memref<!tpu.dma_semaphore, #tpu.memory_space<semaphore_mem>>) src(%dma_wait3A_188 : memref<10000x128xf32, #tpu.memory_space<hbm>>) dst(%dma_wait3A_182 : memref<128x128xf32, #tpu.memory_space<vmem>>)
        %add3A_189 = arith.constant 1 : i32
        %add3A_190 = arith.addi %mul3A_150, %add3A_189 : i32
        %run_scoped3A_191 = arith.constant 1 : i32
        "tpu.region"() ({
          %run_scoped3A_205 = tpu.sem_alloc : memref<!tpu.dma_semaphore, #tpu.memory_space<semaphore_mem>>
          %dma_start3A_206 = arith.constant 0 : i32
          %dma_start3A_207 = arith.constant 0 : i32
          %dma_start3A_208 = tpu.memref_slice %arg10[%run_scoped3A_191, %dma_start3A_206, %dma_start3A_207] : memref<2x128x128xf32, #tpu.memory_space<vmem>> -> memref<1x128x128xf32, #tpu.memory_space<vmem>>
          %dma_start3A_209 = tpu.memref_squeeze %dma_start3A_208 : memref<1x128x128xf32, #tpu.memory_space<vmem>> -> memref<128x128xf32, #tpu.memory_space<vmem>>
          %dma_start3A_210 = arith.constant 0 : i32
          %dma_start3A_211 = tpu.memref_slice %arg9[%rem3A_129, %add3A_190, %dma_start3A_210] : memref<2x24x128xi32, #tpu.memory_space<vmem>> -> memref<1x1x128xi32, #tpu.memory_space<vmem>>
          %dma_start3A_212 = tpu.memref_squeeze %dma_start3A_211 : memref<1x1x128xi32, #tpu.memory_space<vmem>> -> memref<128xi32, #tpu.memory_space<vmem>>
          %dma_start3A_213 = arith.constant 0 : i32
          %dma_start3A_214 = arith.constant 0 : i32
          %dma_start3A_215 = tpu.memref_slice %arg7[%dma_start3A_213, %dma_start3A_214] : memref<10016x128xf32, #tpu.memory_space<vmem_shared>> -> memref<10016x128xf32, #tpu.memory_space<vmem_shared>>
          tpu.enqueue_indirect_dma source(%dma_start3A_209 : memref<128x128xf32, #tpu.memory_space<vmem>>) target(%dma_start3A_215 : memref<10016x128xf32, #tpu.memory_space<vmem_shared>>) offsets(%dma_start3A_212 : memref<128xi32, #tpu.memory_space<vmem>>) semaphore(%run_scoped3A_205 : memref<!tpu.dma_semaphore, #tpu.memory_space<semaphore_mem>>) {add = true}
          %dma_wait3A_216 = arith.constant 0 : i32
          %dma_wait3A_217 = arith.constant 0 : i32
          %dma_wait3A_218 = tpu.memref_slice %arg10[%run_scoped3A_191, %dma_wait3A_216, %dma_wait3A_217] : memref<2x128x128xf32, #tpu.memory_space<vmem>> -> memref<1x128x128xf32, #tpu.memory_space<vmem>>
          %dma_wait3A_219 = tpu.memref_squeeze %dma_wait3A_218 : memref<1x128x128xf32, #tpu.memory_space<vmem>> -> memref<128x128xf32, #tpu.memory_space<vmem>>
          %dma_wait3A_220 = arith.constant 0 : i32
          %dma_wait3A_221 = tpu.memref_slice %arg9[%rem3A_129, %add3A_190, %dma_wait3A_220] : memref<2x24x128xi32, #tpu.memory_space<vmem>> -> memref<1x1x128xi32, #tpu.memory_space<vmem>>
          %dma_wait3A_222 = tpu.memref_squeeze %dma_wait3A_221 : memref<1x1x128xi32, #tpu.memory_space<vmem>> -> memref<128xi32, #tpu.memory_space<vmem>>
          %dma_wait3A_223 = arith.constant 0 : i32
          %dma_wait3A_224 = arith.constant 0 : i32
          %dma_wait3A_225 = tpu.memref_slice %arg7[%dma_wait3A_223, %dma_wait3A_224] : memref<10016x128xf32, #tpu.memory_space<vmem_shared>> -> memref<10016x128xf32, #tpu.memory_space<vmem_shared>>
          tpu.wait_indirect_dma semaphore(%run_scoped3A_205 : memref<!tpu.dma_semaphore, #tpu.memory_space<semaphore_mem>>) src(%dma_wait3A_219 : memref<128x128xf32, #tpu.memory_space<vmem>>) dst(%dma_wait3A_225 : memref<10016x128xf32, #tpu.memory_space<vmem_shared>>)
          tpu.yield
        }) : () -> ()
        %add3A_192 = arith.constant 3 : i32
        %add3A_193 = arith.addi %mul3A_150, %add3A_192 : i32
        %dma_start3A_194 = arith.constant 1 : i32
        %dma_start3A_195 = arith.constant 0 : i32
        %dma_start3A_196 = arith.constant 0 : i32
        %dma_start3A_197 = tpu.memref_slice %arg10[%dma_start3A_194, %dma_start3A_195, %dma_start3A_196] : memref<2x128x128xf32, #tpu.memory_space<vmem>> -> memref<1x128x128xf32, #tpu.memory_space<vmem>>
        %dma_start3A_198 = tpu.memref_squeeze %dma_start3A_197 : memref<1x128x128xf32, #tpu.memory_space<vmem>> -> memref<128x128xf32, #tpu.memory_space<vmem>>
        %dma_start3A_199 = arith.constant 0 : i32
        %dma_start3A_200 = tpu.memref_slice %arg8[%rem3A_129, %add3A_193, %dma_start3A_199] : memref<2x24x128xi32, #tpu.memory_space<vmem>> -> memref<1x1x128xi32, #tpu.memory_space<vmem>>
        %dma_start3A_201 = tpu.memref_squeeze %dma_start3A_200 : memref<1x1x128xi32, #tpu.memory_space<vmem>> -> memref<128xi32, #tpu.memory_space<vmem>>
        %dma_start3A_202 = arith.constant 0 : i32
        %dma_start3A_203 = arith.constant 0 : i32
        %dma_start3A_204 = tpu.memref_slice %arg2[%dma_start3A_202, %dma_start3A_203] : memref<10000x128xf32, #tpu.memory_space<hbm>> -> memref<10000x128xf32, #tpu.memory_space<hbm>>
        tpu.enqueue_indirect_dma source(%dma_start3A_204 : memref<10000x128xf32, #tpu.memory_space<hbm>>) target(%dma_start3A_198 : memref<128x128xf32, #tpu.memory_space<vmem>>) offsets(%dma_start3A_201 : memref<128xi32, #tpu.memory_space<vmem>>) semaphore(%arg12 : memref<!tpu.dma_semaphore, #tpu.memory_space<semaphore_mem>>)
      }
      %scan3A_147 = arith.constant 8 : i32
    }
    %scan3A_91 = arith.constant 5 : i32
    %dma_wait3A = arith.constant 0 : i32
    %dma_wait3A_92 = arith.constant 0 : i32
    %dma_wait3A_93 = arith.constant 0 : i32
    %dma_wait3A_94 = arith.constant 0 : i32
    %dma_wait3A_95 = arith.constant 0 : i32
    %dma_wait3A_96 = tpu.memref_slice %arg10[%dma_wait3A_93, %dma_wait3A_94, %dma_wait3A_95] : memref<2x128x128xf32, #tpu.memory_space<vmem>> -> memref<1x128x128xf32, #tpu.memory_space<vmem>>
    %dma_wait3A_97 = tpu.memref_squeeze %dma_wait3A_96 : memref<1x128x128xf32, #tpu.memory_space<vmem>> -> memref<128x128xf32, #tpu.memory_space<vmem>>
    %dma_wait3A_98 = arith.constant 0 : i32
    %dma_wait3A_99 = tpu.memref_slice %arg8[%dma_wait3A, %dma_wait3A_92, %dma_wait3A_98] : memref<2x24x128xi32, #tpu.memory_space<vmem>> -> memref<1x1x128xi32, #tpu.memory_space<vmem>>
    %dma_wait3A_100 = tpu.memref_squeeze %dma_wait3A_99 : memref<1x1x128xi32, #tpu.memory_space<vmem>> -> memref<128xi32, #tpu.memory_space<vmem>>
    %dma_wait3A_101 = arith.constant 0 : i32
    %dma_wait3A_102 = arith.constant 0 : i32
    %dma_wait3A_103 = tpu.memref_slice %arg2[%dma_wait3A_101, %dma_wait3A_102] : memref<10000x128xf32, #tpu.memory_space<hbm>> -> memref<10000x128xf32, #tpu.memory_space<hbm>>
    tpu.wait_indirect_dma semaphore(%arg11 : memref<!tpu.dma_semaphore, #tpu.memory_space<semaphore_mem>>) src(%dma_wait3A_103 : memref<10000x128xf32, #tpu.memory_space<hbm>>) dst(%dma_wait3A_97 : memref<128x128xf32, #tpu.memory_space<vmem>>)
    %dma_wait3A_104 = arith.constant 0 : i32
    %dma_wait3A_105 = arith.constant 1 : i32
    %dma_wait3A_106 = arith.constant 1 : i32
    %dma_wait3A_107 = arith.constant 0 : i32
    %dma_wait3A_108 = arith.constant 0 : i32
    %dma_wait3A_109 = tpu.memref_slice %arg10[%dma_wait3A_106, %dma_wait3A_107, %dma_wait3A_108] : memref<2x128x128xf32, #tpu.memory_space<vmem>> -> memref<1x128x128xf32, #tpu.memory_space<vmem>>
    %dma_wait3A_110 = tpu.memref_squeeze %dma_wait3A_109 : memref<1x128x128xf32, #tpu.memory_space<vmem>> -> memref<128x128xf32, #tpu.memory_space<vmem>>
    %dma_wait3A_111 = arith.constant 0 : i32
    %dma_wait3A_112 = tpu.memref_slice %arg8[%dma_wait3A_104, %dma_wait3A_105, %dma_wait3A_111] : memref<2x24x128xi32, #tpu.memory_space<vmem>> -> memref<1x1x128xi32, #tpu.memory_space<vmem>>
    %dma_wait3A_113 = tpu.memref_squeeze %dma_wait3A_112 : memref<1x1x128xi32, #tpu.memory_space<vmem>> -> memref<128xi32, #tpu.memory_space<vmem>>
    %dma_wait3A_114 = arith.constant 0 : i32
    %dma_wait3A_115 = arith.constant 0 : i32
    %dma_wait3A_116 = tpu.memref_slice %arg2[%dma_wait3A_114, %dma_wait3A_115] : memref<10000x128xf32, #tpu.memory_space<hbm>> -> memref<10000x128xf32, #tpu.memory_space<hbm>>
    tpu.wait_indirect_dma semaphore(%arg12 : memref<!tpu.dma_semaphore, #tpu.memory_space<semaphore_mem>>) src(%dma_wait3A_116 : memref<10000x128xf32, #tpu.memory_space<hbm>>) dst(%dma_wait3A_110 : memref<128x128xf32, #tpu.memory_space<vmem>>)
    %barrier3A_117 = arith.constant 0 : index
    tpu.barrier barrier_id(%barrier3A_117)
    %lt3A_118 = arith.constant 15 : i32
    %lt3A_119 = arith.cmpi slt, %arg1, %lt3A_118 : i32
    %convert_element_type3A_120 = arith.extui %lt3A_119 : i1 to i32
    %cond3A_121 = arith.constant 0 : i32
    %cond3A_122 = arith.cmpi ne, %convert_element_type3A_120, %cond3A_121 : i32
    scf.if %cond3A_122 {
      %mul3A_128 = arith.constant 632 : i32
      %mul3A_129 = arith.muli %arg1, %mul3A_128 : i32
      %mul3A_130 = arith.constant 632 : i32
      %mul3A_131 = arith.muli %arg1, %mul3A_130 : i32
      "tpu.region"() ({
        %run_scoped3A_132 = tpu.sem_alloc : memref<!tpu.dma_semaphore, #tpu.memory_space<semaphore_mem>>
        %dma_start3A_133 = arith.constant 0 : i32
        %dma_start3A_134 = tpu.memref_slice %arg6[%arg0, %mul3A_131, %dma_start3A_133] : memref<2x10000x128xf32, #tpu.memory_space<hbm>> -> memref<1x632x128xf32, #tpu.memory_space<hbm>>
        %dma_start3A_135 = tpu.memref_squeeze %dma_start3A_134 : memref<1x632x128xf32, #tpu.memory_space<hbm>> -> memref<632x128xf32, #tpu.memory_space<hbm>>
        %dma_start3A_136 = arith.constant 0 : i32
        %dma_start3A_137 = tpu.memref_slice %arg7[%mul3A_129, %dma_start3A_136] : memref<10016x128xf32, #tpu.memory_space<vmem_shared>> -> memref<632x128xf32, #tpu.memory_space<vmem_shared>>
        tpu.enqueue_dma source(%dma_start3A_137 : memref<632x128xf32, #tpu.memory_space<vmem_shared>>) target(%dma_start3A_135 : memref<632x128xf32, #tpu.memory_space<hbm>>) target_semaphore(%run_scoped3A_132 : memref<!tpu.dma_semaphore, #tpu.memory_space<semaphore_mem>>)
        %dma_wait3A_138 = arith.constant 0 : i32
        %dma_wait3A_139 = tpu.memref_slice %arg6[%arg0, %mul3A_131, %dma_wait3A_138] : memref<2x10000x128xf32, #tpu.memory_space<hbm>> -> memref<1x632x128xf32, #tpu.memory_space<hbm>>
        %dma_wait3A_140 = tpu.memref_squeeze %dma_wait3A_139 : memref<1x632x128xf32, #tpu.memory_space<hbm>> -> memref<632x128xf32, #tpu.memory_space<hbm>>
        %dma_wait3A_141 = arith.constant 0 : i32
        %dma_wait3A_142 = tpu.memref_slice %arg7[%mul3A_129, %dma_wait3A_141] : memref<10016x128xf32, #tpu.memory_space<vmem_shared>> -> memref<632x128xf32, #tpu.memory_space<vmem_shared>>
        tpu.wait_dma2 semaphore(%run_scoped3A_132 : memref<!tpu.dma_semaphore, #tpu.memory_space<semaphore_mem>>) src(%dma_wait3A_142 : memref<632x128xf32, #tpu.memory_space<vmem_shared>>) dst(%dma_wait3A_140 : memref<632x128xf32, #tpu.memory_space<hbm>>)
        tpu.yield
      }) : () -> ()
    } else {
    }
    %eq3A_123 = arith.constant 15 : i32
    %eq3A_124 = arith.cmpi eq, %arg1, %eq3A_123 : i32
    %convert_element_type3A_125 = arith.extui %eq3A_124 : i1 to i32
    %cond3A_126 = arith.constant 0 : i32
    %cond3A_127 = arith.cmpi ne, %convert_element_type3A_125, %cond3A_126 : i32
    scf.if %cond3A_127 {
      "tpu.region"() ({
        %run_scoped3A_128 = tpu.sem_alloc : memref<!tpu.dma_semaphore, #tpu.memory_space<semaphore_mem>>
        %dma_start3A_129 = arith.constant 9480 : i32
        %dma_start3A_130 = arith.constant 0 : i32
        %dma_start3A_131 = tpu.memref_slice %arg6[%arg0, %dma_start3A_129, %dma_start3A_130] : memref<2x10000x128xf32, #tpu.memory_space<hbm>> -> memref<1x520x128xf32, #tpu.memory_space<hbm>>
        %dma_start3A_132 = tpu.memref_squeeze %dma_start3A_131 : memref<1x520x128xf32, #tpu.memory_space<hbm>> -> memref<520x128xf32, #tpu.memory_space<hbm>>
        %dma_start3A_133 = arith.constant 9480 : i32
        %dma_start3A_134 = arith.constant 0 : i32
        %dma_start3A_135 = tpu.memref_slice %arg7[%dma_start3A_133, %dma_start3A_134] : memref<10016x128xf32, #tpu.memory_space<vmem_shared>> -> memref<520x128xf32, #tpu.memory_space<vmem_shared>>
        tpu.enqueue_dma source(%dma_start3A_135 : memref<520x128xf32, #tpu.memory_space<vmem_shared>>) target(%dma_start3A_132 : memref<520x128xf32, #tpu.memory_space<hbm>>) target_semaphore(%run_scoped3A_128 : memref<!tpu.dma_semaphore, #tpu.memory_space<semaphore_mem>>)
        %dma_wait3A_136 = arith.constant 9480 : i32
        %dma_wait3A_137 = arith.constant 0 : i32
        %dma_wait3A_138 = tpu.memref_slice %arg6[%arg0, %dma_wait3A_136, %dma_wait3A_137] : memref<2x10000x128xf32, #tpu.memory_space<hbm>> -> memref<1x520x128xf32, #tpu.memory_space<hbm>>
        %dma_wait3A_139 = tpu.memref_squeeze %dma_wait3A_138 : memref<1x520x128xf32, #tpu.memory_space<hbm>> -> memref<520x128xf32, #tpu.memory_space<hbm>>
        %dma_wait3A_140 = arith.constant 9480 : i32
        %dma_wait3A_141 = arith.constant 0 : i32
        %dma_wait3A_142 = tpu.memref_slice %arg7[%dma_wait3A_140, %dma_wait3A_141] : memref<10016x128xf32, #tpu.memory_space<vmem_shared>> -> memref<520x128xf32, #tpu.memory_space<vmem_shared>>
        tpu.wait_dma2 semaphore(%run_scoped3A_128 : memref<!tpu.dma_semaphore, #tpu.memory_space<semaphore_mem>>) src(%dma_wait3A_142 : memref<520x128xf32, #tpu.memory_space<vmem_shared>>) dst(%dma_wait3A_139 : memref<520x128xf32, #tpu.memory_space<hbm>>)
        tpu.yield
      }) : () -> ()
    } else {
    }
    return
  }
}

module attributes {stable_mosaic.version = 14 : i64} {
  func.func @body(%arg0: i32, %arg1: memref<2x1000x128xf32, #tpu.memory_space<vmem>>, %arg2: memref<128x128xf32, #tpu.memory_space<vmem>>, %arg3: memref<1x128xf32, #tpu.memory_space<vmem>>, %arg4: memref<1000x128xf32, #tpu.memory_space<vmem>>) attributes {dimension_semantics = [#tpu.dimension_semantics<arbitrary>], iteration_bounds = array<i64: 10>, scalar_prefetch = 0 : i64, scratch_operands = 0 : i64, tpu.core_type = #tpu.core_type<tc>, window_params = [{transform_indices = @transform_0, window_bounds = array<i64: 2, 1000, 128>}, {pipeline_mode = #tpu.pipeline_mode<synchronous>, transform_indices = @transform_1, window_bounds = array<i64: 128, 128>}, {pipeline_mode = #tpu.pipeline_mode<synchronous>, transform_indices = @transform_2, window_bounds = array<i64: 1, 128>}, {transform_indices = @transform_3, window_bounds = array<i64: 1000, 128>}]} {
    %get3A = arith.constant 0 : index
    %get3A_0 = arith.constant 0 : index
    %get3A_1 = arith.constant 0 : index
    %get3A_2 = vector.load %arg1[%get3A, %get3A_0, %get3A_1] : memref<2x1000x128xf32, #tpu.memory_space<vmem>>, vector<1x1000x128xf32>
    %get3A_3 = vector.shape_cast %get3A_2 : vector<1x1000x128xf32> to vector<1000x128xf32>
    %get3A_4 = arith.constant 1 : index
    %get3A_5 = arith.constant 0 : index
    %get3A_6 = arith.constant 0 : index
    %get3A_7 = vector.load %arg1[%get3A_4, %get3A_5, %get3A_6] : memref<2x1000x128xf32, #tpu.memory_space<vmem>>, vector<1x1000x128xf32>
    %get3A_8 = vector.shape_cast %get3A_7 : vector<1x1000x128xf32> to vector<1000x128xf32>
    %add3A = arith.addf %get3A_3, %get3A_8 : vector<1000x128xf32>
    %get3A_9 = arith.constant 0 : index
    %get3A_10 = arith.constant 0 : index
    %get3A_11 = vector.load %arg2[%get3A_9, %get3A_10] : memref<128x128xf32, #tpu.memory_space<vmem>>, vector<128x128xf32>
    %dot_general3A = arith.constant dense<0.000000e+00> : vector<1000x128xf32>
    %dot_general3A_12 = tpu.matmul %add3A, %get3A_11, %dot_general3A {dimension_numbers = #tpu.dot_dimension_numbers<[1], [0], [0], [1], [0, 0, 1, 1], [], []>, transpose_lhs_hint = false} : vector<1000x128xf32>, vector<128x128xf32>, vector<1000x128xf32> -> vector<1000x128xf32>
    %get3A_13 = arith.constant 0 : index
    %get3A_14 = arith.constant 0 : index
    %get3A_15 = vector.load %arg3[%get3A_13, %get3A_14] : memref<1x128xf32, #tpu.memory_space<vmem>>, vector<1x128xf32>
    %add3A_16 = vector.broadcast %get3A_15 : vector<1x128xf32> to vector<1000x128xf32>
    %add3A_17 = arith.addf %dot_general3A_12, %add3A_16 : vector<1000x128xf32>
    %max3A = arith.constant 0.000000e+00 : f32
    %max3A_18 = vector.broadcast %max3A : f32 to vector<1000x128xf32>
    %max3A_19 = arith.maximumf %add3A_17, %max3A_18 : vector<1000x128xf32>
    %swap3A = arith.constant 0 : index
    %swap3A_20 = arith.constant 0 : index
    %swap3A_21 = vector.load %arg4[%swap3A, %swap3A_20] : memref<1000x128xf32, #tpu.memory_space<vmem>>, vector<1000x128xf32>
    tpu.vector_store %arg4[%swap3A, %swap3A_20], %max3A_19 {strides = array<i32>} : memref<1000x128xf32, #tpu.memory_space<vmem>>, vector<1000x128xf32>,
    return
  }
  func.func @transform_0(%arg0: i32) -> (i32, i32, i32) {
    %c0_i32 = arith.constant 0 : i32
    %c0_i32_0 = arith.constant 0 : i32
    %c0_i32_1 = arith.constant 0 : i32
    return %c0_i32, %arg0, %c0_i32_0 : i32, i32, i32
  }
  func.func @transform_1(%arg0: i32) -> (i32, i32) {
    %c0_i32 = arith.constant 0 : i32
    %c0_i32_0 = arith.constant 0 : i32
    %c0_i32_1 = arith.constant 0 : i32
    return %c0_i32, %c0_i32_0 : i32, i32
  }
  func.func @transform_2(%arg0: i32) -> (i32, i32) {
    %c0_i32 = arith.constant 0 : i32
    %c0_i32_0 = arith.constant 0 : i32
    %c0_i32_1 = arith.constant 0 : i32
    return %c0_i32, %c0_i32_0 : i32, i32
  }
  func.func @transform_3(%arg0: i32) -> (i32, i32) {
    %c0_i32 = arith.constant 0 : i32
    %c0_i32_0 = arith.constant 0 : i32
    return %arg0, %c0_i32 : i32, i32
  }
}

module attributes {stable_mosaic.version = 14 : i64} {
  func.func @body(%arg0: i32, %arg1: memref<1000x128xf32, #tpu.memory_space<vmem>>, %arg2: memref<1000x128xf32, #tpu.memory_space<vmem>>, %arg3: memref<128x128xf32, #tpu.memory_space<vmem>>, %arg4: memref<128x128xf32, #tpu.memory_space<vmem>>, %arg5: memref<1x128xf32, #tpu.memory_space<vmem>>, %arg6: memref<1000x128xf32, #tpu.memory_space<vmem>>) attributes {dimension_semantics = [#tpu.dimension_semantics<arbitrary>], iteration_bounds = array<i64: 10>, scalar_prefetch = 0 : i64, scratch_operands = 0 : i64, tpu.core_type = #tpu.core_type<tc>, window_params = [{transform_indices = @transform_0, window_bounds = array<i64: 1000, 128>}, {transform_indices = @transform_1, window_bounds = array<i64: 1000, 128>}, {pipeline_mode = #tpu.pipeline_mode<synchronous>, transform_indices = @transform_2, window_bounds = array<i64: 128, 128>}, {pipeline_mode = #tpu.pipeline_mode<synchronous>, transform_indices = @transform_3, window_bounds = array<i64: 128, 128>}, {pipeline_mode = #tpu.pipeline_mode<synchronous>, transform_indices = @transform_4, window_bounds = array<i64: 1, 128>}, {transform_indices = @transform_5, window_bounds = array<i64: 1000, 128>}]} {
    %get3A = arith.constant 0 : index
    %get3A_0 = arith.constant 0 : index
    %get3A_1 = vector.load %arg1[%get3A, %get3A_0] : memref<1000x128xf32, #tpu.memory_space<vmem>>, vector<1000x128xf32>
    %get3A_2 = arith.constant 0 : index
    %get3A_3 = arith.constant 0 : index
    %get3A_4 = vector.load %arg3[%get3A_2, %get3A_3] : memref<128x128xf32, #tpu.memory_space<vmem>>, vector<128x128xf32>
    %dot_general3A = arith.constant dense<0.000000e+00> : vector<1000x128xf32>
    %dot_general3A_5 = tpu.matmul %get3A_1, %get3A_4, %dot_general3A {dimension_numbers = #tpu.dot_dimension_numbers<[1], [0], [0], [1], [0, 0, 1, 1], [], []>, transpose_lhs_hint = false} : vector<1000x128xf32>, vector<128x128xf32>, vector<1000x128xf32> -> vector<1000x128xf32>
    %get3A_6 = arith.constant 0 : index
    %get3A_7 = arith.constant 0 : index
    %get3A_8 = vector.load %arg2[%get3A_6, %get3A_7] : memref<1000x128xf32, #tpu.memory_space<vmem>>, vector<1000x128xf32>
    %get3A_9 = arith.constant 0 : index
    %get3A_10 = arith.constant 0 : index
    %get3A_11 = vector.load %arg4[%get3A_9, %get3A_10] : memref<128x128xf32, #tpu.memory_space<vmem>>, vector<128x128xf32>
    %dot_general3A_12 = arith.constant dense<0.000000e+00> : vector<1000x128xf32>
    %dot_general3A_13 = tpu.matmul %get3A_8, %get3A_11, %dot_general3A_12 {dimension_numbers = #tpu.dot_dimension_numbers<[1], [0], [0], [1], [0, 0, 1, 1], [], []>, transpose_lhs_hint = false} : vector<1000x128xf32>, vector<128x128xf32>, vector<1000x128xf32> -> vector<1000x128xf32>
    %add3A = arith.addf %dot_general3A_5, %dot_general3A_13 : vector<1000x128xf32>
    %get3A_14 = arith.constant 0 : index
    %get3A_15 = arith.constant 0 : index
    %get3A_16 = vector.load %arg5[%get3A_14, %get3A_15] : memref<1x128xf32, #tpu.memory_space<vmem>>, vector<1x128xf32>
    %add3A_17 = vector.broadcast %get3A_16 : vector<1x128xf32> to vector<1000x128xf32>
    %add3A_18 = arith.addf %add3A, %add3A_17 : vector<1000x128xf32>
    %swap3A = arith.constant 0 : index
    %swap3A_19 = arith.constant 0 : index
    %swap3A_20 = vector.load %arg6[%swap3A, %swap3A_19] : memref<1000x128xf32, #tpu.memory_space<vmem>>, vector<1000x128xf32>
    tpu.vector_store %arg6[%swap3A, %swap3A_19], %add3A_18 {strides = array<i32>} : memref<1000x128xf32, #tpu.memory_space<vmem>>, vector<1000x128xf32>,
    return
  }
  func.func @transform_0(%arg0: i32) -> (i32, i32) {
    %c0_i32 = arith.constant 0 : i32
    %c0_i32_0 = arith.constant 0 : i32
    return %arg0, %c0_i32 : i32, i32
  }
  func.func @transform_1(%arg0: i32) -> (i32, i32) {
    %c0_i32 = arith.constant 0 : i32
    %c0_i32_0 = arith.constant 0 : i32
    return %arg0, %c0_i32 : i32, i32
  }
  func.func @transform_2(%arg0: i32) -> (i32, i32) {
    %c0_i32 = arith.constant 0 : i32
    %c0_i32_0 = arith.constant 0 : i32
    %c0_i32_1 = arith.constant 0 : i32
    return %c0_i32, %c0_i32_0 : i32, i32
  }
  func.func @transform_3(%arg0: i32) -> (i32, i32) {
    %c0_i32 = arith.constant 0 : i32
    %c0_i32_0 = arith.constant 0 : i32
    %c0_i32_1 = arith.constant 0 : i32
    return %c0_i32, %c0_i32_0 : i32, i32
  }
  func.func @transform_4(%arg0: i32) -> (i32, i32) {
    %c0_i32 = arith.constant 0 : i32
    %c0_i32_0 = arith.constant 0 : i32
    %c0_i32_1 = arith.constant 0 : i32
    return %c0_i32, %c0_i32_0 : i32, i32
  }
  func.func @transform_5(%arg0: i32) -> (i32, i32) {
    %c0_i32 = arith.constant 0 : i32
    %c0_i32_0 = arith.constant 0 : i32
    return %arg0, %c0_i32 : i32, i32
  }
}

module attributes {stable_mosaic.version = 14 : i64} {
  func.func @body(%arg0: i32, %arg1: memref<2x1000x128xf32, #tpu.memory_space<vmem>>, %arg2: memref<128x128xf32, #tpu.memory_space<vmem>>, %arg3: memref<1x128xf32, #tpu.memory_space<vmem>>, %arg4: memref<1000x128xf32, #tpu.memory_space<vmem>>, %arg5: memref<128x128xf32, #tpu.memory_space<vmem>>, %arg6: memref<1000x128xf32, #tpu.memory_space<vmem>>) attributes {dimension_semantics = [#tpu.dimension_semantics<arbitrary>], iteration_bounds = array<i64: 10>, scalar_prefetch = 0 : i64, scratch_operands = 0 : i64, tpu.core_type = #tpu.core_type<tc>, window_params = [{transform_indices = @transform_0, window_bounds = array<i64: 2, 1000, 128>}, {pipeline_mode = #tpu.pipeline_mode<synchronous>, transform_indices = @transform_1, window_bounds = array<i64: 128, 128>}, {pipeline_mode = #tpu.pipeline_mode<synchronous>, transform_indices = @transform_2, window_bounds = array<i64: 1, 128>}, {transform_indices = @transform_3, window_bounds = array<i64: 1000, 128>}, {pipeline_mode = #tpu.pipeline_mode<synchronous>, transform_indices = @transform_4, window_bounds = array<i64: 128, 128>}, {transform_indices = @transform_5, window_bounds = array<i64: 1000, 128>}]} {
    %get3A = arith.constant 0 : index
    %get3A_0 = arith.constant 0 : index
    %get3A_1 = arith.constant 0 : index
    %get3A_2 = vector.load %arg1[%get3A, %get3A_0, %get3A_1] : memref<2x1000x128xf32, #tpu.memory_space<vmem>>, vector<1x1000x128xf32>
    %get3A_3 = vector.shape_cast %get3A_2 : vector<1x1000x128xf32> to vector<1000x128xf32>
    %get3A_4 = arith.constant 1 : index
    %get3A_5 = arith.constant 0 : index
    %get3A_6 = arith.constant 0 : index
    %get3A_7 = vector.load %arg1[%get3A_4, %get3A_5, %get3A_6] : memref<2x1000x128xf32, #tpu.memory_space<vmem>>, vector<1x1000x128xf32>
    %get3A_8 = vector.shape_cast %get3A_7 : vector<1x1000x128xf32> to vector<1000x128xf32>
    %add3A = arith.addf %get3A_3, %get3A_8 : vector<1000x128xf32>
    %get3A_9 = arith.constant 0 : index
    %get3A_10 = arith.constant 0 : index
    %get3A_11 = vector.load %arg2[%get3A_9, %get3A_10] : memref<128x128xf32, #tpu.memory_space<vmem>>, vector<128x128xf32>
    %dot_general3A = arith.constant dense<0.000000e+00> : vector<1000x128xf32>
    %dot_general3A_12 = tpu.matmul %add3A, %get3A_11, %dot_general3A {dimension_numbers = #tpu.dot_dimension_numbers<[1], [0], [0], [1], [0, 0, 1, 1], [], []>, transpose_lhs_hint = false} : vector<1000x128xf32>, vector<128x128xf32>, vector<1000x128xf32> -> vector<1000x128xf32>
    %get3A_13 = arith.constant 0 : index
    %get3A_14 = arith.constant 0 : index
    %get3A_15 = vector.load %arg3[%get3A_13, %get3A_14] : memref<1x128xf32, #tpu.memory_space<vmem>>, vector<1x128xf32>
    %add3A_16 = vector.broadcast %get3A_15 : vector<1x128xf32> to vector<1000x128xf32>
    %add3A_17 = arith.addf %dot_general3A_12, %add3A_16 : vector<1000x128xf32>
    %max3A = arith.constant 0.000000e+00 : f32
    %max3A_18 = vector.broadcast %max3A : f32 to vector<1000x128xf32>
    %max3A_19 = arith.maximumf %add3A_17, %max3A_18 : vector<1000x128xf32>
    %get3A_20 = arith.constant 0 : index
    %get3A_21 = arith.constant 0 : index
    %get3A_22 = vector.load %arg4[%get3A_20, %get3A_21] : memref<1000x128xf32, #tpu.memory_space<vmem>>, vector<1000x128xf32>
    %get3A_23 = arith.constant 0 : index
    %get3A_24 = arith.constant 0 : index
    %get3A_25 = vector.load %arg5[%get3A_23, %get3A_24] : memref<128x128xf32, #tpu.memory_space<vmem>>, vector<128x128xf32>
    %dot_general3A_26 = arith.constant dense<0.000000e+00> : vector<1000x128xf32>
    %dot_general3A_27 = tpu.matmul %max3A_19, %get3A_25, %dot_general3A_26 {dimension_numbers = #tpu.dot_dimension_numbers<[1], [0], [0], [1], [0, 0, 1, 1], [], []>, transpose_lhs_hint = false} : vector<1000x128xf32>, vector<128x128xf32>, vector<1000x128xf32> -> vector<1000x128xf32>
    %add3A_28 = arith.addf %get3A_22, %dot_general3A_27 : vector<1000x128xf32>
    %swap3A = arith.constant 0 : index
    %swap3A_29 = arith.constant 0 : index
    %swap3A_30 = vector.load %arg6[%swap3A, %swap3A_29] : memref<1000x128xf32, #tpu.memory_space<vmem>>, vector<1000x128xf32>
    tpu.vector_store %arg6[%swap3A, %swap3A_29], %add3A_28 {strides = array<i32>} : memref<1000x128xf32, #tpu.memory_space<vmem>>, vector<1000x128xf32>,
    return
  }
  func.func @transform_0(%arg0: i32) -> (i32, i32, i32) {
    %c0_i32 = arith.constant 0 : i32
    %c0_i32_0 = arith.constant 0 : i32
    %c0_i32_1 = arith.constant 0 : i32
    return %c0_i32, %arg0, %c0_i32_0 : i32, i32, i32
  }
  func.func @transform_1(%arg0: i32) -> (i32, i32) {
    %c0_i32 = arith.constant 0 : i32
    %c0_i32_0 = arith.constant 0 : i32
    %c0_i32_1 = arith.constant 0 : i32
    return %c0_i32, %c0_i32_0 : i32, i32
  }
  func.func @transform_2(%arg0: i32) -> (i32, i32) {
    %c0_i32 = arith.constant 0 : i32
    %c0_i32_0 = arith.constant 0 : i32
    %c0_i32_1 = arith.constant 0 : i32
    return %c0_i32, %c0_i32_0 : i32, i32
  }
  func.func @transform_3(%arg0: i32) -> (i32, i32) {
    %c0_i32 = arith.constant 0 : i32
    %c0_i32_0 = arith.constant 0 : i32
    return %arg0, %c0_i32 : i32, i32
  }
  func.func @transform_4(%arg0: i32) -> (i32, i32) {
    %c0_i32 = arith.constant 0 : i32
    %c0_i32_0 = arith.constant 0 : i32
    %c0_i32_1 = arith.constant 0 : i32
    return %c0_i32, %c0_i32_0 : i32, i32
  }
  func.func @transform_5(%arg0: i32) -> (i32, i32) {
    %c0_i32 = arith.constant 0 : i32
    %c0_i32_0 = arith.constant 0 : i32
    return %arg0, %c0_i32 : i32, i32
  }
}

</mosaic_0001>

<sc_bundles>
// kernel: kernel.12.cloned.1.call-start
scs
__scs_entry_jumppad:
0x0: {  	(pc) =	sbr.rel $0x88, $3  }
0x1: {  	(tag) =	ssettag $0x0;
	lr =	simm.s32 $0x1  }
0x2: {  	[smem:$0x3F97] =	sst lr;
	_ =	strace $0xD0000000  }
0x3: {  	_ = 	snop  }
0x4: {  	_ = 	snop  }
0x5: {  	_ = 	snop  }
0x6: {  	_ = 	snop  }
0x7: {  	_ = 	snop  }
__scs_overlays_trampoline_lowered:
0x8: {  	[smem:$0x3FA6] =	sst s0  }
0x9: {  	[smem:$0x3FA7] =	sst s1  }
0xa: {  	[smem:$0x3FA8] =	sst s2  }
0xb: {  	[smem:$0x3FA9] =	sst s3  }
0xc: {  	[smem:$0x3FAA] =	sst s4  }
0xd: {  	[smem:$0x3FAB] =	sst s5  }
0xe: {  	[smem:$0x3FAC] =	sst s6  }
0xf: {  	[smem:$0x3FAD] =	sst s7  }
0x10: {  	[smem:$0x3FAE] =	sst s8  }
0x11: {  	[smem:$0x3FAF] =	sst s9;
	s0 =	simm.s32 @!p0 $0x0  }
0x12: {  	s1 =	sld [smem:$0x3F95];
	s0 =	simm.s32 @p0 $0x1  }
0x13: {  	[smem:$0x3FB0] =	sst s0;
	s0 =	simm.s32 @!p1 $0x0  }
0x14: {  	s2 =	sld [smem:$0x3F94];
	s0 =	simm.s32 @p1 $0x1  }
0x15: {  	[smem:$0x3FB1] =	sst s0;
	s0 =	simm.s32 @!p2 $0x0  }
0x16: {  	s3 =	sld [smem:$0x3FDB];
	s0 =	simm.s32 @p2 $0x1  }
0x17: {  	s4 =	simm.s32 $0x1BF5;
	[smem:$0x3FB3] =	sst s0  }
0x18: {  	s0 =	sld [smem:$0x3F96];
	_ =	swait.ge [sflag:s4], $0x0  }
0x19: {  	s7 =	sld [smem:$0x3F97]  }
0x1a: {  	s8 =	sadd.s32 $0xFFFFE003, lr  }
0x1b: {  	s9 =	sadd.s32 $0xFFFFFEF7, lr;
	s5 =	simm.s32 $0xFFFFFFFF;
	p2 =	slt.u32 s8, $0xFFFFF086  }
0x1c: {  	p1 =	slt.u32 s9, $0xF7A;
	s5 =	simm.s32 @!p2 $0x0  }
0x1d: {  	s5 =	simm.s32 @p1 $0x1;
	p0 =	seq.s32 s7, s2  }
0x1e: {  	s7 =	smul.u32 @!p0 $0xF7A, s2;
	p2 =	seq.s32 @!p0 s5, $0x0  }
0x1f: {  	s9 =	smul.u32 $0xF7A, s1;
	s8 =	simm.s32 @!p0 $0x1BF5;
	p2 =	por !p2, p0  }
0x20: {  	[sflag:s8] =	ssyncset.s32 @!p0 $0xFFFFF086;
	s6 =	sadd.s32 @!p0 s3, s7;
	s7 =	simm.s32 @!p0 $0x108  }
0x21: {  	s3 =	sadd.s32 s3, s9;
	s6 =	sadd.s32 @!p0 $0x88, s6;
	s7 =	simm.s32 @p2 $0x1082  }
0x22: {  	[simem:s7], [sflag:s8] =	dma.local @!p0 [hbm:s6], $0xF7A  }
0x23: {  	s9 =	sor.u32 $0xD0000000, s2;
	s6 =	simm.s32 $0x108;
	_ =	swait.ge @!p0 [sflag:s8], $0x0  }
0x24: {  	s3 =	sadd.s32 $0x88, s3;
	s6 =	simm.s32 @!p1 $0x1082;
	[sflag:s4] =	ssyncset.s32 $0xFFFFF086  }
0x25: {  	[simem:s6], [sflag:s4] =	dma.local [hbm:s3], $0xF7A  }
0x26: {  	[smem:$0x3F97] =	sst s1;
	(tag) =	ssettag s2;
	_ =	strace s9  }
0x27: {  	s1 =	sld [smem:$0x3FA7]  }
0x28: {  	s2 =	sld [smem:$0x3FA8]  }
0x29: {  	s4 =	sld [smem:$0x3FAA]  }
0x2a: {  	p0 =	seq.s32 s5, $0x0;
	s5 =	sld [smem:$0x3FAB]  }
0x2b: {  	s6 =	sld [smem:$0x3FAC]  }
0x2c: {  	s7 =	sld [smem:$0x3FAD]  }
0x2d: {  	s3 =	simm.s32 $0x108;
	s8 =	sld [smem:$0x3FAE]  }
0x2e: {  	s3 =	simm.s32 @!p0 $0x1082;
	s9 =	sld [smem:$0x3FAF]  }
0x2f: {  	lr =	sadd.s32 s0, s3;
	s0 =	sld [smem:$0x3FA6]  }
0x30: {  	s3 =	sld [smem:$0x3FA9]  }
0x31: {  	[smem:$0x3FB2] =	sst s10  }
0x32: {  	s10 =	sld [smem:$0x3FB0];
	_ =	sdelay $0x3  }
0x33: {  	p0 =	seq.s32 s10, $0x1;
	s10 =	sld [smem:$0x3FB2];
	_ =	sdelay $0x3  }
0x34: {  	[smem:$0x3FB2] =	sst s10  }
0x35: {  	s10 =	sld [smem:$0x3FB1];
	_ =	sdelay $0x3  }
0x36: {  	p1 =	seq.s32 s10, $0x1;
	s10 =	sld [smem:$0x3FB2];
	_ =	sdelay $0x3  }
0x37: {  	[smem:$0x3FB2] =	sst s10  }
0x38: {  	s10 =	sld [smem:$0x3FB3]  }
0x39: {  	_ = 	snop;
	(pc) =	sbr.ind lr, $3  }
0x3a: {  	_ = 	snop  }
0x3b: {  	_ = 	snop  }
0x3c: {  	p2 =	seq.s32 s10, $0x1;
	s10 =	sld [smem:$0x3FB2]  }
0x3d: {  	_ =	shalt  }
0x3e: {  	_ =	shalt  }
0x3f: {  	_ =	shalt  }
0x40: {  	_ =	shalt  }
0x41: {  	_ =	shalt  }
0x42: {  	_ =	shalt  }
0x43: {  	_ =	shalt  }
0x44: {  	_ =	shalt  }
0x45: {  	_ =	shalt  }
0x46: {  	_ =	shalt  }
0x47: {  	_ =	shalt  }
0x48: {  	_ =	shalt  }
0x49: {  	_ =	shalt  }
0x4a: {  	_ =	shalt  }
0x4b: {  	_ =	shalt  }
0x4c: {  	_ =	shalt  }
0x4d: {  	_ =	shalt  }
0x4e: {  	_ =	shalt  }
0x4f: {  	_ =	shalt  }
0x50: {  	_ =	shalt  }
0x51: {  	_ =	shalt  }
0x52: {  	_ =	shalt  }
0x53: {  	_ =	shalt  }
0x54: {  	_ =	shalt  }
0x55: {  	_ =	shalt  }
0x56: {  	_ =	shalt  }
0x57: {  	_ =	shalt  }
0x58: {  	_ =	shalt  }
0x59: {  	_ =	shalt  }
0x5a: {  	_ =	shalt  }
0x5b: {  	_ =	shalt  }
0x5c: {  	_ =	shalt  }
0x5d: {  	_ =	shalt  }
0x5e: {  	_ =	shalt  }
0x5f: {  	_ =	shalt  }
0x60: {  	_ =	shalt  }
0x61: {  	_ =	shalt  }
0x62: {  	_ =	shalt  }
0x63: {  	_ =	shalt  }
0x64: {  	_ =	shalt  }
0x65: {  	_ =	shalt  }
0x66: {  	_ =	shalt  }
0x67: {  	_ =	shalt  }
0x68: {  	_ =	shalt  }
0x69: {  	_ =	shalt  }
0x6a: {  	_ =	shalt  }
0x6b: {  	_ =	shalt  }
0x6c: {  	_ =	shalt  }
0x6d: {  	_ =	shalt  }
0x6e: {  	_ =	shalt  }
0x6f: {  	_ =	shalt  }
0x70: {  	_ =	shalt  }
0x71: {  	_ =	shalt  }
0x72: {  	_ =	shalt  }
0x73: {  	_ =	shalt  }
0x74: {  	_ =	shalt  }
0x75: {  	_ =	shalt  }
0x76: {  	_ =	shalt  }
0x77: {  	_ =	shalt  }
0x78: {  	_ =	shalt  }
0x79: {  	_ =	shalt  }
0x7a: {  	_ =	shalt  }
0x7b: {  	_ =	shalt  }
0x7c: {  	_ =	shalt  }
0x7d: {  	_ =	shalt  }
0x7e: {  	_ =	shalt  }
0x7f: {  	_ =	shalt  }
0x80: {  	_ =	shalt  }
0x81: {  	_ =	shalt  }
0x82: {  	_ =	shalt  }
0x83: {  	_ =	shalt  }
0x84: {  	_ =	shalt  }
0x85: {  	_ =	shalt  }
0x86: {  	_ =	shalt  }
0x87: {  	_ =	shalt  }
.Lfunc_end0:
.L_simem_size_0:
called_computation.1_lowered:
.L_overlay_start_0:
0x88: {  	s2 =	sld [smem:$0x3FD9]  }
0x89: {  	s3 =	sld [smem:$0x3FFE];
	_ =	sdelay $0x1  }
0x8a: {  	s1 =	srdreg.scid  }
0x8b: {  	s0 =	sand.u32 $0x1, s1  }
0x8c: {  	s17 =	sshll.u32 s0, $0xA;
	s2 =	sadd.s32 s3, s2  }
0x8d: {  	s2 =	sadd.s32 s2, s17  }
0x8e: {  	[smem:$0x3FBE] =	sst s2  }
0x8f: {  	_ = 	snop  }
0x90: {  	s2 =	sld [smem:$0x3FD0];
	(tm) =	ssettm $0x1  }
0x91: {  	s18 =	sld [smem:$0x3FFB];
	_ =	sdelay $0x3  }
0x92: {  	_ =	strace s18  }
0x93: {  	s3 =	sld [smem:$0x3FFC];
	_ =	sdelay $0x3  }
0x94: {  	_ =	strace s3  }
0x95: {  	s3 =	sld [smem:$0x3FFD];
	_ =	sdelay $0x3  }
0x96: {  	_ =	strace s3  }
0x97: {  	_ =	strace $0x8FFFFFFF  }
0x98: {  	s19 =	sld [smem:$0x3FDB];
	_ =	sdelay $0x1  }
0x99: {  	s4 =	simm.s32 $_scs_section_size  }
0x9a: {  	s5 =	simm.s32 $_size__tile_overlayer_lowered;
	s6 =	simm.s32 $_tile_overlayer_lowered  }
0x9b: {  	s22 =	simm.s32 $0x1BFF;
	s21 =	sshll.u32 s6, $0x1;
	s3 =	sadd.s32 s4, s19  }
0x9c: {  	s7 =	simm.s32 $0x0;
	s20 =	sshll.u32 s5, $0x1;
	s5 =	sadd.s32 s21, s3  }
0x9d: {  	[timem:s7], [sflag:s22] =	dma.local [hbm:s5], s20  }
0x9e: {  	_ =	swait.ge [sflag:s22], s20  }
0x9f: {  	s4 =	ssub.s32 $0x0, s20;
	[sflag:s22] =	ssyncset.done $0x0  }
0xa0: {  	[sflag:s22] =	ssyncadd.s32 s4;
	_ =	sdelay $0x1  }
0xa1: {  	s23 =	simm.s32 $0x1B8B  }
0xa2: {  	_ =	swait.ge [sflag:s23], $0x1  }
0xa3: {  	[sflag:s23] =	ssyncset.done $0x0  }
0xa4: {  	s25 =	simm.s32 $0x1B8E;
	s24 =	sld [smem:$0x3FFE];
	[sflag:s23] =	ssyncadd.s32 $0xFFFFFFFF  }
0xa5: {  	s26 =	simm.s32 $execute0_lowered;
	[smem:$0x3FD2] =	sst s25  }
0xa6: {  	s5 =	sshll.u32 s26, $0x1;
	_ =	strace $0x80000049;
	[dreg:$0x1] =	wrdreg $0xFFFFFFFF  }
0xa7: {  	s28 =	simm.s32 $_size_execute0_lowered;
	s3 =	sadd.s32 s3, s5;
	[dreg:$0x0] =	wrdreg $0x0  }
0xa8: {  	s5 =	sshll.u32 s28, $0x1;
	[dreg:$0x2] =	wrdreg s3  }
0xa9: {  	[dreg:$0x3] =	wrdreg s5  }
0xaa: {  	[dreg:$0x4] =	wrdreg $0xC0  }
0xab: {  	_ =	task [dreg:s7], $0x5FFFF  }
0xac: {  	[dreg:$0x1] =	wrdreg $0xFFFFFFFF  }
0xad: {  	[dreg:$0x0] =	wrdreg $0x60  }
0xae: {  	[dreg:$0x2] =	wrdreg s2  }
0xaf: {  	[dreg:$0x3] =	wrdreg s24  }
0xb0: {  	[dreg:$0x4] =	wrdreg $0x0  }
0xb1: {  	[dreg:$0x5] =	wrdreg $0x9  }
0xb2: {  	_ =	task.clear_ibuf [dreg:s7], $0x6FFFF;
	_ =	strace $0x90000049  }
0xb3: {  	s29 =	simm.s32 $0x9;
	_ =	strace $0x8000004B  }
0xb4: {  	_ =	swait.ge [sflag:s29], $0x1  }
0xb5: {  	[sflag:s29] =	ssyncadd.s32 $0xFFFFFFFF  }
0xb6: {  	_ =	strace $0x9000004B  }
0xb7: {  	_ =	sfence  }
0xb8: {  	s30 =	sld [smem:$0x0];
	_ =	sdelay $0x2  }
0xb9: {  	s31 =	sshll.u32 s1, $0xD;
	s1 =	sshrl.u32 s1, $0x2  }
0xba: {  	s3 =	sand.u32 $0x4000, s31;
	s1 =	sadd.s32 s1, s30  }
0xbb: {  	s0 =	sor.u32 s3, s0;
	s1 =	sshll.u32 s1, $0x11  }
0xbc: {  	s0 =	sor.u32 s1, s0  }
0xbd: {  	s0 =	sadd.s32 $0x8F2B, s0  }
0xbe: {  	[sflag:s0] =	ssyncadd.remote.s32 $0x1  }
0xbf: {  	_ =	sfence.sel $0xFFFF  }
0xc0: {  	[dreg:$0x0] =	wrdreg $0xFFFFFFFF;
	(pc) =	sbr.abs _section_cstart, $3  }
0xc1: {  	[dreg:$0x1] =	wrdreg $0xFFFFFFFF  }
0xc2: {  	_ =	task.clear_ibuf [dreg:s7], $0x2FFFF;
	_ =	strace $0x9FFFFFFF  }
0xc3: {  	(tm) =	ssettm $0x7FFFFFFF  }
tec
execute0_lowered:
.L_overlay_start_1:
0x0: {  	(tag) =	ssettag $0x1  }
0x1: {  	s1 =	rddreg [dreg:$0x0]  }
0x2: {  	s0 =	rddreg [dreg:$0x1]  }
0x3: {  	s2 =	rddreg [dreg:$0x2];
	s3 =	simm.s32 $0x0  }
0x4: {  	s4 =	srdreg.scid;
	s5 =	stileid.u32;
	s29 =	simm.s32 $0x1A900  }
0x5: {  	s30 =	simm.s32 $0x1;
	s31 =	simm.s32 $0x2;
	[smem:$0x7FF] =	sst s3  }
0x6: {  	s11 =	sadd.s32 $0x17000, s0;
	s4 =	sand.u32 $0x1, s4;
	s6 =	sadd.s32 $0x2C00, s0  }
0x7: {  	s7 =	sadd.s32 $0xCE00, s0;
	s9 =	sadd.s32 $0x3E200, s0;
	p2 =	sne.s32 s5, $0xF  }
0x8: {  	s21 =	sshll.u32 s5, $0x1;
	p0 =	seq.s32 s5, $0xF;
	s22 =	smul.u32 $0x4F000, s5  }
0x9: {  	s12 =	sadd.s32 $0x25080, s1;
	s25 =	sadd.s32 $0x138800, s2;
	s23 =	smul.u32 $0x2780, s5  }
0xa: {  	s17 =	smul.u32 $0x13C00, s5;
	_ =	strace $0x8000004A;
	s8 =	ssub.s32 $0x2, s4  }
0xb: {  	p3 =	seq.s32 s4, $0x0;
	s16 =	sor.u32 s4, s21;
	[dreg:$0x5] =	wrdreg s12  }
0xc: {  	[dreg:$0x4] =	wrdreg s11;
	s21 =	simm.s32 $0x13900;
	s28 =	sshrl.u32 s25, $0x3  }
0xd: {  	s10 =	sshrl.u32 s8, $0x1;
	p1 =	por !p3, !p2;
	p3 =	por !p3, !p0  }
0xe: {  	s15 =	smul.u32 $0x500, s16;
	s24 =	sadd.s32 s1, s23;
	s12 =	sadd.s32 s11, s23  }
0xf: {  	s16 =	smul.u32 $0x2800, s16;
	[dreg:$0x7] =	wrdreg s28;
	s19 =	ssub.s32 s8, s10  }
0x10: {  	p5 =	por !p1, !p1;
	s8 =	simm.s32 @!p0 $0x0;
	p3 =	por !p3, !p3  }
0x11: {  	s10 =	sshrl.u32 s22, $0x2;
	[dreg:$0x6] =	wrdreg s24;
	s22 =	simm.s32 $0x5  }
0x12: {  	s24 =	simm.s32 $0x80;
	s8 =	simm.s32 @p0 $0x1;
	s10 =	sadd.s32 s10, s2  }
0x13: {  	s14 =	sadd.s32 s6, s15;
	[smem:$0x7FA] =	sst s8;
	s8 =	simm.s32 @!p3 $0x0  }
0x14: {  	s15 =	sadd.s32 s7, s15;
	s19 =	smax.u32 s19, $0x1;
	s8 =	simm.s32 @p3 $0x1  }
0x15: {  	p3 =	seq.s32 s4, $0x1;
	s4 =	smul.u32 $0x138800, s4;
	[smem:$0x7FB] =	sst s8  }
0x16: {  	s8 =	sadd.s32 $0x128400, s2;
	s13 =	simm.s32 @!p3 $0x0;
	p2 =	por !p2, !p3  }
0x17: {  	s13 =	simm.s32 @p3 $0x1;
	p1 =	por !p2, !p2;
	s26 =	sadd.s32 s17, s4  }
.Ltmp0:
0x18: {  	s4 =	sshrl.u32 s4, $0x3;
	[smem:$0x7FC] =	sst s13;
	(pc) =	sbr.rel .LBB2_1-.Ltmp0, $4  }
0x19: {  	s13 =	sadd.s32 $0x3C080, s0;
	s0 =	sshrl.u32 s26, $0x3;
	s4 =	sadd.s32 s9, s4  }
0x1a: {  	s26 =	simm.s32 $0x16900;
	s18 =	sadd.s32 $0x25080, s4;
	s4 =	simm.s32 @!p1 $0x0  }
0x1b: {  	s17 =	sadd.s32 s9, s0;
	s0 =	sshll.u32 @p1 s5, $0x6;
	s4 =	simm.s32 @p1 $0x1  }
0x1c: {  	s9 =	simm.s32 $0x0;
	s20 =	sor.u32 @p1 $0x1C04, s0;
	[smem:$0x7FD] =	sst s4  }
.LBB2_10:
0x1d: {  	_ =	swait.ge [sflag:s30], $0x4000  }
0x1e: {  	[sflag:s30] =	ssyncset.done $0x0  }
0x1f: {  	[sflag:s30] =	ssyncadd.s32 $0xFFFFC000  }
0x20: {  	_ =	swait.ge [sflag:s31], $0x4000  }
0x21: {  	s0 =	sld [smem:$0x7FA];
	_ =	sdelay $0x2  }
0x22: {  	[sflag:s31] =	ssyncset.done $0x0;
	p0 =	seq.s32 s0, $0x1  }
0x23: {  	[sflag:s31] =	ssyncadd.s32 $0xFFFFC000;
	s0 =	sshll.u32 @!p0 s5, $0x6  }
0x24: {  	[bflag:$0x0] =	sbarrier.arrive $0xFFFF;
	s4 =	sshrl.u32 @!p0 s10, $0x3;
	s0 =	sor.u32 @!p0 $0x1C05, s0  }
0x25: {  	[hbm:s17], [sflag:s0] =	dma.local @!p0 [spmem:s4], $0x2780  }
0x26: {  	s0 =	simm.s32 @!p0 $0x5  }
0x27: {  	s9 =	sadd.s32 $0x1, s9;
	_ =	swait.ge @!p0 [sflag:s0], $0x2780  }
0x28: {  	p2 =	sne.s32 s9, s19;
	s4 =	sshll.u32 @p6 s5, $0x6;
	[sflag:s0] =	ssyncset.done @!p0 $0x0  }
0x29: {  	[sflag:s0] =	ssyncadd.s32 @!p0 $0xFFFFD880;
	s0 =	sor.u32 @p6 $0x1C05, s4;
	s4 =	sshrl.u32 @p6 s8, $0x3  }
0x2a: {  	[hbm:s18], [sflag:s0] =	dma.local @p6 [spmem:s4], $0x2080  }
.Ltmp1:
0x2b: {  	_ = 	snop;
	(pc) =	sbr.rel @!p2 .LBB2_11-.Ltmp1, $4  }
0x2c: {  	s0 =	simm.s32 @p6 $0x5  }
0x2d: {  	_ =	swait.ge @p6 [sflag:s0], $0x2080  }
0x2e: {  	[sflag:s0] =	ssyncset.done @p6 $0x0  }
0x2f: {  	[sflag:s0] =	ssyncadd.s32 @p6 $0xFFFFDF80  }
.LBB2_1:
.Ltmp2:
0x30: {  	(pc) =	sbr.rel @!p5 .LBB2_4-.Ltmp2, $1  }
0x31: {  	_ =	sdelay $0x3  }
.Ltmp3:
0x32: {  	(pc) =	sbr.rel .LBB2_3-.Ltmp3, $4  }
0x33: {  	_ = 	snop  }
0x34: {  	s0 =	sshll.u32 s5, $0x6;
	s4 =	sshrl.u32 s10, $0x3  }
0x35: {  	s11 =	rddreg [dreg:$0x6];
	p6 =	por $0x0, $0x0;
	s0 =	sor.u32 $0x1C04, s0  }
0x36: {  	[spmem:s4], [sflag:s0] =	dma.local [hbm:s11], $0x2780  }
.LBB2_4:
0x37: {  	s28 =	sld [smem:$0x7FB];
	_ =	sdelay $0x2  }
0x38: {  	p2 =	seq.s32 s28, $0x1  }
.Ltmp4:
0x39: {  	_ = 	snop;
	(pc) =	sbr.rel @!p2 .LBB2_3-.Ltmp4, $2  }
0x3a: {  	s0 =	sld [smem:$0x7FA];
	_ =	sdelay $0x2  }
0x3b: {  	p6 =	seq.s32 s0, $0x1  }
0x3c: {  	s0 =	sshrl.u32 s8, $0x3  }
.Ltmp5:
0x3d: {  	s4 =	rddreg [dreg:$0x5];
	s11 =	simm.s32 $0x1FC4;
	(pc) =	sbr.rel .LBB2_6-.Ltmp5, $4  }
0x3e: {  	[spmem:s0], [sflag:s11] =	dma.local [hbm:s4], $0x2080  }
0x3f: {  	p3 =	por $0x1, $0x1;
	p0 =	por $0x0, $0x0;
	s0 =	rddreg [dreg:$0x4]  }
0x40: {  	p6 =	por $0x1, $0x1;
	p1 =	por $0x0, $0x0;
	s4 =	rddreg [dreg:$0x7]  }
0x41: {  	[spmem:s4], [sflag:s11] =	dma.local [hbm:s0], $0x100  }
.LBB2_3:
0x42: {  	s0 =	sld [smem:$0x7FD];
	_ =	sdelay $0x2  }
0x43: {  	p1 =	seq.s32 s0, $0x1  }
0x44: {  	s0 =	sshrl.u32 @p1 s10, $0x3  }
0x45: {  	[spmem:s0], [sflag:s20] =	dma.local @p1 [hbm:s12], $0x2780  }
0x46: {  	s0 =	sld [smem:$0x7FC];
	_ =	sdelay $0x2  }
0x47: {  	p2 =	por @p1 $0x1, $0x1;
	p3 =	seq.s32 s0, $0x1  }
0x48: {  	p2 =	por @!p1 p3, p3  }
0x49: {  	p2 =	por !p2, !p6  }
0x4a: {  	p4 =	por !p2, !p2  }
0x4b: {  	p2 =	por $0x0, $0x0;
	s0 =	sshll.u32 @p4 s5, $0x6  }
0x4c: {  	s4 =	sshrl.u32 @p4 s8, $0x3;
	p3 =	por @p4 $0x0, $0x0;
	p0 =	por @p4 $0x1, $0x1  }
0x4d: {  	s0 =	sor.u32 @p4 $0x1C04, s0;
	p0 =	por @!p4 p2, p2;
	p2 =	por $0x0, $0x0  }
0x4e: {  	[spmem:s4], [sflag:s0] =	dma.local @p4 [hbm:s13], $0x2180  }
0x4f: {  	p3 =	por @!p4 p2, p2  }
.LBB2_6:
0x50: {  	[tilespmem:s21], [sflag:$0x5] =	stream.linear.gather [hbm4b:s14+s3], $0xC00, $0x38;
	[tilespmem:$0x1E900] =	vst v63  }
0x51: {  	_ =	swait.ge [sflag:s22], $0xC00  }
0x52: {  	[sflag:s22] =	ssyncset.done $0x0  }
0x53: {  	s0 =	simm.s32 $0x15100;
	[sflag:s22] =	ssyncadd.s32 $0xFFFFF400  }
0x54: {  	[tilespmem:s0], [sflag:$0x5] =	stream.linear.gather [hbm4b:s15+s3], $0xC00, $0x38;
	[tilespmem:$0x1E900] =	vst v63  }
0x55: {  	_ =	swait.ge [sflag:s22], $0xC00  }
0x56: {  	[sflag:s22] =	ssyncset.done $0x0  }
0x57: {  	[sflag:s22] =	ssyncadd.s32 $0xFFFFF400  }
0x58: {  	[tilespmem:s26], [sflag:$0x1] =	stream.indirect.gather [hbm4b:s1+s24], $0x80, s21, s24, $0xb8;
	[tilespmem:$0x1E900] =	vst v63  }
0x59: {  	s28 =	simm.s32 $0x13980;
	s0 =	simm.s32 @p5 $0x4  }
0x5a: {  	[tilespmem:s29], [sflag:$0x2] =	stream.indirect.gather [hbm4b:s1+s24], $0x80, s28, s24, $0xb8;
	[tilespmem:$0x1E900] =	vst v63  }
0x5b: {  	_ =	swait.ge @p5 [sflag:s0], $0x2780  }
0x5c: {  	[sflag:s0] =	ssyncset.done @p5 $0x0  }
0x5d: {  	[sflag:s0] =	ssyncadd.s32 @p5 $0xFFFFD880;
	s0 =	simm.s32 @p3 $0x4  }
0x5e: {  	_ =	swait.ge @p3 [sflag:s0], $0x2080  }
0x5f: {  	[sflag:s0] =	ssyncset.done @p3 $0x0  }
0x60: {  	[sflag:s0] =	ssyncadd.s32 @p3 $0xFFFFDF80  }
0x61: {  	_ =	swait.ge @p3 [sflag:s0], $0x100  }
0x62: {  	[sflag:s0] =	ssyncset.done @p3 $0x0  }
0x63: {  	[sflag:s0] =	ssyncadd.s32 @p3 $0xFFFFFF00;
	s0 =	simm.s32 @p1 $0x4  }
0x64: {  	_ =	swait.ge @p1 [sflag:s0], $0x2780  }
0x65: {  	[sflag:s0] =	ssyncset.done @p1 $0x0  }
0x66: {  	[sflag:s0] =	ssyncadd.s32 @p1 $0xFFFFD880;
	s0 =	simm.s32 @p0 $0x4  }
.Ltmp6:
0x67: {  	_ =	swait.ge @p0 [sflag:s0], $0x2180;
	(pc) =	sbr.rel .LBB2_7-.Ltmp6, $4  }
0x68: {  	[sflag:s0] =	ssyncset.done @p0 $0x0  }
0x69: {  	[sflag:s0] =	ssyncadd.s32 @p0 $0xFFFFDE80  }
0x6a: {  	[bflag:$0x0] =	sbarrier.arrive $0xFFFF  }
0x6b: {  	s4 =	simm.s32 $0x0  }
.LBB2_9:
0x6c: {  	s0 =	smul.u32 $0xC00, s0;
	_ =	swait.ge [sflag:s30], $0x4000  }
0x6d: {  	[sflag:s30] =	ssyncset.done $0x0  }
0x6e: {  	s4 =	sor.u32 $0x15100, s0;
	[sflag:s30] =	ssyncadd.s32 $0xFFFFC000  }
0x6f: {  	[spmem:s2] =	stream.indirect.scatter.add.f32 [tilespmem:s26], [sflag:$0x5], $0x80, s4, s24, $0xb8;
	[tilespmem:$0x1E900] =	vst v63  }
0x70: {  	_ =	swait.ge [sflag:s22], $0x4000  }
0x71: {  	[sflag:s22] =	ssyncset.done $0x0  }
0x72: {  	s11 =	sadd.s32 $0x13A00, s0;
	[sflag:s22] =	ssyncadd.s32 $0xFFFFC000  }
0x73: {  	[tilespmem:s26], [sflag:$0x1] =	stream.indirect.gather [hbm4b:s1+s24], $0x80, s11, s24, $0xb8;
	[tilespmem:$0x1E900] =	vst v63  }
0x74: {  	_ =	swait.ge [sflag:s31], $0x4000  }
0x75: {  	[sflag:s31] =	ssyncset.done $0x0  }
0x76: {  	s23 =	sor.u32 $0x15180, s0;
	[sflag:s31] =	ssyncadd.s32 $0xFFFFC000  }
0x77: {  	[spmem:s2] =	stream.indirect.scatter.add.f32 [tilespmem:s29], [sflag:$0x5], $0x80, s23, s24, $0xb8;
	[tilespmem:$0x1E900] =	vst v63  }
0x78: {  	_ =	swait.ge [sflag:s22], $0x4000  }
0x79: {  	[sflag:s22] =	ssyncset.done $0x0  }
0x7a: {  	s28 =	sadd.s32 $0x13A80, s0;
	[sflag:s22] =	ssyncadd.s32 $0xFFFFC000  }
0x7b: {  	[tilespmem:s29], [sflag:$0x2] =	stream.indirect.gather [hbm4b:s1+s24], $0x80, s28, s24, $0xb8;
	[tilespmem:$0x1E900] =	vst v63  }
0x7c: {  	_ =	swait.ge [sflag:s30], $0x4000  }
0x7d: {  	[sflag:s30] =	ssyncset.done $0x0  }
0x7e: {  	s11 =	sor.u32 $0x15200, s0;
	[sflag:s30] =	ssyncadd.s32 $0xFFFFC000  }
0x7f: {  	[spmem:s2] =	stream.indirect.scatter.add.f32 [tilespmem:s26], [sflag:$0x5], $0x80, s11, s24, $0xb8;
	[tilespmem:$0x1E900] =	vst v63  }
0x80: {  	_ =	swait.ge [sflag:s22], $0x4000  }
0x81: {  	[sflag:s22] =	ssyncset.done $0x0  }
0x82: {  	s23 =	sadd.s32 $0x13B00, s0;
	[sflag:s22] =	ssyncadd.s32 $0xFFFFC000  }
0x83: {  	[tilespmem:s26], [sflag:$0x1] =	stream.indirect.gather [hbm4b:s1+s24], $0x80, s23, s24, $0xb8;
	[tilespmem:$0x1E900] =	vst v63  }
0x84: {  	_ =	swait.ge [sflag:s31], $0x4000  }
0x85: {  	[sflag:s31] =	ssyncset.done $0x0  }
0x86: {  	s28 =	sor.u32 $0x15280, s0;
	[sflag:s31] =	ssyncadd.s32 $0xFFFFC000  }
0x87: {  	[spmem:s2] =	stream.indirect.scatter.add.f32 [tilespmem:s29], [sflag:$0x5], $0x80, s28, s24, $0xb8;
	[tilespmem:$0x1E900] =	vst v63  }
0x88: {  	_ =	swait.ge [sflag:s22], $0x4000  }
0x89: {  	[sflag:s22] =	ssyncset.done $0x0  }
0x8a: {  	s11 =	sadd.s32 $0x13B80, s0;
	[sflag:s22] =	ssyncadd.s32 $0xFFFFC000  }
0x8b: {  	[tilespmem:s29], [sflag:$0x2] =	stream.indirect.gather [hbm4b:s1+s24], $0x80, s11, s24, $0xb8;
	[tilespmem:$0x1E900] =	vst v63  }
0x8c: {  	_ =	swait.ge [sflag:s30], $0x4000  }
0x8d: {  	[sflag:s30] =	ssyncset.done $0x0  }
0x8e: {  	s23 =	sor.u32 $0x15300, s0;
	[sflag:s30] =	ssyncadd.s32 $0xFFFFC000  }
0x8f: {  	[spmem:s2] =	stream.indirect.scatter.add.f32 [tilespmem:s26], [sflag:$0x5], $0x80, s23, s24, $0xb8;
	[tilespmem:$0x1E900] =	vst v63  }
0x90: {  	_ =	swait.ge [sflag:s22], $0x4000  }
0x91: {  	[sflag:s22] =	ssyncset.done $0x0  }
0x92: {  	s28 =	sadd.s32 $0x13C00, s0;
	[sflag:s22] =	ssyncadd.s32 $0xFFFFC000  }
0x93: {  	[tilespmem:s26], [sflag:$0x1] =	stream.indirect.gather [hbm4b:s1+s24], $0x80, s28, s24, $0xb8;
	[tilespmem:$0x1E900] =	vst v63  }
0x94: {  	_ =	swait.ge [sflag:s31], $0x4000  }
0x95: {  	[sflag:s31] =	ssyncset.done $0x0  }
0x96: {  	s11 =	sor.u32 $0x15380, s0;
	[sflag:s31] =	ssyncadd.s32 $0xFFFFC000  }
0x97: {  	[spmem:s2] =	stream.indirect.scatter.add.f32 [tilespmem:s29], [sflag:$0x5], $0x80, s11, s24, $0xb8;
	[tilespmem:$0x1E900] =	vst v63  }
0x98: {  	_ =	swait.ge [sflag:s22], $0x4000  }
0x99: {  	[sflag:s22] =	ssyncset.done $0x0  }
0x9a: {  	s23 =	sadd.s32 $0x13C80, s0;
	[sflag:s22] =	ssyncadd.s32 $0xFFFFC000  }
0x9b: {  	[tilespmem:s29], [sflag:$0x2] =	stream.indirect.gather [hbm4b:s1+s24], $0x80, s23, s24, $0xb8;
	[tilespmem:$0x1E900] =	vst v63  }
0x9c: {  	_ =	swait.ge [sflag:s30], $0x4000  }
0x9d: {  	[sflag:s30] =	ssyncset.done $0x0  }
0x9e: {  	s28 =	sadd.s32 $0x15400, s0;
	[sflag:s30] =	ssyncadd.s32 $0xFFFFC000  }
0x9f: {  	[spmem:s2] =	stream.indirect.scatter.add.f32 [tilespmem:s26], [sflag:$0x5], $0x80, s28, s24, $0xb8;
	[tilespmem:$0x1E900] =	vst v63  }
0xa0: {  	_ =	swait.ge [sflag:s22], $0x4000  }
0xa1: {  	[sflag:s22] =	ssyncset.done $0x0  }
0xa2: {  	s11 =	sadd.s32 $0x13D00, s0;
	[sflag:s22] =	ssyncadd.s32 $0xFFFFC000  }
0xa3: {  	[tilespmem:s26], [sflag:$0x1] =	stream.indirect.gather [hbm4b:s1+s24], $0x80, s11, s24, $0xb8;
	[tilespmem:$0x1E900] =	vst v63  }
0xa4: {  	_ =	swait.ge [sflag:s31], $0x4000  }
0xa5: {  	[sflag:s31] =	ssyncset.done $0x0  }
0xa6: {  	s23 =	sadd.s32 $0x15480, s0;
	[sflag:s31] =	ssyncadd.s32 $0xFFFFC000  }
0xa7: {  	[spmem:s2] =	stream.indirect.scatter.add.f32 [tilespmem:s29], [sflag:$0x5], $0x80, s23, s24, $0xb8;
	[tilespmem:$0x1E900] =	vst v63  }
0xa8: {  	_ =	swait.ge [sflag:s22], $0x4000  }
0xa9: {  	[sflag:s22] =	ssyncset.done $0x0  }
0xaa: {  	s28 =	sadd.s32 $0x13D80, s0;
	[sflag:s22] =	ssyncadd.s32 $0xFFFFC000  }
0xab: {  	[tilespmem:s29], [sflag:$0x2] =	stream.indirect.gather [hbm4b:s1+s24], $0x80, s28, s24, $0xb8;
	[tilespmem:$0x1E900] =	vst v63  }
0xac: {  	_ =	swait.ge [sflag:s30], $0x4000  }
0xad: {  	[sflag:s30] =	ssyncset.done $0x0  }
0xae: {  	s11 =	sadd.s32 $0x15500, s0;
	[sflag:s30] =	ssyncadd.s32 $0xFFFFC000  }
0xaf: {  	[spmem:s2] =	stream.indirect.scatter.add.f32 [tilespmem:s26], [sflag:$0x5], $0x80, s11, s24, $0xb8;
	[tilespmem:$0x1E900] =	vst v63  }
0xb0: {  	_ =	swait.ge [sflag:s22], $0x4000  }
0xb1: {  	[sflag:s22] =	ssyncset.done $0x0  }
0xb2: {  	s23 =	sadd.s32 $0x13E00, s0;
	[sflag:s22] =	ssyncadd.s32 $0xFFFFC000  }
0xb3: {  	[tilespmem:s26], [sflag:$0x1] =	stream.indirect.gather [hbm4b:s1+s24], $0x80, s23, s24, $0xb8;
	[tilespmem:$0x1E900] =	vst v63  }
0xb4: {  	_ =	swait.ge [sflag:s31], $0x4000  }
0xb5: {  	[sflag:s31] =	ssyncset.done $0x0  }
0xb6: {  	s28 =	sadd.s32 $0x15580, s0;
	[sflag:s31] =	ssyncadd.s32 $0xFFFFC000  }
0xb7: {  	[spmem:s2] =	stream.indirect.scatter.add.f32 [tilespmem:s29], [sflag:$0x5], $0x80, s28, s24, $0xb8;
	[tilespmem:$0x1E900] =	vst v63  }
0xb8: {  	_ =	swait.ge [sflag:s22], $0x4000  }
0xb9: {  	[sflag:s22] =	ssyncset.done $0x0  }
0xba: {  	s11 =	sadd.s32 $0x13E80, s0;
	[sflag:s22] =	ssyncadd.s32 $0xFFFFC000  }
0xbb: {  	[tilespmem:s29], [sflag:$0x2] =	stream.indirect.gather [hbm4b:s1+s24], $0x80, s11, s24, $0xb8;
	[tilespmem:$0x1E900] =	vst v63  }
0xbc: {  	_ =	swait.ge [sflag:s30], $0x4000  }
0xbd: {  	[sflag:s30] =	ssyncset.done $0x0  }
0xbe: {  	s23 =	sadd.s32 $0x15600, s0;
	[sflag:s30] =	ssyncadd.s32 $0xFFFFC000  }
0xbf: {  	[spmem:s2] =	stream.indirect.scatter.add.f32 [tilespmem:s26], [sflag:$0x5], $0x80, s23, s24, $0xb8;
	[tilespmem:$0x1E900] =	vst v63  }
0xc0: {  	_ =	swait.ge [sflag:s22], $0x4000  }
0xc1: {  	[sflag:s22] =	ssyncset.done $0x0  }
0xc2: {  	s28 =	sadd.s32 $0x13F00, s0;
	[sflag:s22] =	ssyncadd.s32 $0xFFFFC000  }
0xc3: {  	[tilespmem:s26], [sflag:$0x1] =	stream.indirect.gather [hbm4b:s1+s24], $0x80, s28, s24, $0xb8;
	[tilespmem:$0x1E900] =	vst v63  }
0xc4: {  	_ =	swait.ge [sflag:s31], $0x4000  }
0xc5: {  	[sflag:s31] =	ssyncset.done $0x0  }
0xc6: {  	s11 =	sadd.s32 $0x15680, s0;
	[sflag:s31] =	ssyncadd.s32 $0xFFFFC000  }
0xc7: {  	[spmem:s2] =	stream.indirect.scatter.add.f32 [tilespmem:s29], [sflag:$0x5], $0x80, s11, s24, $0xb8;
	[tilespmem:$0x1E900] =	vst v63  }
0xc8: {  	_ =	swait.ge [sflag:s22], $0x4000  }
0xc9: {  	[sflag:s22] =	ssyncset.done $0x0  }
0xca: {  	s23 =	sadd.s32 $0x13F80, s0;
	[sflag:s22] =	ssyncadd.s32 $0xFFFFC000  }
0xcb: {  	[tilespmem:s29], [sflag:$0x2] =	stream.indirect.gather [hbm4b:s1+s24], $0x80, s23, s24, $0xb8;
	[tilespmem:$0x1E900] =	vst v63  }
0xcc: {  	_ =	swait.ge [sflag:s30], $0x4000  }
0xcd: {  	[sflag:s30] =	ssyncset.done $0x0  }
0xce: {  	s28 =	sadd.s32 $0x15700, s0;
	[sflag:s30] =	ssyncadd.s32 $0xFFFFC000  }
0xcf: {  	[spmem:s2] =	stream.indirect.scatter.add.f32 [tilespmem:s26], [sflag:$0x5], $0x80, s28, s24, $0xb8;
	[tilespmem:$0x1E900] =	vst v63  }
0xd0: {  	_ =	swait.ge [sflag:s22], $0x4000  }
0xd1: {  	[sflag:s22] =	ssyncset.done $0x0  }
0xd2: {  	s11 =	sor.u32 $0x14000, s0;
	[sflag:s22] =	ssyncadd.s32 $0xFFFFC000  }
0xd3: {  	[tilespmem:s26], [sflag:$0x1] =	stream.indirect.gather [hbm4b:s1+s24], $0x80, s11, s24, $0xb8;
	[tilespmem:$0x1E900] =	vst v63  }
0xd4: {  	_ =	swait.ge [sflag:s31], $0x4000  }
0xd5: {  	[sflag:s31] =	ssyncset.done $0x0  }
0xd6: {  	s23 =	sadd.s32 $0x15780, s0;
	[sflag:s31] =	ssyncadd.s32 $0xFFFFC000  }
0xd7: {  	[spmem:s2] =	stream.indirect.scatter.add.f32 [tilespmem:s29], [sflag:$0x5], $0x80, s23, s24, $0xb8;
	[tilespmem:$0x1E900] =	vst v63  }
0xd8: {  	_ =	swait.ge [sflag:s22], $0x4000  }
0xd9: {  	[sflag:s22] =	ssyncset.done $0x0  }
0xda: {  	s28 =	sor.u32 $0x14080, s0;
	[sflag:s22] =	ssyncadd.s32 $0xFFFFC000  }
0xdb: {  	[tilespmem:s29], [sflag:$0x2] =	stream.indirect.gather [hbm4b:s1+s24], $0x80, s28, s24, $0xb8;
	[tilespmem:$0x1E900] =	vst v63  }
0xdc: {  	_ =	swait.ge [sflag:s30], $0x4000  }
0xdd: {  	[sflag:s30] =	ssyncset.done $0x0  }
0xde: {  	s11 =	sadd.s32 $0x15800, s0;
	[sflag:s30] =	ssyncadd.s32 $0xFFFFC000  }
0xdf: {  	[spmem:s2] =	stream.indirect.scatter.add.f32 [tilespmem:s26], [sflag:$0x5], $0x80, s11, s24, $0xb8;
	[tilespmem:$0x1E900] =	vst v63  }
0xe0: {  	_ =	swait.ge [sflag:s22], $0x4000  }
0xe1: {  	[sflag:s22] =	ssyncset.done $0x0  }
0xe2: {  	s23 =	sor.u32 $0x14100, s0;
	[sflag:s22] =	ssyncadd.s32 $0xFFFFC000  }
0xe3: {  	[tilespmem:s26], [sflag:$0x1] =	stream.indirect.gather [hbm4b:s1+s24], $0x80, s23, s24, $0xb8;
	[tilespmem:$0x1E900] =	vst v63  }
0xe4: {  	_ =	swait.ge [sflag:s31], $0x4000  }
0xe5: {  	[sflag:s31] =	ssyncset.done $0x0  }
0xe6: {  	p2 =	slt.u32 s25, $0x5;
	s28 =	sadd.s32 $0x15880, s0;
	[sflag:s31] =	ssyncadd.s32 $0xFFFFC000  }
0xe7: {  	[spmem:s2] =	stream.indirect.scatter.add.f32 [tilespmem:s29], [sflag:$0x5], $0x80, s28, s24, $0xb8;
	[tilespmem:$0x1E900] =	vst v63  }
.Ltmp7:
0xe8: {  	_ = 	snop;
	(pc) =	sbr.rel @!p2 .LBB2_10-.Ltmp7, $4  }
0xe9: {  	_ =	swait.ge [sflag:s22], $0x4000  }
0xea: {  	[sflag:s22] =	ssyncset.done $0x0  }
0xeb: {  	s4 =	smov.u32 s25;
	s0 =	sor.u32 $0x14180, s0;
	[sflag:s22] =	ssyncadd.s32 $0xFFFFC000  }
0xec: {  	[tilespmem:s29], [sflag:$0x2] =	stream.indirect.gather [hbm4b:s1+s24], $0x80, s0, s24, $0xb8;
	[tilespmem:$0x1E900] =	vst v63  }
.LBB2_7:
0xed: {  	p2 =	seq.s32 s4, $0x0  }
0xee: {  	s25 =	simm.s32 @!p2 $0x3;
	p3 =	seq.s32 @!p2 s4, $0x4  }
0xef: {  	_ =	swait.ge @!p2 [sflag:s25], $0xC00;
	p3 =	por p2, !p3  }
.Ltmp8:
0xf0: {  	[sflag:s25] =	ssyncset.done @!p2 $0x0;
	(pc) =	sbr.rel @!p3 .LBB2_9-.Ltmp8, $4  }
0xf1: {  	[sflag:s25] =	ssyncadd.s32 @!p2 $0xFFFFF400  }
0xf2: {  	_ =	swait.ge @!p2 [sflag:s25], $0xC00  }
0xf3: {  	[sflag:s25] =	ssyncset.done @!p2 $0x0  }
0xf4: {  	s0 =	sand.u32 $0x1, s4;
	[sflag:s25] =	ssyncadd.s32 @!p2 $0xFFFFF400;
	s25 =	simm.s32 @!p2 $0x5  }
0xf5: {  	s25 =	sadd.s32 @!p2 $0x1, s4  }
0xf6: {  	s25 =	simm.s32 @p2 $0x1  }
0xf7: {  	s28 =	sxor.u32 $0x1, s0;
	s11 =	sshll.u32 s25, $0xB  }
0xf8: {  	s4 =	smul.u32 $0xC00, s28;
	s11 =	sadd.s32 s16, s11  }
.Ltmp9:
0xf9: {  	s11 =	sshrl.u32 s11, $0x3;
	(pc) =	sbr.rel .LBB2_9-.Ltmp9, $4  }
0xfa: {  	s23 =	sadd.s32 $0x13900, s4;
	s28 =	sadd.s32 s6, s11  }
0xfb: {  	[tilespmem:s23], [sflag:$0x3] =	stream.linear.gather [hbm4b:s28+s3], $0xC00, $0x38;
	[tilespmem:$0x1E900] =	vst v63  }
0xfc: {  	s4 =	sor.u32 $0x15100, s4;
	s11 =	sadd.s32 s7, s11  }
0xfd: {  	[tilespmem:s4], [sflag:$0x3] =	stream.linear.gather [hbm4b:s11+s3], $0xC00, $0x38;
	[tilespmem:$0x1E900] =	vst v63  }
.LBB2_11:
0xfe: {  	_ =	sfence.sel $0x180000  }
0xff: {  	[bflag:$0x0] =	sbarrier.arrive $0xFFFF  }
0x100: {  	_ =	strace $0x9000004A  }
0x101: {  	[bflag:$0x2] =	sbarrier.arrive $0xFFFF  }
0x102: {  	p0 =	sne.s32 s5, $0x0;
	s0 =	rddreg [dreg:$0x3]  }
0x103: {  	s0 =	sadd.s32 @!p0 $0x100000, s0  }
0x104: {  	[sflag:s0] =	ssyncadd.tile.s32 @!p0 $0x1;
	_ =	shalt  }
.Lfunc_end2:
_tile_overlayer_lowered:
.L_overlay_start_2:
0x105: {  	(tag) =	ssettag $0x2  }
0x106: {  	s0 =	rddreg [dreg:$0x0];
	s2 =	stileid.u32  }
0x107: {  	s1 =	rddreg [dreg:$0x1];
	p0 =	sne.s32 s2, $0x0  }
0x108: {  	s3 =	rddreg [dreg:$0x2];
	[bflag:$0x3] =	sbarrier.arrive $0xFFFF;
	s2 =	simm.s32 @!p0 $0x1C05  }
0x109: {  	[timem:s3], [sflag:s2] =	dma.local @!p0 [hbm:s0], s1  }
0x10a: {  	s0 =	simm.s32 @!p0 $0x5  }
0x10b: {  	_ =	swait.ge @!p0 [sflag:s0], s1  }
0x10c: {  	s1 =	ssub.s32 @!p0 $0x0, s1;
	[sflag:s0] =	ssyncset.done @!p0 $0x0  }
0x10d: {  	[sflag:s0] =	ssyncadd.s32 @!p0 s1  }
0x10e: {  	[bflag:$0x3] =	sbarrier.arrive $0xFFFF  }
0x10f: {  	_ =	shalt  }

// kernel: kernel.15.cloned.1.call-start
scs
__scs_entry_jumppad:
0x0: {  	(pc) =	sbr.rel $0x88, $3  }
0x1: {  	(tag) =	ssettag $0x0;
	lr =	simm.s32 $0x1  }
0x2: {  	[smem:$0x3F97] =	sst lr;
	_ =	strace $0xD0000000  }
0x3: {  	_ = 	snop  }
0x4: {  	_ = 	snop  }
0x5: {  	_ = 	snop  }
0x6: {  	_ = 	snop  }
0x7: {  	_ = 	snop  }
__scs_overlays_trampoline_lowered:
0x8: {  	[smem:$0x3FA6] =	sst s0  }
0x9: {  	[smem:$0x3FA7] =	sst s1  }
0xa: {  	[smem:$0x3FA8] =	sst s2  }
0xb: {  	[smem:$0x3FA9] =	sst s3  }
0xc: {  	[smem:$0x3FAA] =	sst s4  }
0xd: {  	[smem:$0x3FAB] =	sst s5  }
0xe: {  	[smem:$0x3FAC] =	sst s6  }
0xf: {  	[smem:$0x3FAD] =	sst s7  }
0x10: {  	[smem:$0x3FAE] =	sst s8  }
0x11: {  	[smem:$0x3FAF] =	sst s9;
	s0 =	simm.s32 @!p0 $0x0  }
0x12: {  	s1 =	sld [smem:$0x3F95];
	s0 =	simm.s32 @p0 $0x1  }
0x13: {  	[smem:$0x3FB0] =	sst s0;
	s0 =	simm.s32 @!p1 $0x0  }
0x14: {  	s2 =	sld [smem:$0x3F94];
	s0 =	simm.s32 @p1 $0x1  }
0x15: {  	[smem:$0x3FB1] =	sst s0;
	s0 =	simm.s32 @!p2 $0x0  }
0x16: {  	s3 =	sld [smem:$0x3FDB];
	s0 =	simm.s32 @p2 $0x1  }
0x17: {  	s4 =	simm.s32 $0x1BF5;
	[smem:$0x3FB3] =	sst s0  }
0x18: {  	s0 =	sld [smem:$0x3F96];
	_ =	swait.ge [sflag:s4], $0x0  }
0x19: {  	s7 =	sld [smem:$0x3F97]  }
0x1a: {  	s8 =	sadd.s32 $0xFFFFE003, lr  }
0x1b: {  	s9 =	sadd.s32 $0xFFFFFEF7, lr;
	s5 =	simm.s32 $0xFFFFFFFF;
	p2 =	slt.u32 s8, $0xFFFFF086  }
0x1c: {  	p1 =	slt.u32 s9, $0xF7A;
	s5 =	simm.s32 @!p2 $0x0  }
0x1d: {  	s5 =	simm.s32 @p1 $0x1;
	p0 =	seq.s32 s7, s2  }
0x1e: {  	s7 =	smul.u32 @!p0 $0xF7A, s2;
	p2 =	seq.s32 @!p0 s5, $0x0  }
0x1f: {  	s9 =	smul.u32 $0xF7A, s1;
	s8 =	simm.s32 @!p0 $0x1BF5;
	p2 =	por !p2, p0  }
0x20: {  	[sflag:s8] =	ssyncset.s32 @!p0 $0xFFFFF086;
	s6 =	sadd.s32 @!p0 s3, s7;
	s7 =	simm.s32 @!p0 $0x108  }
0x21: {  	s3 =	sadd.s32 s3, s9;
	s6 =	sadd.s32 @!p0 $0x88, s6;
	s7 =	simm.s32 @p2 $0x1082  }
0x22: {  	[simem:s7], [sflag:s8] =	dma.local @!p0 [hbm:s6], $0xF7A  }
0x23: {  	s9 =	sor.u32 $0xD0000000, s2;
	s6 =	simm.s32 $0x108;
	_ =	swait.ge @!p0 [sflag:s8], $0x0  }
0x24: {  	s3 =	sadd.s32 $0x88, s3;
	s6 =	simm.s32 @!p1 $0x1082;
	[sflag:s4] =	ssyncset.s32 $0xFFFFF086  }
0x25: {  	[simem:s6], [sflag:s4] =	dma.local [hbm:s3], $0xF7A  }
0x26: {  	[smem:$0x3F97] =	sst s1;
	(tag) =	ssettag s2;
	_ =	strace s9  }
0x27: {  	s1 =	sld [smem:$0x3FA7]  }
0x28: {  	s2 =	sld [smem:$0x3FA8]  }
0x29: {  	s4 =	sld [smem:$0x3FAA]  }
0x2a: {  	p0 =	seq.s32 s5, $0x0;
	s5 =	sld [smem:$0x3FAB]  }
0x2b: {  	s6 =	sld [smem:$0x3FAC]  }
0x2c: {  	s7 =	sld [smem:$0x3FAD]  }
0x2d: {  	s3 =	simm.s32 $0x108;
	s8 =	sld [smem:$0x3FAE]  }
0x2e: {  	s3 =	simm.s32 @!p0 $0x1082;
	s9 =	sld [smem:$0x3FAF]  }
0x2f: {  	lr =	sadd.s32 s0, s3;
	s0 =	sld [smem:$0x3FA6]  }
0x30: {  	s3 =	sld [smem:$0x3FA9]  }
0x31: {  	[smem:$0x3FB2] =	sst s10  }
0x32: {  	s10 =	sld [smem:$0x3FB0];
	_ =	sdelay $0x3  }
0x33: {  	p0 =	seq.s32 s10, $0x1;
	s10 =	sld [smem:$0x3FB2];
	_ =	sdelay $0x3  }
0x34: {  	[smem:$0x3FB2] =	sst s10  }
0x35: {  	s10 =	sld [smem:$0x3FB1];
	_ =	sdelay $0x3  }
0x36: {  	p1 =	seq.s32 s10, $0x1;
	s10 =	sld [smem:$0x3FB2];
	_ =	sdelay $0x3  }
0x37: {  	[smem:$0x3FB2] =	sst s10  }
0x38: {  	s10 =	sld [smem:$0x3FB3]  }
0x39: {  	_ = 	snop;
	(pc) =	sbr.ind lr, $3  }
0x3a: {  	_ = 	snop  }
0x3b: {  	_ = 	snop  }
0x3c: {  	p2 =	seq.s32 s10, $0x1;
	s10 =	sld [smem:$0x3FB2]  }
0x3d: {  	_ =	shalt  }
0x3e: {  	_ =	shalt  }
0x3f: {  	_ =	shalt  }
0x40: {  	_ =	shalt  }
0x41: {  	_ =	shalt  }
0x42: {  	_ =	shalt  }
0x43: {  	_ =	shalt  }
0x44: {  	_ =	shalt  }
0x45: {  	_ =	shalt  }
0x46: {  	_ =	shalt  }
0x47: {  	_ =	shalt  }
0x48: {  	_ =	shalt  }
0x49: {  	_ =	shalt  }
0x4a: {  	_ =	shalt  }
0x4b: {  	_ =	shalt  }
0x4c: {  	_ =	shalt  }
0x4d: {  	_ =	shalt  }
0x4e: {  	_ =	shalt  }
0x4f: {  	_ =	shalt  }
0x50: {  	_ =	shalt  }
0x51: {  	_ =	shalt  }
0x52: {  	_ =	shalt  }
0x53: {  	_ =	shalt  }
0x54: {  	_ =	shalt  }
0x55: {  	_ =	shalt  }
0x56: {  	_ =	shalt  }
0x57: {  	_ =	shalt  }
0x58: {  	_ =	shalt  }
0x59: {  	_ =	shalt  }
0x5a: {  	_ =	shalt  }
0x5b: {  	_ =	shalt  }
0x5c: {  	_ =	shalt  }
0x5d: {  	_ =	shalt  }
0x5e: {  	_ =	shalt  }
0x5f: {  	_ =	shalt  }
0x60: {  	_ =	shalt  }
0x61: {  	_ =	shalt  }
0x62: {  	_ =	shalt  }
0x63: {  	_ =	shalt  }
0x64: {  	_ =	shalt  }
0x65: {  	_ =	shalt  }
0x66: {  	_ =	shalt  }
0x67: {  	_ =	shalt  }
0x68: {  	_ =	shalt  }
0x69: {  	_ =	shalt  }
0x6a: {  	_ =	shalt  }
0x6b: {  	_ =	shalt  }
0x6c: {  	_ =	shalt  }
0x6d: {  	_ =	shalt  }
0x6e: {  	_ =	shalt  }
0x6f: {  	_ =	shalt  }
0x70: {  	_ =	shalt  }
0x71: {  	_ =	shalt  }
0x72: {  	_ =	shalt  }
0x73: {  	_ =	shalt  }
0x74: {  	_ =	shalt  }
0x75: {  	_ =	shalt  }
0x76: {  	_ =	shalt  }
0x77: {  	_ =	shalt  }
0x78: {  	_ =	shalt  }
0x79: {  	_ =	shalt  }
0x7a: {  	_ =	shalt  }
0x7b: {  	_ =	shalt  }
0x7c: {  	_ =	shalt  }
0x7d: {  	_ =	shalt  }
0x7e: {  	_ =	shalt  }
0x7f: {  	_ =	shalt  }
0x80: {  	_ =	shalt  }
0x81: {  	_ =	shalt  }
0x82: {  	_ =	shalt  }
0x83: {  	_ =	shalt  }
0x84: {  	_ =	shalt  }
0x85: {  	_ =	shalt  }
0x86: {  	_ =	shalt  }
0x87: {  	_ =	shalt  }
.Lfunc_end0:
.L_simem_size_0:
called_computation.2_lowered:
.L_overlay_start_0:
0x88: {  	s2 =	sld [smem:$0x3FD9]  }
0x89: {  	s3 =	sld [smem:$0x3FFE];
	_ =	sdelay $0x1  }
0x8a: {  	s1 =	srdreg.scid  }
0x8b: {  	s0 =	sand.u32 $0x1, s1  }
0x8c: {  	s16 =	sshll.u32 s0, $0xA;
	s2 =	sadd.s32 s3, s2  }
0x8d: {  	s2 =	sadd.s32 s2, s16  }
0x8e: {  	[smem:$0x3FBE] =	sst s2  }
0x8f: {  	_ = 	snop  }
0x90: {  	(tm) =	ssettm $0x1  }
0x91: {  	s17 =	sld [smem:$0x3FFB];
	_ =	sdelay $0x3  }
0x92: {  	_ =	strace s17  }
0x93: {  	s2 =	sld [smem:$0x3FFC];
	_ =	sdelay $0x3  }
0x94: {  	_ =	strace s2  }
0x95: {  	s2 =	sld [smem:$0x3FFD];
	_ =	sdelay $0x3  }
0x96: {  	_ =	strace s2  }
0x97: {  	_ =	strace $0x8FFFFFFF  }
0x98: {  	s18 =	sld [smem:$0x3FDB];
	_ =	sdelay $0x1  }
0x99: {  	s19 =	simm.s32 $_scs_section_size  }
0x9a: {  	s4 =	simm.s32 $_size__tile_overlayer_lowered;
	s5 =	simm.s32 $_tile_overlayer_lowered  }
0x9b: {  	s22 =	simm.s32 $0x1BFF;
	s21 =	sshll.u32 s5, $0x1;
	s2 =	sadd.s32 s19, s18  }
0x9c: {  	s6 =	simm.s32 $0x0;
	s20 =	sshll.u32 s4, $0x1;
	s4 =	sadd.s32 s21, s2  }
0x9d: {  	[timem:s6], [sflag:s22] =	dma.local [hbm:s4], s20  }
0x9e: {  	_ =	swait.ge [sflag:s22], s20  }
0x9f: {  	s3 =	ssub.s32 $0x0, s20;
	[sflag:s22] =	ssyncset.done $0x0  }
0xa0: {  	[sflag:s22] =	ssyncadd.s32 s3;
	_ =	sdelay $0x1  }
0xa1: {  	s23 =	simm.s32 $0x1B8B  }
0xa2: {  	_ =	swait.ge [sflag:s23], $0x1  }
0xa3: {  	[sflag:s23] =	ssyncset.done $0x0  }
0xa4: {  	s25 =	simm.s32 $0x1B8E;
	s24 =	sld [smem:$0x3FFE];
	[sflag:s23] =	ssyncadd.s32 $0xFFFFFFFF  }
0xa5: {  	s26 =	simm.s32 $execute0_lowered;
	[smem:$0x3FD2] =	sst s25  }
0xa6: {  	s4 =	sshll.u32 s26, $0x1;
	_ =	strace $0x8000004C;
	[dreg:$0x1] =	wrdreg $0xFFFFFFFF  }
0xa7: {  	s28 =	simm.s32 $_size_execute0_lowered;
	s2 =	sadd.s32 s2, s4;
	[dreg:$0x0] =	wrdreg $0x0  }
0xa8: {  	s4 =	sshll.u32 s28, $0x1;
	[dreg:$0x2] =	wrdreg s2  }
0xa9: {  	[dreg:$0x3] =	wrdreg s4  }
0xaa: {  	[dreg:$0x4] =	wrdreg $0xC0  }
0xab: {  	_ =	task [dreg:s6], $0x5FFFF  }
0xac: {  	[dreg:$0x1] =	wrdreg $0xFFFFFFFF  }
0xad: {  	[dreg:$0x0] =	wrdreg $0x60  }
0xae: {  	[dreg:$0x2] =	wrdreg s24  }
0xaf: {  	[dreg:$0x3] =	wrdreg $0x0  }
0xb0: {  	[dreg:$0x4] =	wrdreg $0x9  }
0xb1: {  	_ =	task.clear_ibuf [dreg:s6], $0x5FFFF;
	_ =	strace $0x9000004C  }
0xb2: {  	s29 =	simm.s32 $0x9;
	_ =	strace $0x8000004E  }
0xb3: {  	_ =	swait.ge [sflag:s29], $0x1  }
0xb4: {  	[sflag:s29] =	ssyncadd.s32 $0xFFFFFFFF  }
0xb5: {  	_ =	strace $0x9000004E  }
0xb6: {  	_ =	sfence  }
0xb7: {  	s30 =	sld [smem:$0x0];
	_ =	sdelay $0x2  }
0xb8: {  	s31 =	sshll.u32 s1, $0xD;
	s1 =	sshrl.u32 s1, $0x2  }
0xb9: {  	s3 =	sand.u32 $0x4000, s31;
	s1 =	sadd.s32 s1, s30  }
0xba: {  	s0 =	sor.u32 s3, s0;
	s1 =	sshll.u32 s1, $0x11  }
0xbb: {  	s0 =	sor.u32 s1, s0  }
0xbc: {  	s0 =	sadd.s32 $0x8F2B, s0  }
0xbd: {  	[sflag:s0] =	ssyncadd.remote.s32 $0x1  }
0xbe: {  	_ =	sfence.sel $0xFFFF  }
0xbf: {  	[dreg:$0x0] =	wrdreg $0xFFFFFFFF;
	(pc) =	sbr.abs _section_cstart, $3  }
0xc0: {  	[dreg:$0x1] =	wrdreg $0xFFFFFFFF  }
0xc1: {  	_ =	task.clear_ibuf [dreg:s6], $0x2FFFF;
	_ =	strace $0x9FFFFFFF  }
0xc2: {  	(tm) =	ssettm $0x7FFFFFFF  }
0xc3: {  	_ =	shalt  }
tec
execute0_lowered:
.L_overlay_start_1:
0x0: {  	(tag) =	ssettag $0x1  }
0x1: {  	s0 =	rddreg [dreg:$0x0]  }
0x2: {  	s1 =	rddreg [dreg:$0x1];
	s2 =	simm.s32 $0x0;
	s4 =	srdreg.scid  }
0x3: {  	s5 =	stileid.u32;
	s29 =	simm.s32 $0x1A900;
	s30 =	simm.s32 $0x1  }
0x4: {  	s31 =	simm.s32 $0x2;
	[smem:$0x7FF] =	sst s2;
	s3 =	sadd.s32 $0x3E200, s0  }
0x5: {  	s11 =	sadd.s32 $0x17000, s0;
	s4 =	sand.u32 $0x1, s4;
	s6 =	sadd.s32 $0x2C00, s0  }
0x6: {  	s7 =	sadd.s32 $0xCE00, s0;
	s9 =	sadd.s32 $0x65400, s0;
	p2 =	sne.s32 s5, $0xF  }
0x7: {  	s21 =	sshll.u32 s5, $0x1;
	p0 =	seq.s32 s5, $0xF;
	s22 =	smul.u32 $0x4F000, s5  }
0x8: {  	s12 =	sadd.s32 $0x63280, s0;
	s25 =	sadd.s32 $0x138800, s1;
	s23 =	smul.u32 $0x2780, s5  }
0x9: {  	s17 =	smul.u32 $0x13C00, s5;
	_ =	strace $0x8000004D;
	s8 =	ssub.s32 $0x2, s4  }
0xa: {  	p3 =	seq.s32 s4, $0x0;
	s16 =	sor.u32 s4, s21;
	[dreg:$0x4] =	wrdreg s12  }
0xb: {  	[dreg:$0x3] =	wrdreg s11;
	s21 =	simm.s32 $0x13900;
	s28 =	sshrl.u32 s25, $0x3  }
0xc: {  	s10 =	sshrl.u32 s8, $0x1;
	p1 =	por !p3, !p2;
	p3 =	por !p3, !p0  }
0xd: {  	s15 =	smul.u32 $0x500, s16;
	s24 =	sadd.s32 s3, s23;
	s12 =	sadd.s32 s11, s23  }
0xe: {  	s16 =	smul.u32 $0x2800, s16;
	[dreg:$0x6] =	wrdreg s28;
	s19 =	ssub.s32 s8, s10  }
0xf: {  	p5 =	por !p1, !p1;
	s8 =	simm.s32 @!p0 $0x0;
	p3 =	por !p3, !p3  }
0x10: {  	s10 =	sshrl.u32 s22, $0x2;
	[dreg:$0x5] =	wrdreg s24;
	s22 =	simm.s32 $0x5  }
0x11: {  	s24 =	simm.s32 $0x80;
	s8 =	simm.s32 @p0 $0x1;
	s10 =	sadd.s32 s10, s1  }
0x12: {  	s14 =	sadd.s32 s6, s15;
	[smem:$0x7FA] =	sst s8;
	s8 =	simm.s32 @!p3 $0x0  }
0x13: {  	s15 =	sadd.s32 s7, s15;
	s19 =	smax.u32 s19, $0x1;
	s8 =	simm.s32 @p3 $0x1  }
0x14: {  	p3 =	seq.s32 s4, $0x1;
	s4 =	smul.u32 $0x138800, s4;
	[smem:$0x7FB] =	sst s8  }
0x15: {  	s8 =	sadd.s32 $0x128400, s1;
	s13 =	simm.s32 @!p3 $0x0;
	p2 =	por !p2, !p3  }
0x16: {  	s13 =	simm.s32 @p3 $0x1;
	p1 =	por !p2, !p2;
	s26 =	sadd.s32 s17, s4  }
.Ltmp0:
0x17: {  	s4 =	sshrl.u32 s4, $0x3;
	[smem:$0x7FC] =	sst s13;
	(pc) =	sbr.rel .LBB2_1-.Ltmp0, $4  }
0x18: {  	s13 =	sadd.s32 $0x3C080, s0;
	s0 =	sshrl.u32 s26, $0x3;
	s4 =	sadd.s32 s9, s4  }
0x19: {  	s26 =	simm.s32 $0x16900;
	s18 =	sadd.s32 $0x25080, s4;
	s4 =	simm.s32 @!p1 $0x0  }
0x1a: {  	s17 =	sadd.s32 s9, s0;
	s0 =	sshll.u32 @p1 s5, $0x6;
	s4 =	simm.s32 @p1 $0x1  }
0x1b: {  	s9 =	simm.s32 $0x0;
	s20 =	sor.u32 @p1 $0x1C04, s0;
	[smem:$0x7FD] =	sst s4  }
.LBB2_10:
0x1c: {  	_ =	swait.ge [sflag:s30], $0x4000  }
0x1d: {  	[sflag:s30] =	ssyncset.done $0x0  }
0x1e: {  	[sflag:s30] =	ssyncadd.s32 $0xFFFFC000  }
0x1f: {  	_ =	swait.ge [sflag:s31], $0x4000  }
0x20: {  	s0 =	sld [smem:$0x7FA];
	_ =	sdelay $0x2  }
0x21: {  	[sflag:s31] =	ssyncset.done $0x0;
	p0 =	seq.s32 s0, $0x1  }
0x22: {  	[sflag:s31] =	ssyncadd.s32 $0xFFFFC000;
	s0 =	sshll.u32 @!p0 s5, $0x6  }
0x23: {  	[bflag:$0x0] =	sbarrier.arrive $0xFFFF;
	s4 =	sshrl.u32 @!p0 s10, $0x3;
	s0 =	sor.u32 @!p0 $0x1C05, s0  }
0x24: {  	[hbm:s17], [sflag:s0] =	dma.local @!p0 [spmem:s4], $0x2780  }
0x25: {  	s0 =	simm.s32 @!p0 $0x5  }
0x26: {  	s9 =	sadd.s32 $0x1, s9;
	_ =	swait.ge @!p0 [sflag:s0], $0x2780  }
0x27: {  	p2 =	sne.s32 s9, s19;
	s4 =	sshll.u32 @p6 s5, $0x6;
	[sflag:s0] =	ssyncset.done @!p0 $0x0  }
0x28: {  	[sflag:s0] =	ssyncadd.s32 @!p0 $0xFFFFD880;
	s0 =	sor.u32 @p6 $0x1C05, s4;
	s4 =	sshrl.u32 @p6 s8, $0x3  }
0x29: {  	[hbm:s18], [sflag:s0] =	dma.local @p6 [spmem:s4], $0x2080  }
.Ltmp1:
0x2a: {  	_ = 	snop;
	(pc) =	sbr.rel @!p2 .LBB2_11-.Ltmp1, $4  }
0x2b: {  	s0 =	simm.s32 @p6 $0x5  }
0x2c: {  	_ =	swait.ge @p6 [sflag:s0], $0x2080  }
0x2d: {  	[sflag:s0] =	ssyncset.done @p6 $0x0  }
0x2e: {  	[sflag:s0] =	ssyncadd.s32 @p6 $0xFFFFDF80  }
.LBB2_1:
.Ltmp2:
0x2f: {  	(pc) =	sbr.rel @!p5 .LBB2_4-.Ltmp2, $1  }
0x30: {  	_ =	sdelay $0x3  }
.Ltmp3:
0x31: {  	(pc) =	sbr.rel .LBB2_3-.Ltmp3, $4  }
0x32: {  	_ = 	snop  }
0x33: {  	s0 =	sshll.u32 s5, $0x6;
	s4 =	sshrl.u32 s10, $0x3  }
0x34: {  	s11 =	rddreg [dreg:$0x5];
	p6 =	por $0x0, $0x0;
	s0 =	sor.u32 $0x1C04, s0  }
0x35: {  	[spmem:s4], [sflag:s0] =	dma.local [hbm:s11], $0x2780  }
.LBB2_4:
0x36: {  	s28 =	sld [smem:$0x7FB];
	_ =	sdelay $0x2  }
0x37: {  	p2 =	seq.s32 s28, $0x1  }
.Ltmp4:
0x38: {  	_ = 	snop;
	(pc) =	sbr.rel @!p2 .LBB2_3-.Ltmp4, $2  }
0x39: {  	s0 =	sld [smem:$0x7FA];
	_ =	sdelay $0x2  }
0x3a: {  	p6 =	seq.s32 s0, $0x1  }
0x3b: {  	s0 =	sshrl.u32 s8, $0x3  }
.Ltmp5:
0x3c: {  	s4 =	rddreg [dreg:$0x4];
	s11 =	simm.s32 $0x1FC4;
	(pc) =	sbr.rel .LBB2_6-.Ltmp5, $4  }
0x3d: {  	[spmem:s0], [sflag:s11] =	dma.local [hbm:s4], $0x2080  }
0x3e: {  	p3 =	por $0x1, $0x1;
	p0 =	por $0x0, $0x0;
	s0 =	rddreg [dreg:$0x3]  }
0x3f: {  	p6 =	por $0x1, $0x1;
	p1 =	por $0x0, $0x0;
	s4 =	rddreg [dreg:$0x6]  }
0x40: {  	[spmem:s4], [sflag:s11] =	dma.local [hbm:s0], $0x100  }
.LBB2_3:
0x41: {  	s0 =	sld [smem:$0x7FD];
	_ =	sdelay $0x2  }
0x42: {  	p1 =	seq.s32 s0, $0x1  }
0x43: {  	s0 =	sshrl.u32 @p1 s10, $0x3  }
0x44: {  	[spmem:s0], [sflag:s20] =	dma.local @p1 [hbm:s12], $0x2780  }
0x45: {  	s0 =	sld [smem:$0x7FC];
	_ =	sdelay $0x2  }
0x46: {  	p2 =	por @p1 $0x1, $0x1;
	p3 =	seq.s32 s0, $0x1  }
0x47: {  	p2 =	por @!p1 p3, p3  }
0x48: {  	p2 =	por !p2, !p6  }
0x49: {  	p4 =	por !p2, !p2  }
0x4a: {  	p2 =	por $0x0, $0x0;
	s0 =	sshll.u32 @p4 s5, $0x6  }
0x4b: {  	s4 =	sshrl.u32 @p4 s8, $0x3;
	p3 =	por @p4 $0x0, $0x0;
	p0 =	por @p4 $0x1, $0x1  }
0x4c: {  	s0 =	sor.u32 @p4 $0x1C04, s0;
	p0 =	por @!p4 p2, p2;
	p2 =	por $0x0, $0x0  }
0x4d: {  	[spmem:s4], [sflag:s0] =	dma.local @p4 [hbm:s13], $0x2180  }
0x4e: {  	p3 =	por @!p4 p2, p2  }
.LBB2_6:
0x4f: {  	[tilespmem:s21], [sflag:$0x5] =	stream.linear.gather [hbm4b:s14+s2], $0xC00, $0x38;
	[tilespmem:$0x1E900] =	vst v63  }
0x50: {  	_ =	swait.ge [sflag:s22], $0xC00  }
0x51: {  	[sflag:s22] =	ssyncset.done $0x0  }
0x52: {  	s0 =	simm.s32 $0x15100;
	[sflag:s22] =	ssyncadd.s32 $0xFFFFF400  }
0x53: {  	[tilespmem:s0], [sflag:$0x5] =	stream.linear.gather [hbm4b:s15+s2], $0xC00, $0x38;
	[tilespmem:$0x1E900] =	vst v63  }
0x54: {  	_ =	swait.ge [sflag:s22], $0xC00  }
0x55: {  	[sflag:s22] =	ssyncset.done $0x0  }
0x56: {  	[sflag:s22] =	ssyncadd.s32 $0xFFFFF400  }
0x57: {  	[tilespmem:s26], [sflag:$0x1] =	stream.indirect.gather [hbm4b:s3+s24], $0x80, s21, s24, $0xb8;
	[tilespmem:$0x1E900] =	vst v63  }
0x58: {  	s28 =	simm.s32 $0x13980;
	s0 =	simm.s32 @p5 $0x4  }
0x59: {  	[tilespmem:s29], [sflag:$0x2] =	stream.indirect.gather [hbm4b:s3+s24], $0x80, s28, s24, $0xb8;
	[tilespmem:$0x1E900] =	vst v63  }
0x5a: {  	_ =	swait.ge @p5 [sflag:s0], $0x2780  }
0x5b: {  	[sflag:s0] =	ssyncset.done @p5 $0x0  }
0x5c: {  	[sflag:s0] =	ssyncadd.s32 @p5 $0xFFFFD880;
	s0 =	simm.s32 @p3 $0x4  }
0x5d: {  	_ =	swait.ge @p3 [sflag:s0], $0x2080  }
0x5e: {  	[sflag:s0] =	ssyncset.done @p3 $0x0  }
0x5f: {  	[sflag:s0] =	ssyncadd.s32 @p3 $0xFFFFDF80  }
0x60: {  	_ =	swait.ge @p3 [sflag:s0], $0x100  }
0x61: {  	[sflag:s0] =	ssyncset.done @p3 $0x0  }
0x62: {  	[sflag:s0] =	ssyncadd.s32 @p3 $0xFFFFFF00;
	s0 =	simm.s32 @p1 $0x4  }
0x63: {  	_ =	swait.ge @p1 [sflag:s0], $0x2780  }
0x64: {  	[sflag:s0] =	ssyncset.done @p1 $0x0  }
0x65: {  	[sflag:s0] =	ssyncadd.s32 @p1 $0xFFFFD880;
	s0 =	simm.s32 @p0 $0x4  }
.Ltmp6:
0x66: {  	_ =	swait.ge @p0 [sflag:s0], $0x2180;
	(pc) =	sbr.rel .LBB2_7-.Ltmp6, $4  }
0x67: {  	[sflag:s0] =	ssyncset.done @p0 $0x0  }
0x68: {  	[sflag:s0] =	ssyncadd.s32 @p0 $0xFFFFDE80  }
0x69: {  	[bflag:$0x0] =	sbarrier.arrive $0xFFFF  }
0x6a: {  	s4 =	simm.s32 $0x0  }
.LBB2_9:
0x6b: {  	s0 =	smul.u32 $0xC00, s0;
	_ =	swait.ge [sflag:s30], $0x4000  }
0x6c: {  	[sflag:s30] =	ssyncset.done $0x0  }
0x6d: {  	s4 =	sor.u32 $0x15100, s0;
	[sflag:s30] =	ssyncadd.s32 $0xFFFFC000  }
0x6e: {  	[spmem:s1] =	stream.indirect.scatter.add.f32 [tilespmem:s26], [sflag:$0x5], $0x80, s4, s24, $0xb8;
	[tilespmem:$0x1E900] =	vst v63  }
0x6f: {  	_ =	swait.ge [sflag:s22], $0x4000  }
0x70: {  	[sflag:s22] =	ssyncset.done $0x0  }
0x71: {  	s11 =	sadd.s32 $0x13A00, s0;
	[sflag:s22] =	ssyncadd.s32 $0xFFFFC000  }
0x72: {  	[tilespmem:s26], [sflag:$0x1] =	stream.indirect.gather [hbm4b:s3+s24], $0x80, s11, s24, $0xb8;
	[tilespmem:$0x1E900] =	vst v63  }
0x73: {  	_ =	swait.ge [sflag:s31], $0x4000  }
0x74: {  	[sflag:s31] =	ssyncset.done $0x0  }
0x75: {  	s23 =	sor.u32 $0x15180, s0;
	[sflag:s31] =	ssyncadd.s32 $0xFFFFC000  }
0x76: {  	[spmem:s1] =	stream.indirect.scatter.add.f32 [tilespmem:s29], [sflag:$0x5], $0x80, s23, s24, $0xb8;
	[tilespmem:$0x1E900] =	vst v63  }
0x77: {  	_ =	swait.ge [sflag:s22], $0x4000  }
0x78: {  	[sflag:s22] =	ssyncset.done $0x0  }
0x79: {  	s28 =	sadd.s32 $0x13A80, s0;
	[sflag:s22] =	ssyncadd.s32 $0xFFFFC000  }
0x7a: {  	[tilespmem:s29], [sflag:$0x2] =	stream.indirect.gather [hbm4b:s3+s24], $0x80, s28, s24, $0xb8;
	[tilespmem:$0x1E900] =	vst v63  }
0x7b: {  	_ =	swait.ge [sflag:s30], $0x4000  }
0x7c: {  	[sflag:s30] =	ssyncset.done $0x0  }
0x7d: {  	s11 =	sor.u32 $0x15200, s0;
	[sflag:s30] =	ssyncadd.s32 $0xFFFFC000  }
0x7e: {  	[spmem:s1] =	stream.indirect.scatter.add.f32 [tilespmem:s26], [sflag:$0x5], $0x80, s11, s24, $0xb8;
	[tilespmem:$0x1E900] =	vst v63  }
0x7f: {  	_ =	swait.ge [sflag:s22], $0x4000  }
0x80: {  	[sflag:s22] =	ssyncset.done $0x0  }
0x81: {  	s23 =	sadd.s32 $0x13B00, s0;
	[sflag:s22] =	ssyncadd.s32 $0xFFFFC000  }
0x82: {  	[tilespmem:s26], [sflag:$0x1] =	stream.indirect.gather [hbm4b:s3+s24], $0x80, s23, s24, $0xb8;
	[tilespmem:$0x1E900] =	vst v63  }
0x83: {  	_ =	swait.ge [sflag:s31], $0x4000  }
0x84: {  	[sflag:s31] =	ssyncset.done $0x0  }
0x85: {  	s28 =	sor.u32 $0x15280, s0;
	[sflag:s31] =	ssyncadd.s32 $0xFFFFC000  }
0x86: {  	[spmem:s1] =	stream.indirect.scatter.add.f32 [tilespmem:s29], [sflag:$0x5], $0x80, s28, s24, $0xb8;
	[tilespmem:$0x1E900] =	vst v63  }
0x87: {  	_ =	swait.ge [sflag:s22], $0x4000  }
0x88: {  	[sflag:s22] =	ssyncset.done $0x0  }
0x89: {  	s11 =	sadd.s32 $0x13B80, s0;
	[sflag:s22] =	ssyncadd.s32 $0xFFFFC000  }
0x8a: {  	[tilespmem:s29], [sflag:$0x2] =	stream.indirect.gather [hbm4b:s3+s24], $0x80, s11, s24, $0xb8;
	[tilespmem:$0x1E900] =	vst v63  }
0x8b: {  	_ =	swait.ge [sflag:s30], $0x4000  }
0x8c: {  	[sflag:s30] =	ssyncset.done $0x0  }
0x8d: {  	s23 =	sor.u32 $0x15300, s0;
	[sflag:s30] =	ssyncadd.s32 $0xFFFFC000  }
0x8e: {  	[spmem:s1] =	stream.indirect.scatter.add.f32 [tilespmem:s26], [sflag:$0x5], $0x80, s23, s24, $0xb8;
	[tilespmem:$0x1E900] =	vst v63  }
0x8f: {  	_ =	swait.ge [sflag:s22], $0x4000  }
0x90: {  	[sflag:s22] =	ssyncset.done $0x0  }
0x91: {  	s28 =	sadd.s32 $0x13C00, s0;
	[sflag:s22] =	ssyncadd.s32 $0xFFFFC000  }
0x92: {  	[tilespmem:s26], [sflag:$0x1] =	stream.indirect.gather [hbm4b:s3+s24], $0x80, s28, s24, $0xb8;
	[tilespmem:$0x1E900] =	vst v63  }
0x93: {  	_ =	swait.ge [sflag:s31], $0x4000  }
0x94: {  	[sflag:s31] =	ssyncset.done $0x0  }
0x95: {  	s11 =	sor.u32 $0x15380, s0;
	[sflag:s31] =	ssyncadd.s32 $0xFFFFC000  }
0x96: {  	[spmem:s1] =	stream.indirect.scatter.add.f32 [tilespmem:s29], [sflag:$0x5], $0x80, s11, s24, $0xb8;
	[tilespmem:$0x1E900] =	vst v63  }
0x97: {  	_ =	swait.ge [sflag:s22], $0x4000  }
0x98: {  	[sflag:s22] =	ssyncset.done $0x0  }
0x99: {  	s23 =	sadd.s32 $0x13C80, s0;
	[sflag:s22] =	ssyncadd.s32 $0xFFFFC000  }
0x9a: {  	[tilespmem:s29], [sflag:$0x2] =	stream.indirect.gather [hbm4b:s3+s24], $0x80, s23, s24, $0xb8;
	[tilespmem:$0x1E900] =	vst v63  }
0x9b: {  	_ =	swait.ge [sflag:s30], $0x4000  }
0x9c: {  	[sflag:s30] =	ssyncset.done $0x0  }
0x9d: {  	s28 =	sadd.s32 $0x15400, s0;
	[sflag:s30] =	ssyncadd.s32 $0xFFFFC000  }
0x9e: {  	[spmem:s1] =	stream.indirect.scatter.add.f32 [tilespmem:s26], [sflag:$0x5], $0x80, s28, s24, $0xb8;
	[tilespmem:$0x1E900] =	vst v63  }
0x9f: {  	_ =	swait.ge [sflag:s22], $0x4000  }
0xa0: {  	[sflag:s22] =	ssyncset.done $0x0  }
0xa1: {  	s11 =	sadd.s32 $0x13D00, s0;
	[sflag:s22] =	ssyncadd.s32 $0xFFFFC000  }
0xa2: {  	[tilespmem:s26], [sflag:$0x1] =	stream.indirect.gather [hbm4b:s3+s24], $0x80, s11, s24, $0xb8;
	[tilespmem:$0x1E900] =	vst v63  }
0xa3: {  	_ =	swait.ge [sflag:s31], $0x4000  }
0xa4: {  	[sflag:s31] =	ssyncset.done $0x0  }
0xa5: {  	s23 =	sadd.s32 $0x15480, s0;
	[sflag:s31] =	ssyncadd.s32 $0xFFFFC000  }
0xa6: {  	[spmem:s1] =	stream.indirect.scatter.add.f32 [tilespmem:s29], [sflag:$0x5], $0x80, s23, s24, $0xb8;
	[tilespmem:$0x1E900] =	vst v63  }
0xa7: {  	_ =	swait.ge [sflag:s22], $0x4000  }
0xa8: {  	[sflag:s22] =	ssyncset.done $0x0  }
0xa9: {  	s28 =	sadd.s32 $0x13D80, s0;
	[sflag:s22] =	ssyncadd.s32 $0xFFFFC000  }
0xaa: {  	[tilespmem:s29], [sflag:$0x2] =	stream.indirect.gather [hbm4b:s3+s24], $0x80, s28, s24, $0xb8;
	[tilespmem:$0x1E900] =	vst v63  }
0xab: {  	_ =	swait.ge [sflag:s30], $0x4000  }
0xac: {  	[sflag:s30] =	ssyncset.done $0x0  }
0xad: {  	s11 =	sadd.s32 $0x15500, s0;
	[sflag:s30] =	ssyncadd.s32 $0xFFFFC000  }
0xae: {  	[spmem:s1] =	stream.indirect.scatter.add.f32 [tilespmem:s26], [sflag:$0x5], $0x80, s11, s24, $0xb8;
	[tilespmem:$0x1E900] =	vst v63  }
0xaf: {  	_ =	swait.ge [sflag:s22], $0x4000  }
0xb0: {  	[sflag:s22] =	ssyncset.done $0x0  }
0xb1: {  	s23 =	sadd.s32 $0x13E00, s0;
	[sflag:s22] =	ssyncadd.s32 $0xFFFFC000  }
0xb2: {  	[tilespmem:s26], [sflag:$0x1] =	stream.indirect.gather [hbm4b:s3+s24], $0x80, s23, s24, $0xb8;
	[tilespmem:$0x1E900] =	vst v63  }
0xb3: {  	_ =	swait.ge [sflag:s31], $0x4000  }
0xb4: {  	[sflag:s31] =	ssyncset.done $0x0  }
0xb5: {  	s28 =	sadd.s32 $0x15580, s0;
	[sflag:s31] =	ssyncadd.s32 $0xFFFFC000  }
0xb6: {  	[spmem:s1] =	stream.indirect.scatter.add.f32 [tilespmem:s29], [sflag:$0x5], $0x80, s28, s24, $0xb8;
	[tilespmem:$0x1E900] =	vst v63  }
0xb7: {  	_ =	swait.ge [sflag:s22], $0x4000  }
0xb8: {  	[sflag:s22] =	ssyncset.done $0x0  }
0xb9: {  	s11 =	sadd.s32 $0x13E80, s0;
	[sflag:s22] =	ssyncadd.s32 $0xFFFFC000  }
0xba: {  	[tilespmem:s29], [sflag:$0x2] =	stream.indirect.gather [hbm4b:s3+s24], $0x80, s11, s24, $0xb8;
	[tilespmem:$0x1E900] =	vst v63  }
0xbb: {  	_ =	swait.ge [sflag:s30], $0x4000  }
0xbc: {  	[sflag:s30] =	ssyncset.done $0x0  }
0xbd: {  	s23 =	sadd.s32 $0x15600, s0;
	[sflag:s30] =	ssyncadd.s32 $0xFFFFC000  }
0xbe: {  	[spmem:s1] =	stream.indirect.scatter.add.f32 [tilespmem:s26], [sflag:$0x5], $0x80, s23, s24, $0xb8;
	[tilespmem:$0x1E900] =	vst v63  }
0xbf: {  	_ =	swait.ge [sflag:s22], $0x4000  }
0xc0: {  	[sflag:s22] =	ssyncset.done $0x0  }
0xc1: {  	s28 =	sadd.s32 $0x13F00, s0;
	[sflag:s22] =	ssyncadd.s32 $0xFFFFC000  }
0xc2: {  	[tilespmem:s26], [sflag:$0x1] =	stream.indirect.gather [hbm4b:s3+s24], $0x80, s28, s24, $0xb8;
	[tilespmem:$0x1E900] =	vst v63  }
0xc3: {  	_ =	swait.ge [sflag:s31], $0x4000  }
0xc4: {  	[sflag:s31] =	ssyncset.done $0x0  }
0xc5: {  	s11 =	sadd.s32 $0x15680, s0;
	[sflag:s31] =	ssyncadd.s32 $0xFFFFC000  }
0xc6: {  	[spmem:s1] =	stream.indirect.scatter.add.f32 [tilespmem:s29], [sflag:$0x5], $0x80, s11, s24, $0xb8;
	[tilespmem:$0x1E900] =	vst v63  }
0xc7: {  	_ =	swait.ge [sflag:s22], $0x4000  }
0xc8: {  	[sflag:s22] =	ssyncset.done $0x0  }
0xc9: {  	s23 =	sadd.s32 $0x13F80, s0;
	[sflag:s22] =	ssyncadd.s32 $0xFFFFC000  }
0xca: {  	[tilespmem:s29], [sflag:$0x2] =	stream.indirect.gather [hbm4b:s3+s24], $0x80, s23, s24, $0xb8;
	[tilespmem:$0x1E900] =	vst v63  }
0xcb: {  	_ =	swait.ge [sflag:s30], $0x4000  }
0xcc: {  	[sflag:s30] =	ssyncset.done $0x0  }
0xcd: {  	s28 =	sadd.s32 $0x15700, s0;
	[sflag:s30] =	ssyncadd.s32 $0xFFFFC000  }
0xce: {  	[spmem:s1] =	stream.indirect.scatter.add.f32 [tilespmem:s26], [sflag:$0x5], $0x80, s28, s24, $0xb8;
	[tilespmem:$0x1E900] =	vst v63  }
0xcf: {  	_ =	swait.ge [sflag:s22], $0x4000  }
0xd0: {  	[sflag:s22] =	ssyncset.done $0x0  }
0xd1: {  	s11 =	sor.u32 $0x14000, s0;
	[sflag:s22] =	ssyncadd.s32 $0xFFFFC000  }
0xd2: {  	[tilespmem:s26], [sflag:$0x1] =	stream.indirect.gather [hbm4b:s3+s24], $0x80, s11, s24, $0xb8;
	[tilespmem:$0x1E900] =	vst v63  }
0xd3: {  	_ =	swait.ge [sflag:s31], $0x4000  }
0xd4: {  	[sflag:s31] =	ssyncset.done $0x0  }
0xd5: {  	s23 =	sadd.s32 $0x15780, s0;
	[sflag:s31] =	ssyncadd.s32 $0xFFFFC000  }
0xd6: {  	[spmem:s1] =	stream.indirect.scatter.add.f32 [tilespmem:s29], [sflag:$0x5], $0x80, s23, s24, $0xb8;
	[tilespmem:$0x1E900] =	vst v63  }
0xd7: {  	_ =	swait.ge [sflag:s22], $0x4000  }
0xd8: {  	[sflag:s22] =	ssyncset.done $0x0  }
0xd9: {  	s28 =	sor.u32 $0x14080, s0;
	[sflag:s22] =	ssyncadd.s32 $0xFFFFC000  }
0xda: {  	[tilespmem:s29], [sflag:$0x2] =	stream.indirect.gather [hbm4b:s3+s24], $0x80, s28, s24, $0xb8;
	[tilespmem:$0x1E900] =	vst v63  }
0xdb: {  	_ =	swait.ge [sflag:s30], $0x4000  }
0xdc: {  	[sflag:s30] =	ssyncset.done $0x0  }
0xdd: {  	s11 =	sadd.s32 $0x15800, s0;
	[sflag:s30] =	ssyncadd.s32 $0xFFFFC000  }
0xde: {  	[spmem:s1] =	stream.indirect.scatter.add.f32 [tilespmem:s26], [sflag:$0x5], $0x80, s11, s24, $0xb8;
	[tilespmem:$0x1E900] =	vst v63  }
0xdf: {  	_ =	swait.ge [sflag:s22], $0x4000  }
0xe0: {  	[sflag:s22] =	ssyncset.done $0x0  }
0xe1: {  	s23 =	sor.u32 $0x14100, s0;
	[sflag:s22] =	ssyncadd.s32 $0xFFFFC000  }
0xe2: {  	[tilespmem:s26], [sflag:$0x1] =	stream.indirect.gather [hbm4b:s3+s24], $0x80, s23, s24, $0xb8;
	[tilespmem:$0x1E900] =	vst v63  }
0xe3: {  	_ =	swait.ge [sflag:s31], $0x4000  }
0xe4: {  	[sflag:s31] =	ssyncset.done $0x0  }
0xe5: {  	p2 =	slt.u32 s25, $0x5;
	s28 =	sadd.s32 $0x15880, s0;
	[sflag:s31] =	ssyncadd.s32 $0xFFFFC000  }
0xe6: {  	[spmem:s1] =	stream.indirect.scatter.add.f32 [tilespmem:s29], [sflag:$0x5], $0x80, s28, s24, $0xb8;
	[tilespmem:$0x1E900] =	vst v63  }
.Ltmp7:
0xe7: {  	_ = 	snop;
	(pc) =	sbr.rel @!p2 .LBB2_10-.Ltmp7, $4  }
0xe8: {  	_ =	swait.ge [sflag:s22], $0x4000  }
0xe9: {  	[sflag:s22] =	ssyncset.done $0x0  }
0xea: {  	s4 =	smov.u32 s25;
	s0 =	sor.u32 $0x14180, s0;
	[sflag:s22] =	ssyncadd.s32 $0xFFFFC000  }
0xeb: {  	[tilespmem:s29], [sflag:$0x2] =	stream.indirect.gather [hbm4b:s3+s24], $0x80, s0, s24, $0xb8;
	[tilespmem:$0x1E900] =	vst v63  }
.LBB2_7:
0xec: {  	p2 =	seq.s32 s4, $0x0  }
0xed: {  	s25 =	simm.s32 @!p2 $0x3;
	p3 =	seq.s32 @!p2 s4, $0x4  }
0xee: {  	_ =	swait.ge @!p2 [sflag:s25], $0xC00;
	p3 =	por p2, !p3  }
.Ltmp8:
0xef: {  	[sflag:s25] =	ssyncset.done @!p2 $0x0;
	(pc) =	sbr.rel @!p3 .LBB2_9-.Ltmp8, $4  }
0xf0: {  	[sflag:s25] =	ssyncadd.s32 @!p2 $0xFFFFF400  }
0xf1: {  	_ =	swait.ge @!p2 [sflag:s25], $0xC00  }
0xf2: {  	[sflag:s25] =	ssyncset.done @!p2 $0x0  }
0xf3: {  	s0 =	sand.u32 $0x1, s4;
	[sflag:s25] =	ssyncadd.s32 @!p2 $0xFFFFF400;
	s25 =	simm.s32 @!p2 $0x5  }
0xf4: {  	s25 =	sadd.s32 @!p2 $0x1, s4  }
0xf5: {  	s25 =	simm.s32 @p2 $0x1  }
0xf6: {  	s28 =	sxor.u32 $0x1, s0;
	s11 =	sshll.u32 s25, $0xB  }
0xf7: {  	s4 =	smul.u32 $0xC00, s28;
	s11 =	sadd.s32 s16, s11  }
.Ltmp9:
0xf8: {  	s11 =	sshrl.u32 s11, $0x3;
	(pc) =	sbr.rel .LBB2_9-.Ltmp9, $4  }
0xf9: {  	s23 =	sadd.s32 $0x13900, s4;
	s28 =	sadd.s32 s6, s11  }
0xfa: {  	[tilespmem:s23], [sflag:$0x3] =	stream.linear.gather [hbm4b:s28+s2], $0xC00, $0x38;
	[tilespmem:$0x1E900] =	vst v63  }
0xfb: {  	s4 =	sor.u32 $0x15100, s4;
	s11 =	sadd.s32 s7, s11  }
0xfc: {  	[tilespmem:s4], [sflag:$0x3] =	stream.linear.gather [hbm4b:s11+s2], $0xC00, $0x38;
	[tilespmem:$0x1E900] =	vst v63  }
.LBB2_11:
0xfd: {  	_ =	sfence.sel $0x180000  }
0xfe: {  	[bflag:$0x0] =	sbarrier.arrive $0xFFFF  }
0xff: {  	_ =	strace $0x9000004D  }
0x100: {  	[bflag:$0x2] =	sbarrier.arrive $0xFFFF  }
0x101: {  	p0 =	sne.s32 s5, $0x0;
	s0 =	rddreg [dreg:$0x2]  }
0x102: {  	s0 =	sadd.s32 @!p0 $0x100000, s0  }
0x103: {  	[sflag:s0] =	ssyncadd.tile.s32 @!p0 $0x1;
	_ =	shalt  }
.Lfunc_end2:
_tile_overlayer_lowered:
.L_overlay_start_2:
0x104: {  	(tag) =	ssettag $0x2  }
0x105: {  	s0 =	rddreg [dreg:$0x0];
	s2 =	stileid.u32  }
0x106: {  	s1 =	rddreg [dreg:$0x1];
	p0 =	sne.s32 s2, $0x0  }
0x107: {  	s3 =	rddreg [dreg:$0x2];
	[bflag:$0x3] =	sbarrier.arrive $0xFFFF;
	s2 =	simm.s32 @!p0 $0x1C05  }
0x108: {  	[timem:s3], [sflag:s2] =	dma.local @!p0 [hbm:s0], s1  }
0x109: {  	s0 =	simm.s32 @!p0 $0x5  }
0x10a: {  	_ =	swait.ge @!p0 [sflag:s0], s1  }
0x10b: {  	s1 =	ssub.s32 @!p0 $0x0, s1;
	[sflag:s0] =	ssyncset.done @!p0 $0x0  }
0x10c: {  	[sflag:s0] =	ssyncadd.s32 @!p0 s1  }
0x10d: {  	[bflag:$0x3] =	sbarrier.arrive $0xFFFF  }
0x10e: {  	_ =	shalt  }

// kernel: kernel.9.cloned.1.call-start
scs
__scs_entry_jumppad:
0x0: {  	(pc) =	sbr.rel $0x88, $3  }
0x1: {  	(tag) =	ssettag $0x0;
	lr =	simm.s32 $0x1  }
0x2: {  	[smem:$0x3F97] =	sst lr;
	_ =	strace $0xD0000000  }
0x3: {  	_ = 	snop  }
0x4: {  	_ = 	snop  }
0x5: {  	_ = 	snop  }
0x6: {  	_ = 	snop  }
0x7: {  	_ = 	snop  }
__scs_overlays_trampoline_lowered:
0x8: {  	[smem:$0x3FA6] =	sst s0  }
0x9: {  	[smem:$0x3FA7] =	sst s1  }
0xa: {  	[smem:$0x3FA8] =	sst s2  }
0xb: {  	[smem:$0x3FA9] =	sst s3  }
0xc: {  	[smem:$0x3FAA] =	sst s4  }
0xd: {  	[smem:$0x3FAB] =	sst s5  }
0xe: {  	[smem:$0x3FAC] =	sst s6  }
0xf: {  	[smem:$0x3FAD] =	sst s7  }
0x10: {  	[smem:$0x3FAE] =	sst s8  }
0x11: {  	[smem:$0x3FAF] =	sst s9;
	s0 =	simm.s32 @!p0 $0x0  }
0x12: {  	s1 =	sld [smem:$0x3F95];
	s0 =	simm.s32 @p0 $0x1  }
0x13: {  	[smem:$0x3FB0] =	sst s0;
	s0 =	simm.s32 @!p1 $0x0  }
0x14: {  	s2 =	sld [smem:$0x3F94];
	s0 =	simm.s32 @p1 $0x1  }
0x15: {  	[smem:$0x3FB1] =	sst s0;
	s0 =	simm.s32 @!p2 $0x0  }
0x16: {  	s3 =	sld [smem:$0x3FDB];
	s0 =	simm.s32 @p2 $0x1  }
0x17: {  	s4 =	simm.s32 $0x1BF5;
	[smem:$0x3FB3] =	sst s0  }
0x18: {  	s0 =	sld [smem:$0x3F96];
	_ =	swait.ge [sflag:s4], $0x0  }
0x19: {  	s7 =	sld [smem:$0x3F97]  }
0x1a: {  	s8 =	sadd.s32 $0xFFFFE003, lr  }
0x1b: {  	s9 =	sadd.s32 $0xFFFFFEF7, lr;
	s5 =	simm.s32 $0xFFFFFFFF;
	p2 =	slt.u32 s8, $0xFFFFF086  }
0x1c: {  	p1 =	slt.u32 s9, $0xF7A;
	s5 =	simm.s32 @!p2 $0x0  }
0x1d: {  	s5 =	simm.s32 @p1 $0x1;
	p0 =	seq.s32 s7, s2  }
0x1e: {  	s7 =	smul.u32 @!p0 $0xF7A, s2;
	p2 =	seq.s32 @!p0 s5, $0x0  }
0x1f: {  	s9 =	smul.u32 $0xF7A, s1;
	s8 =	simm.s32 @!p0 $0x1BF5;
	p2 =	por !p2, p0  }
0x20: {  	[sflag:s8] =	ssyncset.s32 @!p0 $0xFFFFF086;
	s6 =	sadd.s32 @!p0 s3, s7;
	s7 =	simm.s32 @!p0 $0x108  }
0x21: {  	s3 =	sadd.s32 s3, s9;
	s6 =	sadd.s32 @!p0 $0x88, s6;
	s7 =	simm.s32 @p2 $0x1082  }
0x22: {  	[simem:s7], [sflag:s8] =	dma.local @!p0 [hbm:s6], $0xF7A  }
0x23: {  	s9 =	sor.u32 $0xD0000000, s2;
	s6 =	simm.s32 $0x108;
	_ =	swait.ge @!p0 [sflag:s8], $0x0  }
0x24: {  	s3 =	sadd.s32 $0x88, s3;
	s6 =	simm.s32 @!p1 $0x1082;
	[sflag:s4] =	ssyncset.s32 $0xFFFFF086  }
0x25: {  	[simem:s6], [sflag:s4] =	dma.local [hbm:s3], $0xF7A  }
0x26: {  	[smem:$0x3F97] =	sst s1;
	(tag) =	ssettag s2;
	_ =	strace s9  }
0x27: {  	s1 =	sld [smem:$0x3FA7]  }
0x28: {  	s2 =	sld [smem:$0x3FA8]  }
0x29: {  	s4 =	sld [smem:$0x3FAA]  }
0x2a: {  	p0 =	seq.s32 s5, $0x0;
	s5 =	sld [smem:$0x3FAB]  }
0x2b: {  	s6 =	sld [smem:$0x3FAC]  }
0x2c: {  	s7 =	sld [smem:$0x3FAD]  }
0x2d: {  	s3 =	simm.s32 $0x108;
	s8 =	sld [smem:$0x3FAE]  }
0x2e: {  	s3 =	simm.s32 @!p0 $0x1082;
	s9 =	sld [smem:$0x3FAF]  }
0x2f: {  	lr =	sadd.s32 s0, s3;
	s0 =	sld [smem:$0x3FA6]  }
0x30: {  	s3 =	sld [smem:$0x3FA9]  }
0x31: {  	[smem:$0x3FB2] =	sst s10  }
0x32: {  	s10 =	sld [smem:$0x3FB0];
	_ =	sdelay $0x3  }
0x33: {  	p0 =	seq.s32 s10, $0x1;
	s10 =	sld [smem:$0x3FB2];
	_ =	sdelay $0x3  }
0x34: {  	[smem:$0x3FB2] =	sst s10  }
0x35: {  	s10 =	sld [smem:$0x3FB1];
	_ =	sdelay $0x3  }
0x36: {  	p1 =	seq.s32 s10, $0x1;
	s10 =	sld [smem:$0x3FB2];
	_ =	sdelay $0x3  }
0x37: {  	[smem:$0x3FB2] =	sst s10  }
0x38: {  	s10 =	sld [smem:$0x3FB3]  }
0x39: {  	_ = 	snop;
	(pc) =	sbr.ind lr, $3  }
0x3a: {  	_ = 	snop  }
0x3b: {  	_ = 	snop  }
0x3c: {  	p2 =	seq.s32 s10, $0x1;
	s10 =	sld [smem:$0x3FB2]  }
0x3d: {  	_ =	shalt  }
0x3e: {  	_ =	shalt  }
0x3f: {  	_ =	shalt  }
0x40: {  	_ =	shalt  }
0x41: {  	_ =	shalt  }
0x42: {  	_ =	shalt  }
0x43: {  	_ =	shalt  }
0x44: {  	_ =	shalt  }
0x45: {  	_ =	shalt  }
0x46: {  	_ =	shalt  }
0x47: {  	_ =	shalt  }
0x48: {  	_ =	shalt  }
0x49: {  	_ =	shalt  }
0x4a: {  	_ =	shalt  }
0x4b: {  	_ =	shalt  }
0x4c: {  	_ =	shalt  }
0x4d: {  	_ =	shalt  }
0x4e: {  	_ =	shalt  }
0x4f: {  	_ =	shalt  }
0x50: {  	_ =	shalt  }
0x51: {  	_ =	shalt  }
0x52: {  	_ =	shalt  }
0x53: {  	_ =	shalt  }
0x54: {  	_ =	shalt  }
0x55: {  	_ =	shalt  }
0x56: {  	_ =	shalt  }
0x57: {  	_ =	shalt  }
0x58: {  	_ =	shalt  }
0x59: {  	_ =	shalt  }
0x5a: {  	_ =	shalt  }
0x5b: {  	_ =	shalt  }
0x5c: {  	_ =	shalt  }
0x5d: {  	_ =	shalt  }
0x5e: {  	_ =	shalt  }
0x5f: {  	_ =	shalt  }
0x60: {  	_ =	shalt  }
0x61: {  	_ =	shalt  }
0x62: {  	_ =	shalt  }
0x63: {  	_ =	shalt  }
0x64: {  	_ =	shalt  }
0x65: {  	_ =	shalt  }
0x66: {  	_ =	shalt  }
0x67: {  	_ =	shalt  }
0x68: {  	_ =	shalt  }
0x69: {  	_ =	shalt  }
0x6a: {  	_ =	shalt  }
0x6b: {  	_ =	shalt  }
0x6c: {  	_ =	shalt  }
0x6d: {  	_ =	shalt  }
0x6e: {  	_ =	shalt  }
0x6f: {  	_ =	shalt  }
0x70: {  	_ =	shalt  }
0x71: {  	_ =	shalt  }
0x72: {  	_ =	shalt  }
0x73: {  	_ =	shalt  }
0x74: {  	_ =	shalt  }
0x75: {  	_ =	shalt  }
0x76: {  	_ =	shalt  }
0x77: {  	_ =	shalt  }
0x78: {  	_ =	shalt  }
0x79: {  	_ =	shalt  }
0x7a: {  	_ =	shalt  }
0x7b: {  	_ =	shalt  }
0x7c: {  	_ =	shalt  }
0x7d: {  	_ =	shalt  }
0x7e: {  	_ =	shalt  }
0x7f: {  	_ =	shalt  }
0x80: {  	_ =	shalt  }
0x81: {  	_ =	shalt  }
0x82: {  	_ =	shalt  }
0x83: {  	_ =	shalt  }
0x84: {  	_ =	shalt  }
0x85: {  	_ =	shalt  }
0x86: {  	_ =	shalt  }
0x87: {  	_ =	shalt  }
.Lfunc_end0:
.L_simem_size_0:
called_computation_lowered:
.L_overlay_start_0:
0x88: {  	s2 =	sld [smem:$0x3FD9]  }
0x89: {  	s3 =	sld [smem:$0x3FFE];
	_ =	sdelay $0x1  }
0x8a: {  	s1 =	srdreg.scid  }
0x8b: {  	s0 =	sand.u32 $0x1, s1  }
0x8c: {  	s17 =	sshll.u32 s0, $0xA;
	s2 =	sadd.s32 s3, s2  }
0x8d: {  	s2 =	sadd.s32 s2, s17  }
0x8e: {  	[smem:$0x3FBE] =	sst s2  }
0x8f: {  	_ = 	snop  }
0x90: {  	s2 =	sld [smem:$0x3FC9];
	(tm) =	ssettm $0x1  }
0x91: {  	s18 =	sld [smem:$0x3FFB];
	_ =	sdelay $0x3  }
0x92: {  	_ =	strace s18  }
0x93: {  	s3 =	sld [smem:$0x3FFC];
	_ =	sdelay $0x3  }
0x94: {  	_ =	strace s3  }
0x95: {  	s3 =	sld [smem:$0x3FFD];
	_ =	sdelay $0x3  }
0x96: {  	_ =	strace s3  }
0x97: {  	_ =	strace $0x8FFFFFFF  }
0x98: {  	s19 =	sld [smem:$0x3FDB];
	_ =	sdelay $0x1  }
0x99: {  	s4 =	simm.s32 $_scs_section_size  }
0x9a: {  	s5 =	simm.s32 $_size__tile_overlayer_lowered;
	s6 =	simm.s32 $_tile_overlayer_lowered  }
0x9b: {  	s22 =	simm.s32 $0x1BFF;
	s21 =	sshll.u32 s6, $0x1;
	s3 =	sadd.s32 s4, s19  }
0x9c: {  	s7 =	simm.s32 $0x0;
	s20 =	sshll.u32 s5, $0x1;
	s5 =	sadd.s32 s21, s3  }
0x9d: {  	[timem:s7], [sflag:s22] =	dma.local [hbm:s5], s20  }
0x9e: {  	_ =	swait.ge [sflag:s22], s20  }
0x9f: {  	s4 =	ssub.s32 $0x0, s20;
	[sflag:s22] =	ssyncset.done $0x0  }
0xa0: {  	[sflag:s22] =	ssyncadd.s32 s4;
	_ =	sdelay $0x1  }
0xa1: {  	s23 =	simm.s32 $0x1B8B  }
0xa2: {  	_ =	swait.ge [sflag:s23], $0x1  }
0xa3: {  	[sflag:s23] =	ssyncset.done $0x0  }
0xa4: {  	s25 =	simm.s32 $0x1B8E;
	s24 =	sld [smem:$0x3FFE];
	[sflag:s23] =	ssyncadd.s32 $0xFFFFFFFF  }
0xa5: {  	s26 =	simm.s32 $execute0_lowered;
	[smem:$0x3FD2] =	sst s25  }
0xa6: {  	s5 =	sshll.u32 s26, $0x1;
	_ =	strace $0x80000046;
	[dreg:$0x1] =	wrdreg $0xFFFFFFFF  }
0xa7: {  	s28 =	simm.s32 $_size_execute0_lowered;
	s3 =	sadd.s32 s3, s5;
	[dreg:$0x0] =	wrdreg $0x0  }
0xa8: {  	s5 =	sshll.u32 s28, $0x1;
	[dreg:$0x2] =	wrdreg s3  }
0xa9: {  	[dreg:$0x3] =	wrdreg s5  }
0xaa: {  	[dreg:$0x4] =	wrdreg $0xC0  }
0xab: {  	_ =	task [dreg:s7], $0x5FFFF  }
0xac: {  	[dreg:$0x1] =	wrdreg $0xFFFFFFFF  }
0xad: {  	[dreg:$0x0] =	wrdreg $0x60  }
0xae: {  	[dreg:$0x2] =	wrdreg s2  }
0xaf: {  	[dreg:$0x3] =	wrdreg s24  }
0xb0: {  	[dreg:$0x4] =	wrdreg $0x0  }
0xb1: {  	[dreg:$0x5] =	wrdreg $0x9  }
0xb2: {  	_ =	task.clear_ibuf [dreg:s7], $0x6FFFF;
	_ =	strace $0x90000046  }
0xb3: {  	s29 =	simm.s32 $0x9;
	_ =	strace $0x80000048  }
0xb4: {  	_ =	swait.ge [sflag:s29], $0x1  }
0xb5: {  	[sflag:s29] =	ssyncadd.s32 $0xFFFFFFFF  }
0xb6: {  	_ =	strace $0x90000048  }
0xb7: {  	_ =	sfence  }
0xb8: {  	s30 =	sld [smem:$0x0];
	_ =	sdelay $0x2  }
0xb9: {  	s31 =	sshll.u32 s1, $0xD;
	s1 =	sshrl.u32 s1, $0x2  }
0xba: {  	s3 =	sand.u32 $0x4000, s31;
	s1 =	sadd.s32 s1, s30  }
0xbb: {  	s0 =	sor.u32 s3, s0;
	s1 =	sshll.u32 s1, $0x11  }
0xbc: {  	s0 =	sor.u32 s1, s0  }
0xbd: {  	s0 =	sadd.s32 $0x8F2B, s0  }
0xbe: {  	[sflag:s0] =	ssyncadd.remote.s32 $0x1  }
0xbf: {  	_ =	sfence.sel $0xFFFF  }
0xc0: {  	[dreg:$0x0] =	wrdreg $0xFFFFFFFF;
	(pc) =	sbr.abs _section_cstart, $3  }
0xc1: {  	[dreg:$0x1] =	wrdreg $0xFFFFFFFF  }
0xc2: {  	_ =	task.clear_ibuf [dreg:s7], $0x2FFFF;
	_ =	strace $0x9FFFFFFF  }
0xc3: {  	(tm) =	ssettm $0x7FFFFFFF  }
tec
execute0_lowered:
.L_overlay_start_1:
0x0: {  	(tag) =	ssettag $0x1  }
0x1: {  	s1 =	rddreg [dreg:$0x0]  }
0x2: {  	s0 =	rddreg [dreg:$0x1]  }
0x3: {  	s2 =	rddreg [dreg:$0x2];
	s3 =	simm.s32 $0x0  }
0x4: {  	s4 =	srdreg.scid;
	s5 =	stileid.u32;
	s29 =	simm.s32 $0x1A900  }
0x5: {  	s30 =	simm.s32 $0x1;
	s31 =	simm.s32 $0x2;
	[smem:$0x7FF] =	sst s3  }
0x6: {  	s11 =	sadd.s32 $0x17000, s0;
	s4 =	sand.u32 $0x1, s4;
	s6 =	sadd.s32 $0x2C00, s0  }
0x7: {  	s7 =	sadd.s32 $0xCE00, s0;
	s9 =	sadd.s32 $0x3E200, s0;
	p2 =	sne.s32 s5, $0xF  }
0x8: {  	s21 =	sshll.u32 s5, $0x1;
	p0 =	seq.s32 s5, $0xF;
	s22 =	smul.u32 $0x4F000, s5  }
0x9: {  	s12 =	sadd.s32 $0x25080, s1;
	s25 =	sadd.s32 $0x138800, s2;
	s23 =	smul.u32 $0x2780, s5  }
0xa: {  	s17 =	smul.u32 $0x13C00, s5;
	_ =	strace $0x80000047;
	s8 =	ssub.s32 $0x2, s4  }
0xb: {  	p3 =	seq.s32 s4, $0x0;
	s16 =	sor.u32 s4, s21;
	[dreg:$0x5] =	wrdreg s12  }
0xc: {  	[dreg:$0x4] =	wrdreg s11;
	s21 =	simm.s32 $0x13900;
	s28 =	sshrl.u32 s25, $0x3  }
0xd: {  	s10 =	sshrl.u32 s8, $0x1;
	p1 =	por !p3, !p2;
	p3 =	por !p3, !p0  }
0xe: {  	s15 =	smul.u32 $0x500, s16;
	s24 =	sadd.s32 s1, s23;
	s12 =	sadd.s32 s11, s23  }
0xf: {  	s16 =	smul.u32 $0x2800, s16;
	[dreg:$0x7] =	wrdreg s28;
	s19 =	ssub.s32 s8, s10  }
0x10: {  	p5 =	por !p1, !p1;
	s8 =	simm.s32 @!p0 $0x0;
	p3 =	por !p3, !p3  }
0x11: {  	s10 =	sshrl.u32 s22, $0x2;
	[dreg:$0x6] =	wrdreg s24;
	s22 =	simm.s32 $0x5  }
0x12: {  	s24 =	simm.s32 $0x80;
	s8 =	simm.s32 @p0 $0x1;
	s10 =	sadd.s32 s10, s2  }
0x13: {  	s14 =	sadd.s32 s6, s15;
	[smem:$0x7FA] =	sst s8;
	s8 =	simm.s32 @!p3 $0x0  }
0x14: {  	s15 =	sadd.s32 s7, s15;
	s19 =	smax.u32 s19, $0x1;
	s8 =	simm.s32 @p3 $0x1  }
0x15: {  	p3 =	seq.s32 s4, $0x1;
	s4 =	smul.u32 $0x138800, s4;
	[smem:$0x7FB] =	sst s8  }
0x16: {  	s8 =	sadd.s32 $0x128400, s2;
	s13 =	simm.s32 @!p3 $0x0;
	p2 =	por !p2, !p3  }
0x17: {  	s13 =	simm.s32 @p3 $0x1;
	p1 =	por !p2, !p2;
	s26 =	sadd.s32 s17, s4  }
.Ltmp0:
0x18: {  	s4 =	sshrl.u32 s4, $0x3;
	[smem:$0x7FC] =	sst s13;
	(pc) =	sbr.rel .LBB2_1-.Ltmp0, $4  }
0x19: {  	s13 =	sadd.s32 $0x3C080, s0;
	s0 =	sshrl.u32 s26, $0x3;
	s4 =	sadd.s32 s9, s4  }
0x1a: {  	s26 =	simm.s32 $0x16900;
	s18 =	sadd.s32 $0x25080, s4;
	s4 =	simm.s32 @!p1 $0x0  }
0x1b: {  	s17 =	sadd.s32 s9, s0;
	s0 =	sshll.u32 @p1 s5, $0x6;
	s4 =	simm.s32 @p1 $0x1  }
0x1c: {  	s9 =	simm.s32 $0x0;
	s20 =	sor.u32 @p1 $0x1C04, s0;
	[smem:$0x7FD] =	sst s4  }
.LBB2_10:
0x1d: {  	_ =	swait.ge [sflag:s30], $0x4000  }
0x1e: {  	[sflag:s30] =	ssyncset.done $0x0  }
0x1f: {  	[sflag:s30] =	ssyncadd.s32 $0xFFFFC000  }
0x20: {  	_ =	swait.ge [sflag:s31], $0x4000  }
0x21: {  	s0 =	sld [smem:$0x7FA];
	_ =	sdelay $0x2  }
0x22: {  	[sflag:s31] =	ssyncset.done $0x0;
	p0 =	seq.s32 s0, $0x1  }
0x23: {  	[sflag:s31] =	ssyncadd.s32 $0xFFFFC000;
	s0 =	sshll.u32 @!p0 s5, $0x6  }
0x24: {  	[bflag:$0x0] =	sbarrier.arrive $0xFFFF;
	s4 =	sshrl.u32 @!p0 s10, $0x3;
	s0 =	sor.u32 @!p0 $0x1C05, s0  }
0x25: {  	[hbm:s17], [sflag:s0] =	dma.local @!p0 [spmem:s4], $0x2780  }
0x26: {  	s0 =	simm.s32 @!p0 $0x5  }
0x27: {  	s9 =	sadd.s32 $0x1, s9;
	_ =	swait.ge @!p0 [sflag:s0], $0x2780  }
0x28: {  	p2 =	sne.s32 s9, s19;
	s4 =	sshll.u32 @p6 s5, $0x6;
	[sflag:s0] =	ssyncset.done @!p0 $0x0  }
0x29: {  	[sflag:s0] =	ssyncadd.s32 @!p0 $0xFFFFD880;
	s0 =	sor.u32 @p6 $0x1C05, s4;
	s4 =	sshrl.u32 @p6 s8, $0x3  }
0x2a: {  	[hbm:s18], [sflag:s0] =	dma.local @p6 [spmem:s4], $0x2080  }
.Ltmp1:
0x2b: {  	_ = 	snop;
	(pc) =	sbr.rel @!p2 .LBB2_11-.Ltmp1, $4  }
0x2c: {  	s0 =	simm.s32 @p6 $0x5  }
0x2d: {  	_ =	swait.ge @p6 [sflag:s0], $0x2080  }
0x2e: {  	[sflag:s0] =	ssyncset.done @p6 $0x0  }
0x2f: {  	[sflag:s0] =	ssyncadd.s32 @p6 $0xFFFFDF80  }
.LBB2_1:
.Ltmp2:
0x30: {  	(pc) =	sbr.rel @!p5 .LBB2_4-.Ltmp2, $1  }
0x31: {  	_ =	sdelay $0x3  }
.Ltmp3:
0x32: {  	(pc) =	sbr.rel .LBB2_3-.Ltmp3, $4  }
0x33: {  	_ = 	snop  }
0x34: {  	s0 =	sshll.u32 s5, $0x6;
	s4 =	sshrl.u32 s10, $0x3  }
0x35: {  	s11 =	rddreg [dreg:$0x6];
	p6 =	por $0x0, $0x0;
	s0 =	sor.u32 $0x1C04, s0  }
0x36: {  	[spmem:s4], [sflag:s0] =	dma.local [hbm:s11], $0x2780  }
.LBB2_4:
0x37: {  	s28 =	sld [smem:$0x7FB];
	_ =	sdelay $0x2  }
0x38: {  	p2 =	seq.s32 s28, $0x1  }
.Ltmp4:
0x39: {  	_ = 	snop;
	(pc) =	sbr.rel @!p2 .LBB2_3-.Ltmp4, $2  }
0x3a: {  	s0 =	sld [smem:$0x7FA];
	_ =	sdelay $0x2  }
0x3b: {  	p6 =	seq.s32 s0, $0x1  }
0x3c: {  	s0 =	sshrl.u32 s8, $0x3  }
.Ltmp5:
0x3d: {  	s4 =	rddreg [dreg:$0x5];
	s11 =	simm.s32 $0x1FC4;
	(pc) =	sbr.rel .LBB2_6-.Ltmp5, $4  }
0x3e: {  	[spmem:s0], [sflag:s11] =	dma.local [hbm:s4], $0x2080  }
0x3f: {  	p3 =	por $0x1, $0x1;
	p0 =	por $0x0, $0x0;
	s0 =	rddreg [dreg:$0x4]  }
0x40: {  	p6 =	por $0x1, $0x1;
	p1 =	por $0x0, $0x0;
	s4 =	rddreg [dreg:$0x7]  }
0x41: {  	[spmem:s4], [sflag:s11] =	dma.local [hbm:s0], $0x100  }
.LBB2_3:
0x42: {  	s0 =	sld [smem:$0x7FD];
	_ =	sdelay $0x2  }
0x43: {  	p1 =	seq.s32 s0, $0x1  }
0x44: {  	s0 =	sshrl.u32 @p1 s10, $0x3  }
0x45: {  	[spmem:s0], [sflag:s20] =	dma.local @p1 [hbm:s12], $0x2780  }
0x46: {  	s0 =	sld [smem:$0x7FC];
	_ =	sdelay $0x2  }
0x47: {  	p2 =	por @p1 $0x1, $0x1;
	p3 =	seq.s32 s0, $0x1  }
0x48: {  	p2 =	por @!p1 p3, p3  }
0x49: {  	p2 =	por !p2, !p6  }
0x4a: {  	p4 =	por !p2, !p2  }
0x4b: {  	p2 =	por $0x0, $0x0;
	s0 =	sshll.u32 @p4 s5, $0x6  }
0x4c: {  	s4 =	sshrl.u32 @p4 s8, $0x3;
	p3 =	por @p4 $0x0, $0x0;
	p0 =	por @p4 $0x1, $0x1  }
0x4d: {  	s0 =	sor.u32 @p4 $0x1C04, s0;
	p0 =	por @!p4 p2, p2;
	p2 =	por $0x0, $0x0  }
0x4e: {  	[spmem:s4], [sflag:s0] =	dma.local @p4 [hbm:s13], $0x2180  }
0x4f: {  	p3 =	por @!p4 p2, p2  }
.LBB2_6:
0x50: {  	[tilespmem:s21], [sflag:$0x5] =	stream.linear.gather [hbm4b:s14+s3], $0xC00, $0x38;
	[tilespmem:$0x1E900] =	vst v63  }
0x51: {  	_ =	swait.ge [sflag:s22], $0xC00  }
0x52: {  	[sflag:s22] =	ssyncset.done $0x0  }
0x53: {  	s0 =	simm.s32 $0x15100;
	[sflag:s22] =	ssyncadd.s32 $0xFFFFF400  }
0x54: {  	[tilespmem:s0], [sflag:$0x5] =	stream.linear.gather [hbm4b:s15+s3], $0xC00, $0x38;
	[tilespmem:$0x1E900] =	vst v63  }
0x55: {  	_ =	swait.ge [sflag:s22], $0xC00  }
0x56: {  	[sflag:s22] =	ssyncset.done $0x0  }
0x57: {  	[sflag:s22] =	ssyncadd.s32 $0xFFFFF400  }
0x58: {  	[tilespmem:s26], [sflag:$0x1] =	stream.indirect.gather [hbm4b:s1+s24], $0x80, s21, s24, $0xb8;
	[tilespmem:$0x1E900] =	vst v63  }
0x59: {  	s28 =	simm.s32 $0x13980;
	s0 =	simm.s32 @p5 $0x4  }
0x5a: {  	[tilespmem:s29], [sflag:$0x2] =	stream.indirect.gather [hbm4b:s1+s24], $0x80, s28, s24, $0xb8;
	[tilespmem:$0x1E900] =	vst v63  }
0x5b: {  	_ =	swait.ge @p5 [sflag:s0], $0x2780  }
0x5c: {  	[sflag:s0] =	ssyncset.done @p5 $0x0  }
0x5d: {  	[sflag:s0] =	ssyncadd.s32 @p5 $0xFFFFD880;
	s0 =	simm.s32 @p3 $0x4  }
0x5e: {  	_ =	swait.ge @p3 [sflag:s0], $0x2080  }
0x5f: {  	[sflag:s0] =	ssyncset.done @p3 $0x0  }
0x60: {  	[sflag:s0] =	ssyncadd.s32 @p3 $0xFFFFDF80  }
0x61: {  	_ =	swait.ge @p3 [sflag:s0], $0x100  }
0x62: {  	[sflag:s0] =	ssyncset.done @p3 $0x0  }
0x63: {  	[sflag:s0] =	ssyncadd.s32 @p3 $0xFFFFFF00;
	s0 =	simm.s32 @p1 $0x4  }
0x64: {  	_ =	swait.ge @p1 [sflag:s0], $0x2780  }
0x65: {  	[sflag:s0] =	ssyncset.done @p1 $0x0  }
0x66: {  	[sflag:s0] =	ssyncadd.s32 @p1 $0xFFFFD880;
	s0 =	simm.s32 @p0 $0x4  }
.Ltmp6:
0x67: {  	_ =	swait.ge @p0 [sflag:s0], $0x2180;
	(pc) =	sbr.rel .LBB2_7-.Ltmp6, $4  }
0x68: {  	[sflag:s0] =	ssyncset.done @p0 $0x0  }
0x69: {  	[sflag:s0] =	ssyncadd.s32 @p0 $0xFFFFDE80  }
0x6a: {  	[bflag:$0x0] =	sbarrier.arrive $0xFFFF  }
0x6b: {  	s4 =	simm.s32 $0x0  }
.LBB2_9:
0x6c: {  	s0 =	smul.u32 $0xC00, s0;
	_ =	swait.ge [sflag:s30], $0x4000  }
0x6d: {  	[sflag:s30] =	ssyncset.done $0x0  }
0x6e: {  	s4 =	sor.u32 $0x15100, s0;
	[sflag:s30] =	ssyncadd.s32 $0xFFFFC000  }
0x6f: {  	[spmem:s2] =	stream.indirect.scatter.add.f32 [tilespmem:s26], [sflag:$0x5], $0x80, s4, s24, $0xb8;
	[tilespmem:$0x1E900] =	vst v63  }
0x70: {  	_ =	swait.ge [sflag:s22], $0x4000  }
0x71: {  	[sflag:s22] =	ssyncset.done $0x0  }
0x72: {  	s11 =	sadd.s32 $0x13A00, s0;
	[sflag:s22] =	ssyncadd.s32 $0xFFFFC000  }
0x73: {  	[tilespmem:s26], [sflag:$0x1] =	stream.indirect.gather [hbm4b:s1+s24], $0x80, s11, s24, $0xb8;
	[tilespmem:$0x1E900] =	vst v63  }
0x74: {  	_ =	swait.ge [sflag:s31], $0x4000  }
0x75: {  	[sflag:s31] =	ssyncset.done $0x0  }
0x76: {  	s23 =	sor.u32 $0x15180, s0;
	[sflag:s31] =	ssyncadd.s32 $0xFFFFC000  }
0x77: {  	[spmem:s2] =	stream.indirect.scatter.add.f32 [tilespmem:s29], [sflag:$0x5], $0x80, s23, s24, $0xb8;
	[tilespmem:$0x1E900] =	vst v63  }
0x78: {  	_ =	swait.ge [sflag:s22], $0x4000  }
0x79: {  	[sflag:s22] =	ssyncset.done $0x0  }
0x7a: {  	s28 =	sadd.s32 $0x13A80, s0;
	[sflag:s22] =	ssyncadd.s32 $0xFFFFC000  }
0x7b: {  	[tilespmem:s29], [sflag:$0x2] =	stream.indirect.gather [hbm4b:s1+s24], $0x80, s28, s24, $0xb8;
	[tilespmem:$0x1E900] =	vst v63  }
0x7c: {  	_ =	swait.ge [sflag:s30], $0x4000  }
0x7d: {  	[sflag:s30] =	ssyncset.done $0x0  }
0x7e: {  	s11 =	sor.u32 $0x15200, s0;
	[sflag:s30] =	ssyncadd.s32 $0xFFFFC000  }
0x7f: {  	[spmem:s2] =	stream.indirect.scatter.add.f32 [tilespmem:s26], [sflag:$0x5], $0x80, s11, s24, $0xb8;
	[tilespmem:$0x1E900] =	vst v63  }
0x80: {  	_ =	swait.ge [sflag:s22], $0x4000  }
0x81: {  	[sflag:s22] =	ssyncset.done $0x0  }
0x82: {  	s23 =	sadd.s32 $0x13B00, s0;
	[sflag:s22] =	ssyncadd.s32 $0xFFFFC000  }
0x83: {  	[tilespmem:s26], [sflag:$0x1] =	stream.indirect.gather [hbm4b:s1+s24], $0x80, s23, s24, $0xb8;
	[tilespmem:$0x1E900] =	vst v63  }
0x84: {  	_ =	swait.ge [sflag:s31], $0x4000  }
0x85: {  	[sflag:s31] =	ssyncset.done $0x0  }
0x86: {  	s28 =	sor.u32 $0x15280, s0;
	[sflag:s31] =	ssyncadd.s32 $0xFFFFC000  }
0x87: {  	[spmem:s2] =	stream.indirect.scatter.add.f32 [tilespmem:s29], [sflag:$0x5], $0x80, s28, s24, $0xb8;
	[tilespmem:$0x1E900] =	vst v63  }
0x88: {  	_ =	swait.ge [sflag:s22], $0x4000  }
0x89: {  	[sflag:s22] =	ssyncset.done $0x0  }
0x8a: {  	s11 =	sadd.s32 $0x13B80, s0;
	[sflag:s22] =	ssyncadd.s32 $0xFFFFC000  }
0x8b: {  	[tilespmem:s29], [sflag:$0x2] =	stream.indirect.gather [hbm4b:s1+s24], $0x80, s11, s24, $0xb8;
	[tilespmem:$0x1E900] =	vst v63  }
0x8c: {  	_ =	swait.ge [sflag:s30], $0x4000  }
0x8d: {  	[sflag:s30] =	ssyncset.done $0x0  }
0x8e: {  	s23 =	sor.u32 $0x15300, s0;
	[sflag:s30] =	ssyncadd.s32 $0xFFFFC000  }
0x8f: {  	[spmem:s2] =	stream.indirect.scatter.add.f32 [tilespmem:s26], [sflag:$0x5], $0x80, s23, s24, $0xb8;
	[tilespmem:$0x1E900] =	vst v63  }
0x90: {  	_ =	swait.ge [sflag:s22], $0x4000  }
0x91: {  	[sflag:s22] =	ssyncset.done $0x0  }
0x92: {  	s28 =	sadd.s32 $0x13C00, s0;
	[sflag:s22] =	ssyncadd.s32 $0xFFFFC000  }
0x93: {  	[tilespmem:s26], [sflag:$0x1] =	stream.indirect.gather [hbm4b:s1+s24], $0x80, s28, s24, $0xb8;
	[tilespmem:$0x1E900] =	vst v63  }
0x94: {  	_ =	swait.ge [sflag:s31], $0x4000  }
0x95: {  	[sflag:s31] =	ssyncset.done $0x0  }
0x96: {  	s11 =	sor.u32 $0x15380, s0;
	[sflag:s31] =	ssyncadd.s32 $0xFFFFC000  }
0x97: {  	[spmem:s2] =	stream.indirect.scatter.add.f32 [tilespmem:s29], [sflag:$0x5], $0x80, s11, s24, $0xb8;
	[tilespmem:$0x1E900] =	vst v63  }
0x98: {  	_ =	swait.ge [sflag:s22], $0x4000  }
0x99: {  	[sflag:s22] =	ssyncset.done $0x0  }
0x9a: {  	s23 =	sadd.s32 $0x13C80, s0;
	[sflag:s22] =	ssyncadd.s32 $0xFFFFC000  }
0x9b: {  	[tilespmem:s29], [sflag:$0x2] =	stream.indirect.gather [hbm4b:s1+s24], $0x80, s23, s24, $0xb8;
	[tilespmem:$0x1E900] =	vst v63  }
0x9c: {  	_ =	swait.ge [sflag:s30], $0x4000  }
0x9d: {  	[sflag:s30] =	ssyncset.done $0x0  }
0x9e: {  	s28 =	sadd.s32 $0x15400, s0;
	[sflag:s30] =	ssyncadd.s32 $0xFFFFC000  }
0x9f: {  	[spmem:s2] =	stream.indirect.scatter.add.f32 [tilespmem:s26], [sflag:$0x5], $0x80, s28, s24, $0xb8;
	[tilespmem:$0x1E900] =	vst v63  }
0xa0: {  	_ =	swait.ge [sflag:s22], $0x4000  }
0xa1: {  	[sflag:s22] =	ssyncset.done $0x0  }
0xa2: {  	s11 =	sadd.s32 $0x13D00, s0;
	[sflag:s22] =	ssyncadd.s32 $0xFFFFC000  }
0xa3: {  	[tilespmem:s26], [sflag:$0x1] =	stream.indirect.gather [hbm4b:s1+s24], $0x80, s11, s24, $0xb8;
	[tilespmem:$0x1E900] =	vst v63  }
0xa4: {  	_ =	swait.ge [sflag:s31], $0x4000  }
0xa5: {  	[sflag:s31] =	ssyncset.done $0x0  }
0xa6: {  	s23 =	sadd.s32 $0x15480, s0;
	[sflag:s31] =	ssyncadd.s32 $0xFFFFC000  }
0xa7: {  	[spmem:s2] =	stream.indirect.scatter.add.f32 [tilespmem:s29], [sflag:$0x5], $0x80, s23, s24, $0xb8;
	[tilespmem:$0x1E900] =	vst v63  }
0xa8: {  	_ =	swait.ge [sflag:s22], $0x4000  }
0xa9: {  	[sflag:s22] =	ssyncset.done $0x0  }
0xaa: {  	s28 =	sadd.s32 $0x13D80, s0;
	[sflag:s22] =	ssyncadd.s32 $0xFFFFC000  }
0xab: {  	[tilespmem:s29], [sflag:$0x2] =	stream.indirect.gather [hbm4b:s1+s24], $0x80, s28, s24, $0xb8;
	[tilespmem:$0x1E900] =	vst v63  }
0xac: {  	_ =	swait.ge [sflag:s30], $0x4000  }
0xad: {  	[sflag:s30] =	ssyncset.done $0x0  }
0xae: {  	s11 =	sadd.s32 $0x15500, s0;
	[sflag:s30] =	ssyncadd.s32 $0xFFFFC000  }
0xaf: {  	[spmem:s2] =	stream.indirect.scatter.add.f32 [tilespmem:s26], [sflag:$0x5], $0x80, s11, s24, $0xb8;
	[tilespmem:$0x1E900] =	vst v63  }
0xb0: {  	_ =	swait.ge [sflag:s22], $0x4000  }
0xb1: {  	[sflag:s22] =	ssyncset.done $0x0  }
0xb2: {  	s23 =	sadd.s32 $0x13E00, s0;
	[sflag:s22] =	ssyncadd.s32 $0xFFFFC000  }
0xb3: {  	[tilespmem:s26], [sflag:$0x1] =	stream.indirect.gather [hbm4b:s1+s24], $0x80, s23, s24, $0xb8;
	[tilespmem:$0x1E900] =	vst v63  }
0xb4: {  	_ =	swait.ge [sflag:s31], $0x4000  }
0xb5: {  	[sflag:s31] =	ssyncset.done $0x0  }
0xb6: {  	s28 =	sadd.s32 $0x15580, s0;
	[sflag:s31] =	ssyncadd.s32 $0xFFFFC000  }
0xb7: {  	[spmem:s2] =	stream.indirect.scatter.add.f32 [tilespmem:s29], [sflag:$0x5], $0x80, s28, s24, $0xb8;
	[tilespmem:$0x1E900] =	vst v63  }
0xb8: {  	_ =	swait.ge [sflag:s22], $0x4000  }
0xb9: {  	[sflag:s22] =	ssyncset.done $0x0  }
0xba: {  	s11 =	sadd.s32 $0x13E80, s0;
	[sflag:s22] =	ssyncadd.s32 $0xFFFFC000  }
0xbb: {  	[tilespmem:s29], [sflag:$0x2] =	stream.indirect.gather [hbm4b:s1+s24], $0x80, s11, s24, $0xb8;
	[tilespmem:$0x1E900] =	vst v63  }
0xbc: {  	_ =	swait.ge [sflag:s30], $0x4000  }
0xbd: {  	[sflag:s30] =	ssyncset.done $0x0  }
0xbe: {  	s23 =	sadd.s32 $0x15600, s0;
	[sflag:s30] =	ssyncadd.s32 $0xFFFFC000  }
0xbf: {  	[spmem:s2] =	stream.indirect.scatter.add.f32 [tilespmem:s26], [sflag:$0x5], $0x80, s23, s24, $0xb8;
	[tilespmem:$0x1E900] =	vst v63  }
0xc0: {  	_ =	swait.ge [sflag:s22], $0x4000  }
0xc1: {  	[sflag:s22] =	ssyncset.done $0x0  }
0xc2: {  	s28 =	sadd.s32 $0x13F00, s0;
	[sflag:s22] =	ssyncadd.s32 $0xFFFFC000  }
0xc3: {  	[tilespmem:s26], [sflag:$0x1] =	stream.indirect.gather [hbm4b:s1+s24], $0x80, s28, s24, $0xb8;
	[tilespmem:$0x1E900] =	vst v63  }
0xc4: {  	_ =	swait.ge [sflag:s31], $0x4000  }
0xc5: {  	[sflag:s31] =	ssyncset.done $0x0  }
0xc6: {  	s11 =	sadd.s32 $0x15680, s0;
	[sflag:s31] =	ssyncadd.s32 $0xFFFFC000  }
0xc7: {  	[spmem:s2] =	stream.indirect.scatter.add.f32 [tilespmem:s29], [sflag:$0x5], $0x80, s11, s24, $0xb8;
	[tilespmem:$0x1E900] =	vst v63  }
0xc8: {  	_ =	swait.ge [sflag:s22], $0x4000  }
0xc9: {  	[sflag:s22] =	ssyncset.done $0x0  }
0xca: {  	s23 =	sadd.s32 $0x13F80, s0;
	[sflag:s22] =	ssyncadd.s32 $0xFFFFC000  }
0xcb: {  	[tilespmem:s29], [sflag:$0x2] =	stream.indirect.gather [hbm4b:s1+s24], $0x80, s23, s24, $0xb8;
	[tilespmem:$0x1E900] =	vst v63  }
0xcc: {  	_ =	swait.ge [sflag:s30], $0x4000  }
0xcd: {  	[sflag:s30] =	ssyncset.done $0x0  }
0xce: {  	s28 =	sadd.s32 $0x15700, s0;
	[sflag:s30] =	ssyncadd.s32 $0xFFFFC000  }
0xcf: {  	[spmem:s2] =	stream.indirect.scatter.add.f32 [tilespmem:s26], [sflag:$0x5], $0x80, s28, s24, $0xb8;
	[tilespmem:$0x1E900] =	vst v63  }
0xd0: {  	_ =	swait.ge [sflag:s22], $0x4000  }
0xd1: {  	[sflag:s22] =	ssyncset.done $0x0  }
0xd2: {  	s11 =	sor.u32 $0x14000, s0;
	[sflag:s22] =	ssyncadd.s32 $0xFFFFC000  }
0xd3: {  	[tilespmem:s26], [sflag:$0x1] =	stream.indirect.gather [hbm4b:s1+s24], $0x80, s11, s24, $0xb8;
	[tilespmem:$0x1E900] =	vst v63  }
0xd4: {  	_ =	swait.ge [sflag:s31], $0x4000  }
0xd5: {  	[sflag:s31] =	ssyncset.done $0x0  }
0xd6: {  	s23 =	sadd.s32 $0x15780, s0;
	[sflag:s31] =	ssyncadd.s32 $0xFFFFC000  }
0xd7: {  	[spmem:s2] =	stream.indirect.scatter.add.f32 [tilespmem:s29], [sflag:$0x5], $0x80, s23, s24, $0xb8;
	[tilespmem:$0x1E900] =	vst v63  }
0xd8: {  	_ =	swait.ge [sflag:s22], $0x4000  }
0xd9: {  	[sflag:s22] =	ssyncset.done $0x0  }
0xda: {  	s28 =	sor.u32 $0x14080, s0;
	[sflag:s22] =	ssyncadd.s32 $0xFFFFC000  }
0xdb: {  	[tilespmem:s29], [sflag:$0x2] =	stream.indirect.gather [hbm4b:s1+s24], $0x80, s28, s24, $0xb8;
	[tilespmem:$0x1E900] =	vst v63  }
0xdc: {  	_ =	swait.ge [sflag:s30], $0x4000  }
0xdd: {  	[sflag:s30] =	ssyncset.done $0x0  }
0xde: {  	s11 =	sadd.s32 $0x15800, s0;
	[sflag:s30] =	ssyncadd.s32 $0xFFFFC000  }
0xdf: {  	[spmem:s2] =	stream.indirect.scatter.add.f32 [tilespmem:s26], [sflag:$0x5], $0x80, s11, s24, $0xb8;
	[tilespmem:$0x1E900] =	vst v63  }
0xe0: {  	_ =	swait.ge [sflag:s22], $0x4000  }
0xe1: {  	[sflag:s22] =	ssyncset.done $0x0  }
0xe2: {  	s23 =	sor.u32 $0x14100, s0;
	[sflag:s22] =	ssyncadd.s32 $0xFFFFC000  }
0xe3: {  	[tilespmem:s26], [sflag:$0x1] =	stream.indirect.gather [hbm4b:s1+s24], $0x80, s23, s24, $0xb8;
	[tilespmem:$0x1E900] =	vst v63  }
0xe4: {  	_ =	swait.ge [sflag:s31], $0x4000  }
0xe5: {  	[sflag:s31] =	ssyncset.done $0x0  }
0xe6: {  	p2 =	slt.u32 s25, $0x5;
	s28 =	sadd.s32 $0x15880, s0;
	[sflag:s31] =	ssyncadd.s32 $0xFFFFC000  }
0xe7: {  	[spmem:s2] =	stream.indirect.scatter.add.f32 [tilespmem:s29], [sflag:$0x5], $0x80, s28, s24, $0xb8;
	[tilespmem:$0x1E900] =	vst v63  }
.Ltmp7:
0xe8: {  	_ = 	snop;
	(pc) =	sbr.rel @!p2 .LBB2_10-.Ltmp7, $4  }
0xe9: {  	_ =	swait.ge [sflag:s22], $0x4000  }
0xea: {  	[sflag:s22] =	ssyncset.done $0x0  }
0xeb: {  	s4 =	smov.u32 s25;
	s0 =	sor.u32 $0x14180, s0;
	[sflag:s22] =	ssyncadd.s32 $0xFFFFC000  }
0xec: {  	[tilespmem:s29], [sflag:$0x2] =	stream.indirect.gather [hbm4b:s1+s24], $0x80, s0, s24, $0xb8;
	[tilespmem:$0x1E900] =	vst v63  }
.LBB2_7:
0xed: {  	p2 =	seq.s32 s4, $0x0  }
0xee: {  	s25 =	simm.s32 @!p2 $0x3;
	p3 =	seq.s32 @!p2 s4, $0x4  }
0xef: {  	_ =	swait.ge @!p2 [sflag:s25], $0xC00;
	p3 =	por p2, !p3  }
.Ltmp8:
0xf0: {  	[sflag:s25] =	ssyncset.done @!p2 $0x0;
	(pc) =	sbr.rel @!p3 .LBB2_9-.Ltmp8, $4  }
0xf1: {  	[sflag:s25] =	ssyncadd.s32 @!p2 $0xFFFFF400  }
0xf2: {  	_ =	swait.ge @!p2 [sflag:s25], $0xC00  }
0xf3: {  	[sflag:s25] =	ssyncset.done @!p2 $0x0  }
0xf4: {  	s0 =	sand.u32 $0x1, s4;
	[sflag:s25] =	ssyncadd.s32 @!p2 $0xFFFFF400;
	s25 =	simm.s32 @!p2 $0x5  }
0xf5: {  	s25 =	sadd.s32 @!p2 $0x1, s4  }
0xf6: {  	s25 =	simm.s32 @p2 $0x1  }
0xf7: {  	s28 =	sxor.u32 $0x1, s0;
	s11 =	sshll.u32 s25, $0xB  }
0xf8: {  	s4 =	smul.u32 $0xC00, s28;
	s11 =	sadd.s32 s16, s11  }
.Ltmp9:
0xf9: {  	s11 =	sshrl.u32 s11, $0x3;
	(pc) =	sbr.rel .LBB2_9-.Ltmp9, $4  }
0xfa: {  	s23 =	sadd.s32 $0x13900, s4;
	s28 =	sadd.s32 s6, s11  }
0xfb: {  	[tilespmem:s23], [sflag:$0x3] =	stream.linear.gather [hbm4b:s28+s3], $0xC00, $0x38;
	[tilespmem:$0x1E900] =	vst v63  }
0xfc: {  	s4 =	sor.u32 $0x15100, s4;
	s11 =	sadd.s32 s7, s11  }
0xfd: {  	[tilespmem:s4], [sflag:$0x3] =	stream.linear.gather [hbm4b:s11+s3], $0xC00, $0x38;
	[tilespmem:$0x1E900] =	vst v63  }
.LBB2_11:
0xfe: {  	_ =	sfence.sel $0x180000  }
0xff: {  	[bflag:$0x0] =	sbarrier.arrive $0xFFFF  }
0x100: {  	_ =	strace $0x90000047  }
0x101: {  	[bflag:$0x2] =	sbarrier.arrive $0xFFFF  }
0x102: {  	p0 =	sne.s32 s5, $0x0;
	s0 =	rddreg [dreg:$0x3]  }
0x103: {  	s0 =	sadd.s32 @!p0 $0x100000, s0  }
0x104: {  	[sflag:s0] =	ssyncadd.tile.s32 @!p0 $0x1;
	_ =	shalt  }
.Lfunc_end2:
_tile_overlayer_lowered:
.L_overlay_start_2:
0x105: {  	(tag) =	ssettag $0x2  }
0x106: {  	s0 =	rddreg [dreg:$0x0];
	s2 =	stileid.u32  }
0x107: {  	s1 =	rddreg [dreg:$0x1];
	p0 =	sne.s32 s2, $0x0  }
0x108: {  	s3 =	rddreg [dreg:$0x2];
	[bflag:$0x3] =	sbarrier.arrive $0xFFFF;
	s2 =	simm.s32 @!p0 $0x1C05  }
0x109: {  	[timem:s3], [sflag:s2] =	dma.local @!p0 [hbm:s0], s1  }
0x10a: {  	s0 =	simm.s32 @!p0 $0x5  }
0x10b: {  	_ =	swait.ge @!p0 [sflag:s0], s1  }
0x10c: {  	s1 =	ssub.s32 @!p0 $0x0, s1;
	[sflag:s0] =	ssyncset.done @!p0 $0x0  }
0x10d: {  	[sflag:s0] =	ssyncadd.s32 @!p0 s1  }
0x10e: {  	[bflag:$0x3] =	sbarrier.arrive $0xFFFF  }
0x10f: {  	_ =	shalt  }

</sc_bundles>
